<compile_context>
chip_gen: v7x
topology: tpu7x:2x2x1
jax: 0.10.2.dev20260603
libtpu: 0.0.44.dev20260713+nightly
codegen_flags: <defaults>
</compile_context>

<pallas_src>
import jax
import jax.numpy as jnp
from jax.experimental import pallas as pl

_N = 65536; _M = 16384; _B = 2; _RVH = 64; _RVW = 2048; _NPP = 2
_RADII = [2.0, 4.0]
_NSAMP = [16, 32]
_DIL = [[1, 1], [2, 2]]
_QR = [[1, 3], [2, 5]]


def _rv_query(src_xyz, dst_xyz, coords, rv_map, radius, nsample, dil, qr):
    b = coords[:, 0]; r = coords[:, 1]; c = coords[:, 2]
    hh = jnp.arange(-qr[0], qr[0] + 1) * dil[0]
    ww = jnp.arange(-qr[1], qr[1] + 1) * dil[1]
    rows = jnp.clip(r[:, None] + hh[None, :], 0, _RVH - 1)
    cols = (c[:, None] + ww[None, :]) % _RVW
    cand = rv_map[b[:, None, None, None], rows[:, :, None, None], cols[:, None, :, None], jnp.arange(_NPP)[None, None, None, :]]
    cand = cand.reshape(cand.shape[0], -1)
    d2 = jnp.sum((src_xyz[cand] - dst_xyz[:, None, :]) ** 2, axis=-1)
    valid = d2 < radius * radius
    score = jnp.where(valid, -d2, -1e10)
    _, pos = jax.lax.top_k(score, nsample)
    sel = jnp.take_along_axis(cand, pos, axis=1)
    selv = jnp.take_along_axis(valid, pos, axis=1)
    first = sel[:, :1]
    idx = jnp.where(selv, sel, first)
    empty = ~selv[:, 0]
    idx = jnp.where(empty[:, None], 0, idx)
    return idx, empty


def _layer(src_xyz, src_feats, dst_xyz, coords, rv_map, fcW, fcb, pW, mWs, radius, nsample, dil, qr):
    cur_i = src_feats @ fcW + fcb
    idx, empty = _rv_query(src_xyz, dst_xyz, coords, rv_map, radius, nsample, dil, qr)
    src_p = jnp.transpose(src_xyz[idx], (0, 2, 1))
    dst_p = jnp.broadcast_to(dst_xyz[:, :, None], (dst_xyz.shape[0], 3, nsample))
    pin = jnp.concatenate([src_p - dst_p, dst_p], axis=1)
    off_p = jax.nn.silu(jnp.einsum('mcn,dc->mdn', pin, pW))
    src_f = jnp.transpose(cur_i[idx], (0, 2, 1))
    x = off_p + src_f
    x = jnp.where(empty[:, None, None], 0.0, x)
    for W in mWs:
        x = jax.nn.relu(jnp.einsum('mcn,dc->mdn', x, W))
    return jnp.max(x, axis=-1, keepdims=True)


def _oc_body(x_ref, w_ref, o_ref):
    o_ref[...] = jax.nn.relu(jnp.dot(x_ref[...], w_ref[...].T))


def kernel(src_xyz, src_feats, dst_xyz, dst_rv_coords, rv_map, fc_W0, fc_b0, p_W0, m_W00, m_W01, fc_W1, fc_b1, p_W1, m_W10, m_W11, oc_W):
    layer_params = [(fc_W0, fc_b0, p_W0, [m_W00, m_W01]), (fc_W1, fc_b1, p_W1, [m_W10, m_W11])]
    outs = []
    for i in range(2):
        fcW, fcb, pW, mWs = layer_params[i]
        outs.append(_layer(src_xyz, src_feats, dst_xyz, dst_rv_coords, rv_map, fcW, fcb, pW, mWs, _RADII[i], _NSAMP[i], _DIL[i], _QR[i]))
    x = jnp.concatenate(outs, axis=1).squeeze(-1)
    out = pl.pallas_call(
        _oc_body,
        grid=(_M // 512,),
        in_specs=[pl.BlockSpec((512, 128), lambda i: (i, 0)),
                  pl.BlockSpec((128, 128), lambda i: (0, 0))],
        out_specs=pl.BlockSpec((512, 128), lambda i: (i, 0)),
        out_shape=jax.ShapeDtypeStruct((_M, 128), jnp.float32),
    )(x, oc_W)
    return out

# --- scband reference (transcript-rebuilt; emitter-appended) ---
"""Pipeline reference for scband-rvsaencoder-52682068853185 (READ-ONLY COPY).

The authoritative reference and input builder live on the scoring server;
editing this copy changes nothing except your own understanding.
"""

import jax, jax.numpy as jnp
import numpy as np

N = 65536; M = 16384; B = 2; RVH = 64; RVW = 2048; NPP = 2
IN_C = 64
D_INS = [32, 32]
D_HID = [[32, 64], [32, 64]]
RADII = [2.0, 4.0]
NSAMP = [16, 32]
DIL = [[1, 1], [2, 2]]
QR = [[1, 3], [2, 5]]


def _rv_query(src_xyz, dst_xyz, coords, rv_map, radius, nsample, dil, qr):
    b = coords[:, 0]; r = coords[:, 1]; c = coords[:, 2]
    hh = jnp.arange(-qr[0], qr[0] + 1) * dil[0]
    ww = jnp.arange(-qr[1], qr[1] + 1) * dil[1]
    rows = jnp.clip(r[:, None] + hh[None, :], 0, RVH - 1)
    cols = (c[:, None] + ww[None, :]) % RVW
    cand = rv_map[b[:, None, None, None], rows[:, :, None, None], cols[:, None, :, None], jnp.arange(NPP)[None, None, None, :]]
    cand = cand.reshape(cand.shape[0], -1)
    d2 = jnp.sum((src_xyz[cand] - dst_xyz[:, None, :]) ** 2, axis=-1)
    valid = d2 < radius * radius
    score = jnp.where(valid, -d2, -1e10)
    _, pos = jax.lax.top_k(score, nsample)
    sel = jnp.take_along_axis(cand, pos, axis=1)
    selv = jnp.take_along_axis(valid, pos, axis=1)
    first = sel[:, :1]
    idx = jnp.where(selv, sel, first)
    empty = ~selv[:, 0]
    idx = jnp.where(empty[:, None], 0, idx)
    return idx, empty


def _layer(src_xyz, src_feats, dst_xyz, coords, rv_map, fcW, fcb, pW, mWs, radius, nsample, dil, qr):
    cur_i = src_feats @ fcW + fcb
    idx, empty = _rv_query(src_xyz, dst_xyz, coords, rv_map, radius, nsample, dil, qr)
    src_p = jnp.transpose(src_xyz[idx], (0, 2, 1))
    dst_p = jnp.broadcast_to(dst_xyz[:, :, None], (dst_xyz.shape[0], 3, nsample))
    pin = jnp.concatenate([src_p - dst_p, dst_p], axis=1)
    off_p = jax.nn.silu(jnp.einsum('mcn,dc->mdn', pin, pW))
    src_f = jnp.transpose(cur_i[idx], (0, 2, 1))
    x = off_p + src_f
    x = jnp.where(empty[:, None, None], 0.0, x)
    for W in mWs:
        x = jax.nn.relu(jnp.einsum('mcn,dc->mdn', x, W))
    return jnp.max(x, axis=-1, keepdims=True)


def _forward(src_xyz, src_feats, dst_xyz, coords, rv_map, layer_params, oc_W):
    outs = []
    for i in range(2):
        fcW, fcb, pW, mW0, mW1 = layer_params[i]
        outs.append(_layer(src_xyz, src_feats, dst_xyz, coords, rv_map, fcW, fcb, pW, [mW0, mW1], RADII[i], NSAMP[i], DIL[i], QR[i]))
    x = jnp.concatenate(outs, axis=1)
    x = jax.nn.relu(jnp.einsum('mcn,dc->mdn', x, oc_W))
    return x.squeeze(-1)


def setup_inputs(seed: int = 0):
    key = jax.random.key(seed)
    ks = jax.random.split(key, 16)
    inp = {}
    inp['src_xyz'] = jax.random.normal(ks[0], (N, 3), jnp.float32)
    inp['src_feats'] = jax.random.normal(ks[1], (N, IN_C), jnp.float32)
    inp['dst_xyz'] = jax.random.normal(ks[2], (M, 3), jnp.float32)
    inp['dst_rv_coords'] = jax.random.randint(ks[3], (M, 3), 0, 2).astype(jnp.int32)
    inp['rv_map'] = jax.random.randint(ks[4], (B, RVH, RVW, NPP), 0, N).astype(jnp.int32)
    k = 5
    for i in range(2):
        d = D_INS[i]
        inp['fc_W%d' % i] = jax.random.normal(ks[k], (IN_C, d), jnp.float32) * 0.05; k += 1
        inp['fc_b%d' % i] = jnp.zeros((d,), jnp.float32)
        inp['p_W%d' % i] = jax.random.normal(ks[k], (d, 6), jnp.float32) * 0.05; k += 1
        inp['m_W%d0' % i] = jax.random.normal(ks[k], (D_HID[i][0], d), jnp.float32) * 0.05; k += 1
        inp['m_W%d1' % i] = jax.random.normal(ks[k], (D_HID[i][1], D_HID[i][0]), jnp.float32) * 0.05; k += 1
    inp['oc_W'] = jax.random.normal(ks[k], (128, 128), jnp.float32) * 0.05
    return inp


def reference(src_xyz, src_feats, dst_xyz, dst_rv_coords, rv_map, fc_W0, fc_b0, p_W0, m_W00, m_W01, fc_W1, fc_b1, p_W1, m_W10, m_W11, oc_W):
    layer_params = [(fc_W0, fc_b0, p_W0, m_W00, m_W01), (fc_W1, fc_b1, p_W1, m_W10, m_W11)]
    return _forward(src_xyz, src_feats, dst_xyz, dst_rv_coords, rv_map, layer_params, oc_W)

if __name__ == "__main__":
    import jax
    _d = setup_inputs()
    print(jax.jit(kernel)(*tuple(_d.values())))

</pallas_src>

<mosaic_0001>
module attributes {stable_mosaic.version = 14 : i64} {
  func.func @_oc_body(%arg0: i32, %arg1: memref<512x128xf32, #tpu.memory_space<vmem>>, %arg2: memref<128x128xf32, #tpu.memory_space<vmem>>, %arg3: memref<512x128xf32, #tpu.memory_space<vmem>>) attributes {dimension_semantics = [#tpu.dimension_semantics<arbitrary>], iteration_bounds = array<i64: 32>, scalar_prefetch = 0 : i64, scratch_operands = 0 : i64, tpu.core_type = #tpu.core_type<tc>, window_params = [{transform_indices = @transform_0, window_bounds = array<i64: 512, 128>}, {pipeline_mode = #tpu.pipeline_mode<synchronous>, transform_indices = @transform_1, window_bounds = array<i64: 128, 128>}, {transform_indices = @transform_2, window_bounds = array<i64: 512, 128>}]} {
    %get3A = arith.constant 0 : index
    %get3A_0 = arith.constant 0 : index
    %get3A_1 = vector.load %arg1[%get3A, %get3A_0] : memref<512x128xf32, #tpu.memory_space<vmem>>, vector<512x128xf32>
    %get3A_2 = arith.constant 0 : index
    %get3A_3 = arith.constant 0 : index
    %get3A_4 = vector.load %arg2[%get3A_2, %get3A_3] : memref<128x128xf32, #tpu.memory_space<vmem>>, vector<128x128xf32>
    %transpose3A = tpu.transpose %get3A_4, [1, 0] : vector<128x128xf32> -> vector<128x128xf32>
    %dot_general3A = arith.constant dense<0.000000e+00> : vector<512x128xf32>
    %dot_general3A_5 = tpu.matmul %get3A_1, %transpose3A, %dot_general3A {dimension_numbers = #tpu.dot_dimension_numbers<[1], [0], [0], [1], [0, 0, 1, 1], [], []>, transpose_lhs_hint = false} : vector<512x128xf32>, vector<128x128xf32>, vector<512x128xf32> -> vector<512x128xf32>
    %max3A = arith.constant 0.000000e+00 : f32
    %max3A_6 = vector.broadcast %max3A : f32 to vector<512x128xf32>
    %max3A_7 = arith.maximumf %dot_general3A_5, %max3A_6 : vector<512x128xf32>
    %swap3A = arith.constant 0 : index
    %swap3A_8 = arith.constant 0 : index
    %swap3A_9 = vector.load %arg3[%swap3A, %swap3A_8] : memref<512x128xf32, #tpu.memory_space<vmem>>, vector<512x128xf32>
    tpu.vector_store %arg3[%swap3A, %swap3A_8], %max3A_7 {strides = array<i32>} : memref<512x128xf32, #tpu.memory_space<vmem>>, vector<512x128xf32>,
    return
  }
  func.func @transform_0(%arg0: i32) -> (i32, i32) {
    %c0_i32 = arith.constant 0 : i32
    %c0_i32_0 = arith.constant 0 : i32
    return %arg0, %c0_i32 : i32, i32
  }
  func.func @transform_1(%arg0: i32) -> (i32, i32) {
    %c0_i32 = arith.constant 0 : i32
    %c0_i32_0 = arith.constant 0 : i32
    %c0_i32_1 = arith.constant 0 : i32
    return %c0_i32, %c0_i32_0 : i32, i32
  }
  func.func @transform_2(%arg0: i32) -> (i32, i32) {
    %c0_i32 = arith.constant 0 : i32
    %c0_i32_0 = arith.constant 0 : i32
    return %arg0, %c0_i32 : i32, i32
  }
}

</mosaic_0001>

<sc_bundles>
// kernel: gather_offload_async_start.1
scs
__scs_entry_jumppad:
0x0: {  	(pc) =	sbr.rel $0x88, $3  }
0x1: {  	(tag) =	ssettag $0x0;
	lr =	simm.s32 $0x1  }
0x2: {  	[smem:$0x3F91] =	sst lr;
	_ =	strace $0xD0000000  }
0x3: {  	_ = 	snop  }
0x4: {  	_ = 	snop  }
0x5: {  	_ = 	snop  }
0x6: {  	_ = 	snop  }
0x7: {  	_ = 	snop  }
__scs_overlays_trampoline_lowered:
0x8: {  	[smem:$0x3FA0] =	sst s0  }
0x9: {  	[smem:$0x3FA1] =	sst s1  }
0xa: {  	[smem:$0x3FA2] =	sst s2  }
0xb: {  	[smem:$0x3FA3] =	sst s3  }
0xc: {  	[smem:$0x3FA4] =	sst s4  }
0xd: {  	[smem:$0x3FA5] =	sst s5  }
0xe: {  	[smem:$0x3FA6] =	sst s6  }
0xf: {  	[smem:$0x3FA7] =	sst s7  }
0x10: {  	[smem:$0x3FA8] =	sst s8  }
0x11: {  	[smem:$0x3FA9] =	sst s9;
	s0 =	simm.s32 @!p0 $0x0  }
0x12: {  	s1 =	sld [smem:$0x3F8F];
	s0 =	simm.s32 @p0 $0x1  }
0x13: {  	[smem:$0x3FAA] =	sst s0;
	s0 =	simm.s32 @!p1 $0x0  }
0x14: {  	s2 =	sld [smem:$0x3F8E];
	s0 =	simm.s32 @p1 $0x1  }
0x15: {  	[smem:$0x3FAB] =	sst s0;
	s0 =	simm.s32 @!p2 $0x0  }
0x16: {  	s3 =	sld [smem:$0x3FDB];
	s0 =	simm.s32 @p2 $0x1  }
0x17: {  	s4 =	simm.s32 $0x1BF5;
	[smem:$0x3FAD] =	sst s0  }
0x18: {  	s0 =	sld [smem:$0x3F90];
	_ =	swait.ge [sflag:s4], $0x0  }
0x19: {  	s7 =	sld [smem:$0x3F91]  }
0x1a: {  	s8 =	sadd.s32 $0xFFFFE003, lr  }
0x1b: {  	s9 =	sadd.s32 $0xFFFFFEF7, lr;
	s5 =	simm.s32 $0xFFFFFFFF;
	p2 =	slt.u32 s8, $0xFFFFF086  }
0x1c: {  	p1 =	slt.u32 s9, $0xF7A;
	s5 =	simm.s32 @!p2 $0x0  }
0x1d: {  	s5 =	simm.s32 @p1 $0x1;
	p0 =	seq.s32 s7, s2  }
0x1e: {  	s7 =	smul.u32 @!p0 $0xF7A, s2;
	p2 =	seq.s32 @!p0 s5, $0x0  }
0x1f: {  	s9 =	smul.u32 $0xF7A, s1;
	s8 =	simm.s32 @!p0 $0x1BF5;
	p2 =	por !p2, p0  }
0x20: {  	[sflag:s8] =	ssyncset.s32 @!p0 $0xFFFFF086;
	s6 =	sadd.s32 @!p0 s3, s7;
	s7 =	simm.s32 @!p0 $0x108  }
0x21: {  	s3 =	sadd.s32 s3, s9;
	s6 =	sadd.s32 @!p0 $0x88, s6;
	s7 =	simm.s32 @p2 $0x1082  }
0x22: {  	[simem:s7], [sflag:s8] =	dma.local @!p0 [hbm:s6], $0xF7A  }
0x23: {  	s9 =	sor.u32 $0xD0000000, s2;
	s6 =	simm.s32 $0x108;
	_ =	swait.ge @!p0 [sflag:s8], $0x0  }
0x24: {  	s3 =	sadd.s32 $0x88, s3;
	s6 =	simm.s32 @!p1 $0x1082;
	[sflag:s4] =	ssyncset.s32 $0xFFFFF086  }
0x25: {  	[simem:s6], [sflag:s4] =	dma.local [hbm:s3], $0xF7A  }
0x26: {  	[smem:$0x3F91] =	sst s1;
	(tag) =	ssettag s2;
	_ =	strace s9  }
0x27: {  	s1 =	sld [smem:$0x3FA1]  }
0x28: {  	s2 =	sld [smem:$0x3FA2]  }
0x29: {  	s4 =	sld [smem:$0x3FA4]  }
0x2a: {  	p0 =	seq.s32 s5, $0x0;
	s5 =	sld [smem:$0x3FA5]  }
0x2b: {  	s6 =	sld [smem:$0x3FA6]  }
0x2c: {  	s7 =	sld [smem:$0x3FA7]  }
0x2d: {  	s3 =	simm.s32 $0x108;
	s8 =	sld [smem:$0x3FA8]  }
0x2e: {  	s3 =	simm.s32 @!p0 $0x1082;
	s9 =	sld [smem:$0x3FA9]  }
0x2f: {  	lr =	sadd.s32 s0, s3;
	s0 =	sld [smem:$0x3FA0]  }
0x30: {  	s3 =	sld [smem:$0x3FA3]  }
0x31: {  	[smem:$0x3FAC] =	sst s10  }
0x32: {  	s10 =	sld [smem:$0x3FAA];
	_ =	sdelay $0x3  }
0x33: {  	p0 =	seq.s32 s10, $0x1;
	s10 =	sld [smem:$0x3FAC];
	_ =	sdelay $0x3  }
0x34: {  	[smem:$0x3FAC] =	sst s10  }
0x35: {  	s10 =	sld [smem:$0x3FAB];
	_ =	sdelay $0x3  }
0x36: {  	p1 =	seq.s32 s10, $0x1;
	s10 =	sld [smem:$0x3FAC];
	_ =	sdelay $0x3  }
0x37: {  	[smem:$0x3FAC] =	sst s10  }
0x38: {  	s10 =	sld [smem:$0x3FAD]  }
0x39: {  	_ = 	snop;
	(pc) =	sbr.ind lr, $3  }
0x3a: {  	_ = 	snop  }
0x3b: {  	_ = 	snop  }
0x3c: {  	p2 =	seq.s32 s10, $0x1;
	s10 =	sld [smem:$0x3FAC]  }
0x3d: {  	_ =	shalt  }
0x3e: {  	_ =	shalt  }
0x3f: {  	_ =	shalt  }
0x40: {  	_ =	shalt  }
0x41: {  	_ =	shalt  }
0x42: {  	_ =	shalt  }
0x43: {  	_ =	shalt  }
0x44: {  	_ =	shalt  }
0x45: {  	_ =	shalt  }
0x46: {  	_ =	shalt  }
0x47: {  	_ =	shalt  }
0x48: {  	_ =	shalt  }
0x49: {  	_ =	shalt  }
0x4a: {  	_ =	shalt  }
0x4b: {  	_ =	shalt  }
0x4c: {  	_ =	shalt  }
0x4d: {  	_ =	shalt  }
0x4e: {  	_ =	shalt  }
0x4f: {  	_ =	shalt  }
0x50: {  	_ =	shalt  }
0x51: {  	_ =	shalt  }
0x52: {  	_ =	shalt  }
0x53: {  	_ =	shalt  }
0x54: {  	_ =	shalt  }
0x55: {  	_ =	shalt  }
0x56: {  	_ =	shalt  }
0x57: {  	_ =	shalt  }
0x58: {  	_ =	shalt  }
0x59: {  	_ =	shalt  }
0x5a: {  	_ =	shalt  }
0x5b: {  	_ =	shalt  }
0x5c: {  	_ =	shalt  }
0x5d: {  	_ =	shalt  }
0x5e: {  	_ =	shalt  }
0x5f: {  	_ =	shalt  }
0x60: {  	_ =	shalt  }
0x61: {  	_ =	shalt  }
0x62: {  	_ =	shalt  }
0x63: {  	_ =	shalt  }
0x64: {  	_ =	shalt  }
0x65: {  	_ =	shalt  }
0x66: {  	_ =	shalt  }
0x67: {  	_ =	shalt  }
0x68: {  	_ =	shalt  }
0x69: {  	_ =	shalt  }
0x6a: {  	_ =	shalt  }
0x6b: {  	_ =	shalt  }
0x6c: {  	_ =	shalt  }
0x6d: {  	_ =	shalt  }
0x6e: {  	_ =	shalt  }
0x6f: {  	_ =	shalt  }
0x70: {  	_ =	shalt  }
0x71: {  	_ =	shalt  }
0x72: {  	_ =	shalt  }
0x73: {  	_ =	shalt  }
0x74: {  	_ =	shalt  }
0x75: {  	_ =	shalt  }
0x76: {  	_ =	shalt  }
0x77: {  	_ =	shalt  }
0x78: {  	_ =	shalt  }
0x79: {  	_ =	shalt  }
0x7a: {  	_ =	shalt  }
0x7b: {  	_ =	shalt  }
0x7c: {  	_ =	shalt  }
0x7d: {  	_ =	shalt  }
0x7e: {  	_ =	shalt  }
0x7f: {  	_ =	shalt  }
0x80: {  	_ =	shalt  }
0x81: {  	_ =	shalt  }
0x82: {  	_ =	shalt  }
0x83: {  	_ =	shalt  }
0x84: {  	_ =	shalt  }
0x85: {  	_ =	shalt  }
0x86: {  	_ =	shalt  }
0x87: {  	_ =	shalt  }
.Lfunc_end0:
.L_simem_size_0:
called_computation.3_lowered:
.L_overlay_start_0:
0x88: {  	s2 =	sld [smem:$0x3FD9]  }
0x89: {  	s3 =	sld [smem:$0x3FFE];
	_ =	sdelay $0x1  }
0x8a: {  	s1 =	srdreg.scid  }
0x8b: {  	s0 =	sand.u32 $0x1, s1  }
0x8c: {  	s16 =	sshll.u32 s0, $0xA;
	s2 =	sadd.s32 s3, s2  }
0x8d: {  	s2 =	sadd.s32 s2, s16  }
0x8e: {  	[smem:$0x3FB8] =	sst s2  }
0x8f: {  	_ = 	snop  }
0x90: {  	(tm) =	ssettm $0x1  }
0x91: {  	s17 =	sld [smem:$0x3FFB];
	_ =	sdelay $0x3  }
0x92: {  	_ =	strace s17  }
0x93: {  	s2 =	sld [smem:$0x3FFC];
	_ =	sdelay $0x3  }
0x94: {  	_ =	strace s2  }
0x95: {  	s2 =	sld [smem:$0x3FFD];
	_ =	sdelay $0x3  }
0x96: {  	_ =	strace s2  }
0x97: {  	_ =	strace $0x8FFFFFFF  }
0x98: {  	s18 =	sld [smem:$0x3FDB];
	_ =	sdelay $0x1  }
0x99: {  	s19 =	simm.s32 $_scs_section_size  }
0x9a: {  	s4 =	simm.s32 $_size__tile_overlayer_lowered;
	s5 =	simm.s32 $_tile_overlayer_lowered  }
0x9b: {  	s22 =	simm.s32 $0x1BFF;
	s21 =	sshll.u32 s5, $0x1;
	s2 =	sadd.s32 s19, s18  }
0x9c: {  	s6 =	simm.s32 $0x0;
	s20 =	sshll.u32 s4, $0x1;
	s4 =	sadd.s32 s21, s2  }
0x9d: {  	[timem:s6], [sflag:s22] =	dma.local [hbm:s4], s20  }
0x9e: {  	_ =	swait.ge [sflag:s22], s20  }
0x9f: {  	s3 =	ssub.s32 $0x0, s20;
	[sflag:s22] =	ssyncset.done $0x0  }
0xa0: {  	[sflag:s22] =	ssyncadd.s32 s3;
	_ =	sdelay $0x1  }
0xa1: {  	s23 =	simm.s32 $0x1B8B  }
0xa2: {  	_ =	swait.ge [sflag:s23], $0x1  }
0xa3: {  	[sflag:s23] =	ssyncset.done $0x0  }
0xa4: {  	s25 =	simm.s32 $0x1B8E;
	s24 =	sld [smem:$0x3FFE];
	[sflag:s23] =	ssyncadd.s32 $0xFFFFFFFF  }
0xa5: {  	s26 =	simm.s32 $execute0_lowered;
	[smem:$0x3FD2] =	sst s25  }
0xa6: {  	s4 =	sshll.u32 s26, $0x1;
	_ =	strace $0x80000052;
	[dreg:$0x1] =	wrdreg $0xFFFFFFFF  }
0xa7: {  	s28 =	simm.s32 $_size_execute0_lowered;
	s2 =	sadd.s32 s2, s4;
	[dreg:$0x0] =	wrdreg $0x0  }
0xa8: {  	s4 =	sshll.u32 s28, $0x1;
	[dreg:$0x2] =	wrdreg s2  }
0xa9: {  	[dreg:$0x3] =	wrdreg s4  }
0xaa: {  	[dreg:$0x4] =	wrdreg $0xC0  }
0xab: {  	_ =	task [dreg:s6], $0x5FFFF  }
0xac: {  	[dreg:$0x1] =	wrdreg $0xFFFFFFFF  }
0xad: {  	[dreg:$0x0] =	wrdreg $0x60  }
0xae: {  	[dreg:$0x2] =	wrdreg s24  }
0xaf: {  	[dreg:$0x3] =	wrdreg $0x9  }
0xb0: {  	_ =	task.clear_ibuf [dreg:s6], $0x4FFFF;
	_ =	strace $0x90000052  }
0xb1: {  	s29 =	simm.s32 $0x9;
	_ =	strace $0x80000054  }
0xb2: {  	_ =	swait.ge [sflag:s29], $0x1  }
0xb3: {  	[sflag:s29] =	ssyncadd.s32 $0xFFFFFFFF  }
0xb4: {  	_ =	strace $0x90000054  }
0xb5: {  	_ =	sfence  }
0xb6: {  	s30 =	sld [smem:$0x0];
	_ =	sdelay $0x2  }
0xb7: {  	s31 =	sshll.u32 s1, $0xD;
	s1 =	sshrl.u32 s1, $0x2  }
0xb8: {  	s3 =	sand.u32 $0x4000, s31;
	s1 =	sadd.s32 s1, s30  }
0xb9: {  	s0 =	sor.u32 s3, s0;
	s1 =	sshll.u32 s1, $0x11  }
0xba: {  	s0 =	sor.u32 s1, s0  }
0xbb: {  	s0 =	sadd.s32 $0x8F2B, s0  }
0xbc: {  	[sflag:s0] =	ssyncadd.remote.s32 $0x1  }
0xbd: {  	_ =	sfence.sel $0xFFFF  }
0xbe: {  	[dreg:$0x0] =	wrdreg $0xFFFFFFFF;
	(pc) =	sbr.abs _section_cstart, $3  }
0xbf: {  	[dreg:$0x1] =	wrdreg $0xFFFFFFFF  }
0xc0: {  	_ =	task.clear_ibuf [dreg:s6], $0x2FFFF;
	_ =	strace $0x9FFFFFFF  }
0xc1: {  	(tm) =	ssettm $0x7FFFFFFF  }
tec
execute0_lowered:
.L_overlay_start_1:
0x0: {  	(tag) =	ssettag $0x1  }
0x1: {  	s1 =	rddreg [dreg:$0x0]  }
0x2: {  	s0 =	rddreg [dreg:$0x1];
	_ =	strace $0x80000053  }
0x3: {  	s5 =	simm.s32 $0x1;
	s6 =	srdreg.scid;
	s9 =	simm.s32 $0x4  }
0x4: {  	s13 =	simm.s32 $0x0;
	s10 =	simm.s32 $0x0;
	s2 =	sadd.s32 $0x10C00, s1  }
0x5: {  	s3 =	sadd.s32 $0x9AC00, s1;
	s4 =	sadd.s32 $0xAAC00, s1;
	s31 =	sshll.u32 s6, $0x4  }
.Ltmp0:
0x6: {  	s1 =	stileid.u32;
	s6 =	sand.u32 $0x10, s31;
	(pc) =	sbr.rel .LBB2_1-.Ltmp0, $4  }
0x7: {  	[sflag:s5] =	ssyncpa.u1 $0x0;
	s5 =	simm.s32 $0x2;
	s7 =	sor.u32 s1, s6  }
0x8: {  	[sflag:s5] =	ssyncpa.u1 $0x0;
	s6 =	simm.s32 $0x3;
	s7 =	sshll.u32 s7, $0xD  }
0x9: {  	s11 =	simm.s32 $0x0;
	[sflag:s6] =	ssyncpa.u1 $0x0;
	s8 =	sadd.s32 $0x2000, s7  }
0xa: {  	v0 =	vlaneseq.u32;
	vm0 =	vmmov $0xffff;
	[sflag:s9] =	ssyncpa.u1 $0x0;
	s9 =	simm.s32 $0x0;
	s12 =	smov.u32 s7  }
.LBB2_3:
0xb: {  	s13 =	sshrl.u32 s12, $0x3  }
0xc: {  	s14 =	sand.u32 $0x7, s12;
	s13 =	sadd.s32 s3, s13  }
0xd: {  	[tilespmem:s9], [sflag:$0x2] =	stream.linear.gather [hbm4b:s13+s14], $0x2000, $0x38;
	[tilespmem:$0xB000] =	vst v63  }
.LBB2_10:
0xe: {  	s14 =	sadd.s32 $0x2000, s12  }
0xf: {  	s15 =	smov.u32 s7;
	p0 =	slt.s32 s14, s8  }
0x10: {  	s13 =	smov.u32 s10;
	s15 =	smov.u32 @p0 s14  }
0x11: {  	s10 =	smov.u32 s12;
	s11 =	sadd.s32 $0x1, s11;
	s12 =	smov.u32 s15  }
.LBB2_1:
0x12: {  	p0 =	sgt.s32 s11, $0x1  }
.Ltmp1:
0x13: {  	_ = 	snop;
	(pc) =	sbr.rel @p0 .LBB2_11-.Ltmp1, $1  }
0x14: {  	_ =	sdelay $0x3  }
0x15: {  	p0 =	seq.s32 s11, $0x0  }
.Ltmp2:
0x16: {  	_ = 	snop;
	(pc) =	sbr.rel @p0 .LBB2_3-.Ltmp2, $1  }
0x17: {  	_ =	sdelay $0x3  }
0x18: {  	_ =	swait.ge [sflag:s5], $0x2000  }
0x19: {  	s15 =	simm.s32 $0x0;
	[sflag:s5] =	ssyncset.done $0x0  }
0x1a: {  	[sflag:s5] =	ssyncadd.s32 $0xFFFFE000;
	(ifvalue) =	ssetifvalue $0x7FFFFFFF;
	v1 =	vld.msk [tilespmem:s15+$0x0 ss:$0x1], $0xffff;
	_ =	sdelay $0x4  }
0x1b: {  	s16 =	ssub.s32 $0x40000, s10;
	vm1 =	veq.s32 v1, $0x80000000;
	v2 =	vand.u32 $0x3FFF, v1;
	v1 =	vshrl.u32 v1, $0xE  }
0x1c: {  	s13 =	simm.s32 $0x10;
	p0 =	slt.s32 s16, $0x2000;
	v3 =	vsel vm1, $0xFFFFFFFF, v2;
	v1 =	vand.u32 $0x3F, v1  }
0x1d: {  	s16 =	simm.s32 @!p0 $0x2000;
	v6 =	vld.msk [tilespmem:s13+$0x0 ss:$0x1], $0xffff;
	v1 =	vsel vm1, $0xFFFFFFFF, v1;
	v2 =	vshll.u32 v3, $0x7  }
0x1e: {  	p0 =	sgt.s32 s16, $0x0;
	s14 =	smov.u32 s16;
	v4 =	vand.u32 $0xFFFFFC00, v2;
	v5 =	vand.u32 $0xFFFFFC00, v1  }
0x1f: {  	s14 =	simm.s32 @!p0 $0x0;
	v2 =	vand.u32 $0x200, v2;
	v1 =	vshll.u32 v1, $0x2;
	v4 =	vadd.s32 v5, v4  }
0x20: {  	s14 =	smin.u32 s14, $0x10;
	v1 =	vand.u32 $0x1FC, v1;
	v2 =	vor.u32 v2, v4  }
0x21: {  	v4 =	vmov s14;
	v1 =	vor.u32 v1, v2  }
0x22: {  	v5 =	vshrl.u32 v6, $0xE;
	vm1 =	vgt.u32 v4, v0;
	v1 =	vshrl.u32 v1, $0x2  }
0x23: {  	s14 =	simm.s32 $0x20;
	v4 =	vnsel vm1, $0x7FFFFFFF, v1;
	vm1 =	veq.s32 v6, $0x80000000;
	v1 =	vand.u32 $0x3FFF, v6  }
0x24: {  	s16 =	sadd.s32 $0xFFFFFFF0, s16;
	v5 =	vand.u32 $0x3F, v5;
	v2 =	vld.msk [tilespmem:s14+$0x0 ss:$0x1], $0xffff;
	v1 =	vsel vm1, $0xFFFFFFFF, v1  }
0x25: {  	p0 =	sgt.s32 s16, $0x0;
	s17 =	smov.u32 s16;
	v3 =	vand.u32 $0x3, v3;
	v5 =	vsel vm1, $0xFFFFFFFF, v5;
	v63 =	vshll.u32 v1, $0x7  }
0x26: {  	s17 =	simm.s32 @!p0 $0x0;
	[tilespmem:s15+$0x0] =	vst v3;
	v7 =	vand.u32 $0xFFFFFC00, v5;
	v3 =	vand.u32 $0xFFFFFC00, v63  }
0x27: {  	s17 =	smin.u32 s17, $0x10;
	s15 =	simm.s32 $0x6000;
	(ifvalue) =	ssetifvalue $0x7FFFFFFF;
	v5 =	vshll.u32 v5, $0x2;
	v6 =	vand.u32 $0x200, v63;
	v3 =	vadd.s32 v7, v3  }
0x28: {  	v5 =	vand.u32 $0x1FC, v5;
	[tilespmem:s15], [sflag:$0x3] =	stream.indirect_vreg.gather [hbm4b:s2+s9], $0x1, v4, vm0, $0x4038;
	v4 =	vmov s17;
	v3 =	vor.u32 v6, v3;
	[tilespmem:$0xB000] =	vst v63  }
0x29: {  	s18 =	simm.s32 $0x30;
	vm2 =	veq.s32 v2, $0x80000000;
	s17 =	simm.s32 $0x20;
	vm1 =	vgt.u32 v4, v0;
	v3 =	vor.u32 v5, v3  }
.LBB2_5:
0x2a: {  	s19 =	smov.u32 s13  }
0x2b: {  	v4 =	vand.u32 $0x3FFF, v2;
	v5 =	vshrl.u32 v2, $0xE;
	v2 =	vld.msk [tilespmem:s18+$0x0 ss:$0x1], $0xffff;
	v3 =	vshrl.u32 v3, $0x2;
	s13 =	smov.u32 s14;
	s14 =	smov.u32 s18;
	s17 =	sadd.s32 $0x10, s17  }
0x2c: {  	s16 =	sadd.s32 $0xFFFFFFF0, s16;
	v4 =	vsel vm2, $0xFFFFFFFF, v4;
	v5 =	vand.u32 $0x3F, v5;
	v6 =	vnsel vm1, $0x7FFFFFFF, v3;
	p0 =	slt.u32 s17, $0x1FF0  }
.Ltmp3:
0x2d: {  	p1 =	sgt.s32 s16, $0x0;
	s20 =	smov.u32 s16;
	v3 =	vsel vm2, $0xFFFFFFFF, v5;
	v5 =	vshll.u32 v4, $0x7;
	(pc) =	sbr.rel @p0 .LBB2_5-.Ltmp3, $4  }
0x2e: {  	v9 =	vand.u32 $0x3, v1;
	s20 =	simm.s32 @!p1 $0x0;
	v1 =	vmovc v4;
	v7 =	vand.u32 $0xFFFFFC00, v5;
	v8 =	vand.u32 $0xFFFFFC00, v3  }
0x2f: {  	s20 =	smin.u32 s20, $0x10;
	v5 =	vand.u32 $0x200, v5;
	v3 =	vshll.u32 v3, $0x2;
	v4 =	vadd.s32 v8, v7  }
0x30: {  	s18 =	sadd.s32 $0x10, s18;
	s15 =	sadd.s32 $0x10, s15;
	v7 =	vmov s20;
	v3 =	vand.u32 $0x1FC, v3;
	v4 =	vor.u32 v5, v4;
	[tilespmem:s19+$0x0] =	vst v9;
	(ifvalue) =	ssetifvalue $0x7FFFFFFF  }
0x31: {  	vm2 =	veq.s32 v2, $0x80000000;
	vm1 =	vgt.u32 v7, v0;
	v3 =	vor.u32 v3, v4;
	[tilespmem:s15], [sflag:$0x3] =	stream.indirect_vreg.gather [hbm4b:s2+s9], $0x1, v6, vm0, $0x4038;
	[tilespmem:$0xB000] =	vst v63  }
0x32: {  	v4 =	vand.u32 $0x3FFF, v2;
	v2 =	vshrl.u32 v2, $0xE  }
0x33: {  	v4 =	vsel vm2, $0xFFFFFFFF, v4;
	v2 =	vand.u32 $0x3F, v2  }
0x34: {  	s16 =	sadd.s32 $0xFFFFFFF0, s16;
	v2 =	vsel vm2, $0xFFFFFFFF, v2;
	v5 =	vshll.u32 v4, $0x7  }
0x35: {  	p0 =	sgt.s32 s16, $0x0;
	v6 =	vand.u32 $0xFFFFFC00, v5;
	v7 =	vand.u32 $0xFFFFFC00, v2  }
0x36: {  	s16 =	simm.s32 @!p0 $0x0;
	v5 =	vand.u32 $0x200, v5;
	v2 =	vshll.u32 v2, $0x2;
	v6 =	vadd.s32 v7, v6  }
0x37: {  	v3 =	vshrl.u32 v3, $0x2;
	s16 =	smin.u32 s16, $0x10;
	v2 =	vand.u32 $0x1FC, v2;
	v5 =	vor.u32 v5, v6  }
0x38: {  	v3 =	vnsel vm1, $0x7FFFFFFF, v3;
	v63 =	vmov s16;
	v2 =	vor.u32 v2, v5  }
0x39: {  	vm1 =	vgt.u32 v63, v0;
	v2 =	vshrl.u32 v2, $0x2  }
0x3a: {  	v2 =	vnsel vm1, $0x7FFFFFFF, v2  }
.Ltmp4:
0x3b: {  	v1 =	vand.u32 $0x3, v1;
	(pc) =	sbr.rel .LBB2_10-.Ltmp4, $4  }
0x3c: {  	s31 =	sadd.s32 $0x10, s15;
	[tilespmem:s13+$0x0] =	vst v1;
	(ifvalue) =	ssetifvalue $0x7FFFFFFF  }
0x3d: {  	v1 =	vand.u32 $0x3, v4;
	[tilespmem:s31], [sflag:$0x3] =	stream.indirect_vreg.gather [hbm4b:s2+s9], $0x1, v3, vm0, $0x4038;
	[tilespmem:$0xB000] =	vst v63  }
0x3e: {  	s13 =	sadd.s32 $0x10, s31;
	[tilespmem:s14+$0x0] =	vst v1;
	(ifvalue) =	ssetifvalue $0x7FFFFFFF  }
0x3f: {  	[tilespmem:s13], [sflag:$0x3] =	stream.indirect_vreg.gather [hbm4b:s2+s9], $0x1, v2, vm0, $0x4038;
	[tilespmem:$0xB000] =	vst v63  }
.LBB2_11:
0x40: {  	p0 =	seq.s32 s11, $0x2  }
.Ltmp5:
0x41: {  	_ = 	snop;
	(pc) =	sbr.rel @!p0 .LBB2_12-.Ltmp5, $1  }
0x42: {  	_ =	sdelay $0x3  }
0x43: {  	s15 =	sshll.u32 s11, $0xF  }
0x44: {  	s14 =	sand.u32 $0x1, s11;
	s15 =	sshra.s32 s15, $0x2  }
0x45: {  	s16 =	sshll.u32 s14, $0xD;
	s17 =	sadd.s32 $0xFFFFC000, s15  }
0x46: {  	s16 =	sadd.s32 $0x6000, s16;
	v2 =	vmov s17  }
0x47: {  	_ =	swait.ge [sflag:s6], $0x2000;
	s14 =	sshll.u32 s14, $0xB;
	v1 =	vmov s16  }
0x48: {  	[sflag:s6] =	ssyncset.done $0x0;
	s14 =	sor.u32 $0xA000, s14  }
0x49: {  	[sflag:s6] =	ssyncadd.s32 $0xFFFFE000;
	s15 =	simm.s32 $0x0;
	v3 =	vmov s14  }
.LBB2_8:
0x4a: {  	s16 =	sshll.u32 s15, $0x9  }
0x4b: {  	s17 =	sand.u32 $0x3FFFFE00, s16;
	v5 =	vld.idx.msk [tilespmem:v2+s16+$0x0 ss:$0x1], $0xffff  }
0x4c: {  	s23 =	sor.u32 $0x80, s16;
	v4 =	vld.idx.msk [tilespmem:v1+s17+$0x0 ss:$0x1], $0xffff  }
0x4d: {  	v6 =	vld.idx.msk [tilespmem:v1+s23+$0x0 ss:$0x1], $0xffff  }
0x4e: {  	s18 =	sor.u32 $0x100, s16;
	v7 =	vld.idx.msk [tilespmem:v2+s23+$0x0 ss:$0x1], $0xffff  }
0x4f: {  	v8 =	vld.idx.msk [tilespmem:v2+s18+$0x0 ss:$0x1], $0xffff  }
0x50: {  	s20 =	sor.u32 $0x180, s16;
	v9 =	vld.idx.msk [tilespmem:v1+s18+$0x0 ss:$0x1], $0xffff  }
0x51: {  	v10 =	vld.idx.msk [tilespmem:v2+s20+$0x0 ss:$0x1], $0xffff;
	_ =	sdelay $0x1  }
0x52: {  	v11 =	vld.idx.msk [tilespmem:v1+s20+$0x0 ss:$0x1], $0xffff  }
0x53: {  	v5 =	vshll.u32 v5, $0x3;
	v7 =	vshll.u32 v7, $0x3  }
0x54: {  	v4 =	vshrl.u32 v4, v5;
	v30 =	vshll.u32 v8, $0x3;
	v5 =	vshrl.u32 v6, v7  }
0x55: {  	v31 =	vshll.u32 v10, $0x3;
	v6 =	vshrl.u32 v9, v30;
	v5 =	vshll.u32 v5, $0x8  }
0x56: {  	v4 =	vand.u32 $0xFF, v4;
	v6 =	vshll.u32 v6, $0x10;
	v5 =	vand.u32 $0xFF00, v5  }
0x57: {  	v32 =	vshrl.u32 v11, v31;
	v4 =	vor.u32 v4, v5;
	v5 =	vand.u32 $0xFF0000, v6  }
0x58: {  	v4 =	vor.u32 v5, v4;
	v5 =	vshll.u32 v32, $0x18  }
0x59: {  	s24 =	sshra.s32 s16, $0x2;
	v4 =	vor.u32 v5, v4  }
0x5a: {  	s25 =	sor.u32 $0x10, s16;
	[tilespmem:v3+s24+$0x0 ss:$0x1] =	vst.idx.msk $0xffff, v4  }
0x5b: {  	v4 =	vld.idx.msk [tilespmem:v1+s25+$0x0 ss:$0x1], $0xffff  }
0x5c: {  	s26 =	sor.u32 $0x90, s16;
	v5 =	vld.idx.msk [tilespmem:v2+s25+$0x0 ss:$0x1], $0xffff  }
0x5d: {  	v33 =	vld.idx.msk [tilespmem:v1+s26+$0x0 ss:$0x1], $0xffff  }
0x5e: {  	s28 =	sor.u32 $0x110, s16;
	v34 =	vld.idx.msk [tilespmem:v2+s26+$0x0 ss:$0x1], $0xffff  }
0x5f: {  	v35 =	vld.idx.msk [tilespmem:v2+s28+$0x0 ss:$0x1], $0xffff  }
0x60: {  	s29 =	sor.u32 $0x190, s16;
	v36 =	vld.idx.msk [tilespmem:v1+s28+$0x0 ss:$0x1], $0xffff  }
0x61: {  	v37 =	vld.idx.msk [tilespmem:v2+s29+$0x0 ss:$0x1], $0xffff;
	_ =	sdelay $0x1  }
0x62: {  	v38 =	vld.idx.msk [tilespmem:v1+s29+$0x0 ss:$0x1], $0xffff  }
0x63: {  	v5 =	vshll.u32 v5, $0x3;
	v7 =	vshll.u32 v34, $0x3  }
0x64: {  	v39 =	vshll.u32 v35, $0x3;
	v4 =	vshrl.u32 v4, v5;
	v5 =	vshrl.u32 v33, v7  }
0x65: {  	v40 =	vshll.u32 v37, $0x3;
	v6 =	vshrl.u32 v36, v39;
	v5 =	vshll.u32 v5, $0x8  }
0x66: {  	v4 =	vand.u32 $0xFF, v4;
	v6 =	vshll.u32 v6, $0x10;
	v5 =	vand.u32 $0xFF00, v5  }
0x67: {  	v41 =	vshrl.u32 v38, v40;
	v4 =	vor.u32 v4, v5;
	v5 =	vand.u32 $0xFF0000, v6  }
0x68: {  	s17 =	sor.u32 $0x40, s16;
	v4 =	vor.u32 v5, v4;
	v5 =	vshll.u32 v41, $0x18  }
0x69: {  	s19 =	sshra.s32 s17, $0x2;
	v4 =	vor.u32 v5, v4  }
0x6a: {  	s30 =	sor.u32 $0x20, s16;
	[tilespmem:v3+s19+$0x0 ss:$0x1] =	vst.idx.msk $0xffff, v4  }
0x6b: {  	v4 =	vld.idx.msk [tilespmem:v1+s30+$0x0 ss:$0x1], $0xffff  }
0x6c: {  	s31 =	sor.u32 $0xA0, s16;
	v5 =	vld.idx.msk [tilespmem:v2+s30+$0x0 ss:$0x1], $0xffff  }
0x6d: {  	v42 =	vld.idx.msk [tilespmem:v1+s31+$0x0 ss:$0x1], $0xffff  }
0x6e: {  	s21 =	sor.u32 $0x120, s16;
	v43 =	vld.idx.msk [tilespmem:v2+s31+$0x0 ss:$0x1], $0xffff  }
0x6f: {  	v44 =	vld.idx.msk [tilespmem:v2+s21+$0x0 ss:$0x1], $0xffff  }
0x70: {  	s22 =	sor.u32 $0x1A0, s16;
	v45 =	vld.idx.msk [tilespmem:v1+s21+$0x0 ss:$0x1], $0xffff  }
0x71: {  	v46 =	vld.idx.msk [tilespmem:v2+s22+$0x0 ss:$0x1], $0xffff;
	_ =	sdelay $0x1  }
0x72: {  	s24 =	sor.u32 $0x200, s16;
	v47 =	vld.idx.msk [tilespmem:v1+s22+$0x0 ss:$0x1], $0xffff  }
0x73: {  	s25 =	sand.u32 $0x3FFFFE00, s24;
	v49 =	vld.idx.msk [tilespmem:v2+s24+$0x0 ss:$0x1], $0xffff;
	v5 =	vshll.u32 v5, $0x3;
	v7 =	vshll.u32 v43, $0x3  }
0x74: {  	v12 =	vld.idx.msk [tilespmem:v1+s25+$0x0 ss:$0x1], $0xffff;
	s22 =	sor.u32 $0x280, s16;
	v48 =	vshll.u32 v44, $0x3;
	v4 =	vshrl.u32 v4, v5;
	v5 =	vshrl.u32 v42, v7  }
0x75: {  	v50 =	vld.idx.msk [tilespmem:v1+s22+$0x0 ss:$0x1], $0xffff;
	v51 =	vshll.u32 v46, $0x3;
	v6 =	vshrl.u32 v45, v48;
	v5 =	vshll.u32 v5, $0x8  }
0x76: {  	s21 =	sor.u32 $0x300, s16;
	v52 =	vld.idx.msk [tilespmem:v2+s22+$0x0 ss:$0x1], $0xffff;
	v4 =	vand.u32 $0xFF, v4;
	v6 =	vshll.u32 v6, $0x10;
	v5 =	vand.u32 $0xFF00, v5  }
0x77: {  	v54 =	vld.idx.msk [tilespmem:v2+s21+$0x0 ss:$0x1], $0xffff;
	v53 =	vshrl.u32 v47, v51;
	v4 =	vor.u32 v4, v5;
	v5 =	vand.u32 $0xFF0000, v6  }
0x78: {  	s19 =	sor.u32 $0x380, s16;
	v55 =	vld.idx.msk [tilespmem:v1+s21+$0x0 ss:$0x1], $0xffff;
	v4 =	vor.u32 v5, v4;
	v5 =	vshll.u32 v53, $0x18  }
0x79: {  	s23 =	sshra.s32 s23, $0x2;
	v4 =	vor.u32 v5, v4;
	v5 =	vld.idx.msk [tilespmem:v2+s19+$0x0 ss:$0x1], $0xffff  }
0x7a: {  	s26 =	sor.u32 $0x30, s16;
	[tilespmem:v3+s23+$0x0 ss:$0x1] =	vst.idx.msk $0xffff, v4;
	v4 =	vld.idx.msk [tilespmem:v1+s19+$0x0 ss:$0x1], $0xffff  }
0x7b: {  	v56 =	vld.idx.msk [tilespmem:v1+s26+$0x0 ss:$0x1], $0xffff  }
0x7c: {  	s28 =	sor.u32 $0xB0, s16;
	v7 =	vshll.u32 v49, $0x3;
	v10 =	vshll.u32 v52, $0x3;
	v13 =	vld.idx.msk [tilespmem:v2+s26+$0x0 ss:$0x1], $0xffff  }
0x7d: {  	v9 =	vshll.u32 v54, $0x3;
	v7 =	vshrl.u32 v12, v7;
	v8 =	vshrl.u32 v50, v10;
	v57 =	vld.idx.msk [tilespmem:v1+s28+$0x0 ss:$0x1], $0xffff  }
0x7e: {  	s29 =	sor.u32 $0x130, s16;
	v7 =	vand.u32 $0xFF, v7;
	v8 =	vshll.u32 v8, $0x8;
	v6 =	vshrl.u32 v55, v9;
	v58 =	vld.idx.msk [tilespmem:v2+s28+$0x0 ss:$0x1], $0xffff  }
0x7f: {  	s30 =	sor.u32 $0x1B0, s16;
	v8 =	vand.u32 $0xFF00, v8;
	v6 =	vshll.u32 v6, $0x10;
	v59 =	vld.idx.msk [tilespmem:v2+s29+$0x0 ss:$0x1], $0xffff;
	v5 =	vshll.u32 v5, $0x3  }
0x80: {  	v7 =	vor.u32 v7, v8;
	v6 =	vand.u32 $0xFF0000, v6;
	v60 =	vld.idx.msk [tilespmem:v2+s30+$0x0 ss:$0x1], $0xffff;
	v4 =	vshrl.u32 v4, v5  }
0x81: {  	v6 =	vor.u32 v6, v7;
	v5 =	vld.idx.msk [tilespmem:v1+s29+$0x0 ss:$0x1], $0xffff;
	v4 =	vshll.u32 v4, $0x18  }
0x82: {  	s24 =	sshrl.u32 s24, $0x2;
	v4 =	vor.u32 v4, v6  }
0x83: {  	s31 =	sor.u32 $0x210, s16;
	v61 =	vld.idx.msk [tilespmem:v1+s30+$0x0 ss:$0x1], $0xffff;
	[tilespmem:v3+s24+$0x0 ss:$0x1] =	vst.idx.msk $0xffff, v4  }
0x84: {  	v62 =	vshll.u32 v58, $0x3;
	v15 =	vshll.u32 v59, $0x3;
	v63 =	vld.idx.msk [tilespmem:v1+s31+$0x0 ss:$0x1], $0xffff  }
0x85: {  	v7 =	vshll.u32 v60, $0x3;
	v8 =	vshrl.u32 v57, v62;
	v4 =	vshll.u32 v13, $0x3;
	s24 =	sor.u32 $0x290, s16;
	v16 =	vld.idx.msk [tilespmem:v2+s31+$0x0 ss:$0x1], $0xffff  }
0x86: {  	v8 =	vshll.u32 v8, $0x8;
	v4 =	vshrl.u32 v56, v4;
	v17 =	vld.idx.msk [tilespmem:v1+s24+$0x0 ss:$0x1], $0xffff;
	v5 =	vshrl.u32 v5, v15  }
0x87: {  	s25 =	sor.u32 $0x310, s16;
	v8 =	vand.u32 $0xFF00, v8;
	v18 =	vld.idx.msk [tilespmem:v2+s24+$0x0 ss:$0x1], $0xffff;
	v4 =	vand.u32 $0xFF, v4;
	v5 =	vshll.u32 v5, $0x10  }
0x88: {  	v6 =	vshrl.u32 v61, v7;
	v19 =	vld.idx.msk [tilespmem:v2+s25+$0x0 ss:$0x1], $0xffff;
	v4 =	vor.u32 v4, v8;
	v5 =	vand.u32 $0xFF0000, v5  }
0x89: {  	s26 =	sor.u32 $0xC0, s16;
	s28 =	sor.u32 $0x390, s16;
	v20 =	vld.idx.msk [tilespmem:v1+s25+$0x0 ss:$0x1], $0xffff;
	v4 =	vor.u32 v5, v4;
	v5 =	vshll.u32 v6, $0x18  }
0x8a: {  	s25 =	sshra.s32 s26, $0x2;
	v4 =	vor.u32 v5, v4;
	v5 =	vld.idx.msk [tilespmem:v2+s28+$0x0 ss:$0x1], $0xffff  }
0x8b: {  	[tilespmem:v3+s25+$0x0 ss:$0x1] =	vst.idx.msk $0xffff, v4;
	v4 =	vld.idx.msk [tilespmem:v1+s28+$0x0 ss:$0x1], $0xffff  }
0x8c: {  	v21 =	vld.idx.msk [tilespmem:v1+s17+$0x0 ss:$0x1], $0xffff  }
0x8d: {  	v11 =	vshll.u32 v16, $0x3;
	v12 =	vshll.u32 v18, $0x3;
	v22 =	vld.idx.msk [tilespmem:v2+s17+$0x0 ss:$0x1], $0xffff  }
0x8e: {  	v7 =	vshll.u32 v19, $0x3;
	v9 =	vshrl.u32 v63, v11;
	v10 =	vshrl.u32 v17, v12;
	v23 =	vld.idx.msk [tilespmem:v1+s26+$0x0 ss:$0x1], $0xffff  }
0x8f: {  	s24 =	sor.u32 $0x140, s16;
	v6 =	vshrl.u32 v20, v7;
	v9 =	vand.u32 $0xFF, v9;
	v10 =	vshll.u32 v10, $0x8;
	v24 =	vld.idx.msk [tilespmem:v2+s26+$0x0 ss:$0x1], $0xffff  }
0x90: {  	v6 =	vshll.u32 v6, $0x10;
	v25 =	vld.idx.msk [tilespmem:v2+s24+$0x0 ss:$0x1], $0xffff;
	s17 =	sor.u32 $0x1C0, s16;
	v10 =	vand.u32 $0xFF00, v10;
	v5 =	vshll.u32 v5, $0x3  }
0x91: {  	v6 =	vand.u32 $0xFF0000, v6;
	v26 =	vld.idx.msk [tilespmem:v2+s17+$0x0 ss:$0x1], $0xffff;
	v9 =	vor.u32 v9, v10;
	v4 =	vshrl.u32 v4, v5  }
0x92: {  	s23 =	sor.u32 $0x240, s16;
	v6 =	vor.u32 v6, v9;
	v5 =	vld.idx.msk [tilespmem:v1+s24+$0x0 ss:$0x1], $0xffff;
	v4 =	vshll.u32 v4, $0x18  }
0x93: {  	s29 =	sshrl.u32 s23, $0x2;
	v4 =	vor.u32 v4, v6  }
0x94: {  	s30 =	sor.u32 $0x220, s16;
	v27 =	vld.idx.msk [tilespmem:v1+s17+$0x0 ss:$0x1], $0xffff;
	[tilespmem:v3+s29+$0x0 ss:$0x1] =	vst.idx.msk $0xffff, v4  }
0x95: {  	v7 =	vshll.u32 v24, $0x3;
	v29 =	vshll.u32 v25, $0x3;
	v28 =	vld.idx.msk [tilespmem:v1+s30+$0x0 ss:$0x1], $0xffff  }
0x96: {  	s31 =	sor.u32 $0x2A0, s16;
	v7 =	vshrl.u32 v23, v7;
	v9 =	vshll.u32 v26, $0x3;
	v4 =	vshll.u32 v22, $0x3;
	v30 =	vld.idx.msk [tilespmem:v2+s30+$0x0 ss:$0x1], $0xffff  }
0x97: {  	v7 =	vshll.u32 v7, $0x8;
	v4 =	vshrl.u32 v21, v4;
	v31 =	vld.idx.msk [tilespmem:v1+s31+$0x0 ss:$0x1], $0xffff;
	v5 =	vshrl.u32 v5, v29  }
0x98: {  	s26 =	sor.u32 $0x320, s16;
	v7 =	vand.u32 $0xFF00, v7;
	v32 =	vld.idx.msk [tilespmem:v2+s31+$0x0 ss:$0x1], $0xffff;
	v4 =	vand.u32 $0xFF, v4;
	v5 =	vshll.u32 v5, $0x10  }
0x99: {  	v6 =	vshrl.u32 v27, v9;
	v33 =	vld.idx.msk [tilespmem:v2+s26+$0x0 ss:$0x1], $0xffff;
	v4 =	vor.u32 v4, v7;
	v5 =	vand.u32 $0xFF0000, v5  }
0x9a: {  	s28 =	sor.u32 $0x3A0, s16;
	v34 =	vld.idx.msk [tilespmem:v1+s26+$0x0 ss:$0x1], $0xffff;
	v4 =	vor.u32 v5, v4;
	v5 =	vshll.u32 v6, $0x18  }
0x9b: {  	s18 =	sshra.s32 s18, $0x2;
	v4 =	vor.u32 v5, v4;
	v5 =	vld.idx.msk [tilespmem:v2+s28+$0x0 ss:$0x1], $0xffff  }
0x9c: {  	s29 =	sor.u32 $0x50, s16;
	[tilespmem:v3+s18+$0x0 ss:$0x1] =	vst.idx.msk $0xffff, v4;
	v4 =	vld.idx.msk [tilespmem:v1+s28+$0x0 ss:$0x1], $0xffff  }
0x9d: {  	v35 =	vld.idx.msk [tilespmem:v1+s29+$0x0 ss:$0x1], $0xffff  }
0x9e: {  	s30 =	sor.u32 $0xD0, s16;
	v11 =	vshll.u32 v30, $0x3;
	v12 =	vshll.u32 v32, $0x3;
	v36 =	vld.idx.msk [tilespmem:v2+s29+$0x0 ss:$0x1], $0xffff  }
0x9f: {  	v7 =	vshll.u32 v33, $0x3;
	v10 =	vshrl.u32 v28, v11;
	v8 =	vshrl.u32 v31, v12;
	v37 =	vld.idx.msk [tilespmem:v1+s30+$0x0 ss:$0x1], $0xffff  }
0xa0: {  	s31 =	sor.u32 $0x150, s16;
	v6 =	vshrl.u32 v34, v7;
	v10 =	vand.u32 $0xFF, v10;
	v8 =	vshll.u32 v8, $0x8;
	v38 =	vld.idx.msk [tilespmem:v2+s30+$0x0 ss:$0x1], $0xffff  }
0xa1: {  	s25 =	sor.u32 $0x1D0, s16;
	v6 =	vshll.u32 v6, $0x10;
	v39 =	vld.idx.msk [tilespmem:v2+s31+$0x0 ss:$0x1], $0xffff;
	v8 =	vand.u32 $0xFF00, v8;
	v5 =	vshll.u32 v5, $0x3  }
0xa2: {  	v40 =	vld.idx.msk [tilespmem:v2+s25+$0x0 ss:$0x1], $0xffff;
	v6 =	vand.u32 $0xFF0000, v6;
	v8 =	vor.u32 v10, v8;
	v4 =	vshrl.u32 v4, v5  }
0xa3: {  	v6 =	vor.u32 v6, v8;
	v5 =	vld.idx.msk [tilespmem:v1+s31+$0x0 ss:$0x1], $0xffff;
	v4 =	vshll.u32 v4, $0x18  }
0xa4: {  	s22 =	sshrl.u32 s22, $0x2;
	v4 =	vor.u32 v4, v6  }
0xa5: {  	s26 =	sor.u32 $0x230, s16;
	v41 =	vld.idx.msk [tilespmem:v1+s25+$0x0 ss:$0x1], $0xffff;
	[tilespmem:v3+s22+$0x0 ss:$0x1] =	vst.idx.msk $0xffff, v4  }
0xa6: {  	v7 =	vshll.u32 v38, $0x3;
	v43 =	vshll.u32 v39, $0x3;
	v42 =	vld.idx.msk [tilespmem:v1+s26+$0x0 ss:$0x1], $0xffff  }
0xa7: {  	s28 =	sor.u32 $0x2B0, s16;
	v8 =	vshll.u32 v40, $0x3;
	v7 =	vshrl.u32 v37, v7;
	v4 =	vshll.u32 v36, $0x3;
	v44 =	vld.idx.msk [tilespmem:v2+s26+$0x0 ss:$0x1], $0xffff  }
0xa8: {  	v7 =	vshll.u32 v7, $0x8;
	v4 =	vshrl.u32 v35, v4;
	v45 =	vld.idx.msk [tilespmem:v1+s28+$0x0 ss:$0x1], $0xffff;
	v5 =	vshrl.u32 v5, v43  }
0xa9: {  	s29 =	sor.u32 $0x330, s16;
	v7 =	vand.u32 $0xFF00, v7;
	v46 =	vld.idx.msk [tilespmem:v2+s28+$0x0 ss:$0x1], $0xffff;
	v4 =	vand.u32 $0xFF, v4;
	v5 =	vshll.u32 v5, $0x10  }
0xaa: {  	v6 =	vshrl.u32 v41, v8;
	v47 =	vld.idx.msk [tilespmem:v2+s29+$0x0 ss:$0x1], $0xffff;
	v4 =	vor.u32 v4, v7;
	v5 =	vand.u32 $0xFF0000, v5  }
0xab: {  	s30 =	sor.u32 $0x3B0, s16;
	v48 =	vld.idx.msk [tilespmem:v1+s29+$0x0 ss:$0x1], $0xffff;
	v4 =	vor.u32 v5, v4;
	v5 =	vshll.u32 v6, $0x18  }
0xac: {  	s31 =	sshra.s32 s24, $0x2;
	v4 =	vor.u32 v5, v4;
	v5 =	vld.idx.msk [tilespmem:v2+s30+$0x0 ss:$0x1], $0xffff  }
0xad: {  	s24 =	sor.u32 $0x60, s16;
	[tilespmem:v3+s31+$0x0 ss:$0x1] =	vst.idx.msk $0xffff, v4;
	v4 =	vld.idx.msk [tilespmem:v1+s30+$0x0 ss:$0x1], $0xffff  }
0xae: {  	v49 =	vld.idx.msk [tilespmem:v1+s24+$0x0 ss:$0x1], $0xffff  }
0xaf: {  	s25 =	sor.u32 $0xE0, s16;
	v11 =	vshll.u32 v44, $0x3;
	v12 =	vshll.u32 v46, $0x3;
	v50 =	vld.idx.msk [tilespmem:v2+s24+$0x0 ss:$0x1], $0xffff  }
0xb0: {  	v7 =	vshll.u32 v47, $0x3;
	v10 =	vshrl.u32 v42, v11;
	v9 =	vshrl.u32 v45, v12;
	v51 =	vld.idx.msk [tilespmem:v1+s25+$0x0 ss:$0x1], $0xffff  }
0xb1: {  	s26 =	sor.u32 $0x160, s16;
	v6 =	vshrl.u32 v48, v7;
	v10 =	vand.u32 $0xFF, v10;
	v9 =	vshll.u32 v9, $0x8;
	v52 =	vld.idx.msk [tilespmem:v2+s25+$0x0 ss:$0x1], $0xffff  }
0xb2: {  	s28 =	sor.u32 $0x1E0, s16;
	v6 =	vshll.u32 v6, $0x10;
	v53 =	vld.idx.msk [tilespmem:v2+s26+$0x0 ss:$0x1], $0xffff;
	v9 =	vand.u32 $0xFF00, v9;
	v5 =	vshll.u32 v5, $0x3  }
0xb3: {  	v54 =	vld.idx.msk [tilespmem:v2+s28+$0x0 ss:$0x1], $0xffff;
	v6 =	vand.u32 $0xFF0000, v6;
	v9 =	vor.u32 v10, v9;
	v4 =	vshrl.u32 v4, v5  }
0xb4: {  	s29 =	sor.u32 $0x2C0, s16;
	v6 =	vor.u32 v6, v9;
	v5 =	vld.idx.msk [tilespmem:v1+s26+$0x0 ss:$0x1], $0xffff;
	v4 =	vshll.u32 v4, $0x18  }
0xb5: {  	s30 =	sshrl.u32 s29, $0x2;
	v4 =	vor.u32 v4, v6  }
0xb6: {  	v55 =	vld.idx.msk [tilespmem:v1+s28+$0x0 ss:$0x1], $0xffff;
	[tilespmem:v3+s30+$0x0 ss:$0x1] =	vst.idx.msk $0xffff, v4  }
0xb7: {  	v7 =	vshll.u32 v52, $0x3;
	v57 =	vshll.u32 v53, $0x3;
	v56 =	vld.idx.msk [tilespmem:v1+s23+$0x0 ss:$0x1], $0xffff  }
0xb8: {  	v60 =	vshll.u32 v54, $0x3;
	v7 =	vshrl.u32 v51, v7;
	v4 =	vshll.u32 v50, $0x3;
	v58 =	vld.idx.msk [tilespmem:v2+s23+$0x0 ss:$0x1], $0xffff  }
0xb9: {  	v7 =	vshll.u32 v7, $0x8;
	v4 =	vshrl.u32 v49, v4;
	v59 =	vld.idx.msk [tilespmem:v1+s29+$0x0 ss:$0x1], $0xffff;
	v5 =	vshrl.u32 v5, v57  }
0xba: {  	s24 =	sor.u32 $0x340, s16;
	v7 =	vand.u32 $0xFF00, v7;
	v61 =	vld.idx.msk [tilespmem:v2+s29+$0x0 ss:$0x1], $0xffff;
	v4 =	vand.u32 $0xFF, v4;
	v5 =	vshll.u32 v5, $0x10  }
0xbb: {  	v6 =	vshrl.u32 v55, v60;
	v62 =	vld.idx.msk [tilespmem:v2+s24+$0x0 ss:$0x1], $0xffff;
	v4 =	vor.u32 v4, v7;
	v5 =	vand.u32 $0xFF0000, v5  }
0xbc: {  	s18 =	sor.u32 $0x3C0, s16;
	v63 =	vld.idx.msk [tilespmem:v1+s24+$0x0 ss:$0x1], $0xffff;
	v4 =	vor.u32 v5, v4;
	v5 =	vshll.u32 v6, $0x18  }
0xbd: {  	s20 =	sshra.s32 s20, $0x2;
	v16 =	vld.idx.msk [tilespmem:v1+s18+$0x0 ss:$0x1], $0xffff;
	v4 =	vor.u32 v5, v4  }
0xbe: {  	s31 =	sor.u32 $0x70, s16;
	v5 =	vld.idx.msk [tilespmem:v2+s18+$0x0 ss:$0x1], $0xffff;
	[tilespmem:v3+s20+$0x0 ss:$0x1] =	vst.idx.msk $0xffff, v4  }
0xbf: {  	v8 =	vld.idx.msk [tilespmem:v1+s31+$0x0 ss:$0x1], $0xffff  }
0xc0: {  	s22 =	sor.u32 $0xF0, s16;
	v17 =	vshll.u32 v61, $0x3;
	v4 =	vshll.u32 v58, $0x3;
	v9 =	vld.idx.msk [tilespmem:v2+s31+$0x0 ss:$0x1], $0xffff  }
0xc1: {  	v7 =	vshll.u32 v62, $0x3;
	v11 =	vshrl.u32 v59, v17;
	s20 =	sor.u32 $0x580, s16;
	v4 =	vshrl.u32 v56, v4;
	v10 =	vld.idx.msk [tilespmem:v1+s22+$0x0 ss:$0x1], $0xffff  }
0xc2: {  	v6 =	vshrl.u32 v63, v7;
	v33 =	vld.idx.msk [tilespmem:v2+s20+$0x0 ss:$0x1], $0xffff;
	v18 =	vand.u32 $0xFF, v4;
	v4 =	vshll.u32 v11, $0x8  }
0xc3: {  	s23 =	sor.u32 $0x170, s16;
	v6 =	vshll.u32 v6, $0x10;
	v11 =	vld.idx.msk [tilespmem:v2+s22+$0x0 ss:$0x1], $0xffff;
	v19 =	vand.u32 $0xFF00, v4;
	v5 =	vshll.u32 v5, $0x3  }
0xc4: {  	s31 =	sor.u32 $0x400, s16;
	v20 =	vand.u32 $0xFF0000, v6;
	v6 =	vld.idx.msk [tilespmem:v2+s23+$0x0 ss:$0x1], $0xffff;
	v7 =	vor.u32 v18, v19;
	v5 =	vshrl.u32 v16, v5  }
0xc5: {  	v25 =	vld.idx.msk [tilespmem:v2+s31+$0x0 ss:$0x1], $0xffff;
	v7 =	vor.u32 v20, v7;
	v21 =	vshll.u32 v5, $0x18  }
0xc6: {  	s21 =	sshrl.u32 s21, $0x2;
	s22 =	sor.u32 $0x480, s16;
	v4 =	vld.idx.msk [tilespmem:v1+s23+$0x0 ss:$0x1], $0xffff;
	v12 =	vor.u32 v21, v7  }
0xc7: {  	s26 =	sor.u32 $0x250, s16;
	v26 =	vld.idx.msk [tilespmem:v1+s22+$0x0 ss:$0x1], $0xffff;
	[tilespmem:v3+s21+$0x0 ss:$0x1] =	vst.idx.msk $0xffff, v12  }
0xc8: {  	v12 =	vld.idx.msk [tilespmem:v1+s26+$0x0 ss:$0x1], $0xffff  }
0xc9: {  	s28 =	sor.u32 $0x2D0, s16;
	v22 =	vld.idx.msk [tilespmem:v2+s26+$0x0 ss:$0x1], $0xffff  }
0xca: {  	v14 =	vld.idx.msk [tilespmem:v1+s28+$0x0 ss:$0x1], $0xffff  }
0xcb: {  	s29 =	sor.u32 $0x350, s16;
	v15 =	vld.idx.msk [tilespmem:v2+s28+$0x0 ss:$0x1], $0xffff  }
0xcc: {  	s30 =	sor.u32 $0x3D0, s16;
	v16 =	vld.idx.msk [tilespmem:v2+s29+$0x0 ss:$0x1], $0xffff  }
0xcd: {  	v18 =	vld.idx.msk [tilespmem:v2+s30+$0x0 ss:$0x1], $0xffff  }
0xce: {  	v17 =	vld.idx.msk [tilespmem:v1+s29+$0x0 ss:$0x1], $0xffff  }
0xcf: {  	v28 =	vld.idx.msk [tilespmem:v2+s22+$0x0 ss:$0x1], $0xffff  }
0xd0: {  	s23 =	sor.u32 $0x500, s16;
	v19 =	vld.idx.msk [tilespmem:v1+s30+$0x0 ss:$0x1], $0xffff  }
0xd1: {  	s25 =	sor.u32 $0x1F0, s16;
	v32 =	vld.idx.msk [tilespmem:v1+s23+$0x0 ss:$0x1], $0xffff;
	v13 =	vshll.u32 v22, $0x3;
	v15 =	vshll.u32 v15, $0x3  }
0xd2: {  	v5 =	vld.idx.msk [tilespmem:v1+s25+$0x0 ss:$0x1], $0xffff;
	v24 =	vshll.u32 v16, $0x3;
	v27 =	vshll.u32 v18, $0x3;
	v23 =	vshrl.u32 v14, v15  }
0xd3: {  	v7 =	vld.idx.msk [tilespmem:v2+s25+$0x0 ss:$0x1], $0xffff;
	v12 =	vshrl.u32 v12, v13;
	v14 =	vshrl.u32 v17, v24;
	v13 =	vshll.u32 v23, $0x8  }
0xd4: {  	s25 =	sand.u32 $0x3FFFFE00, s31;
	v21 =	vld.idx.msk [tilespmem:v2+s23+$0x0 ss:$0x1], $0xffff;
	v12 =	vand.u32 $0xFF, v12;
	v14 =	vshll.u32 v14, $0x10;
	v13 =	vand.u32 $0xFF00, v13  }
0xd5: {  	v20 =	vld.idx.msk [tilespmem:v1+s25+$0x0 ss:$0x1], $0xffff;
	v30 =	vshrl.u32 v19, v27;
	v29 =	vand.u32 $0xFF0000, v14;
	v12 =	vor.u32 v12, v13  }
0xd6: {  	v31 =	vshll.u32 v30, $0x18;
	v12 =	vor.u32 v29, v12  }
0xd7: {  	s24 =	sshrl.u32 s24, $0x2;
	v34 =	vld.idx.msk [tilespmem:v1+s20+$0x0 ss:$0x1], $0xffff;
	v12 =	vor.u32 v31, v12  }
0xd8: {  	v38 =	vshll.u32 v33, $0x3;
	s26 =	sor.u32 $0x260, s16;
	v18 =	vshll.u32 v28, $0x3;
	[tilespmem:v3+s24+$0x0 ss:$0x1] =	vst.idx.msk $0xffff, v12  }
0xd9: {  	v35 =	vshll.u32 v21, $0x3;
	v15 =	vshll.u32 v25, $0x3;
	v18 =	vshrl.u32 v26, v18;
	v16 =	vld.idx.msk [tilespmem:v1+s26+$0x0 ss:$0x1], $0xffff  }
0xda: {  	s28 =	sor.u32 $0x2E0, s16;
	v15 =	vshrl.u32 v20, v15;
	v36 =	vshll.u32 v18, $0x8;
	v14 =	vshrl.u32 v32, v35;
	v19 =	vld.idx.msk [tilespmem:v2+s26+$0x0 ss:$0x1], $0xffff  }
0xdb: {  	v15 =	vand.u32 $0xFF, v15;
	v37 =	vand.u32 $0xFF00, v36;
	v14 =	vshll.u32 v14, $0x10;
	v17 =	vld.idx.msk [tilespmem:v1+s28+$0x0 ss:$0x1], $0xffff  }
0xdc: {  	s29 =	sor.u32 $0x360, s16;
	v20 =	vor.u32 v15, v37;
	v14 =	vand.u32 $0xFF0000, v14;
	v12 =	vshrl.u32 v34, v38;
	v18 =	vld.idx.msk [tilespmem:v2+s28+$0x0 ss:$0x1], $0xffff  }
0xdd: {  	v14 =	vor.u32 v14, v20;
	v13 =	vld.idx.msk [tilespmem:v1+s29+$0x0 ss:$0x1], $0xffff;
	v39 =	vshll.u32 v12, $0x18  }
0xde: {  	s21 =	sshrl.u32 s31, $0x2;
	s30 =	sor.u32 $0x3E0, s16;
	v15 =	vld.idx.msk [tilespmem:v2+s29+$0x0 ss:$0x1], $0xffff;
	v20 =	vor.u32 v39, v14  }
0xdf: {  	s31 =	sor.u32 $0x410, s16;
	v12 =	vld.idx.msk [tilespmem:v1+s30+$0x0 ss:$0x1], $0xffff;
	[tilespmem:v3+s21+$0x0 ss:$0x1] =	vst.idx.msk $0xffff, v20  }
0xe0: {  	v20 =	vld.idx.msk [tilespmem:v1+s31+$0x0 ss:$0x1], $0xffff  }
0xe1: {  	s24 =	sor.u32 $0x490, s16;
	v40 =	vld.idx.msk [tilespmem:v2+s31+$0x0 ss:$0x1], $0xffff  }
0xe2: {  	v22 =	vld.idx.msk [tilespmem:v1+s24+$0x0 ss:$0x1], $0xffff  }
0xe3: {  	s25 =	sor.u32 $0x510, s16;
	v23 =	vld.idx.msk [tilespmem:v2+s24+$0x0 ss:$0x1], $0xffff  }
0xe4: {  	s26 =	sor.u32 $0x590, s16;
	v24 =	vld.idx.msk [tilespmem:v2+s25+$0x0 ss:$0x1], $0xffff  }
0xe5: {  	v26 =	vld.idx.msk [tilespmem:v2+s26+$0x0 ss:$0x1], $0xffff  }
0xe6: {  	v25 =	vld.idx.msk [tilespmem:v1+s25+$0x0 ss:$0x1], $0xffff  }
0xe7: {  	v14 =	vld.idx.msk [tilespmem:v2+s30+$0x0 ss:$0x1], $0xffff  }
0xe8: {  	s28 =	sor.u32 $0x600, s16;
	v27 =	vld.idx.msk [tilespmem:v1+s26+$0x0 ss:$0x1], $0xffff  }
0xe9: {  	s29 =	sand.u32 $0x3FFFFE00, s28;
	v43 =	vld.idx.msk [tilespmem:v2+s28+$0x0 ss:$0x1], $0xffff;
	v21 =	vshll.u32 v40, $0x3;
	v23 =	vshll.u32 v23, $0x3  }
0xea: {  	v28 =	vld.idx.msk [tilespmem:v1+s29+$0x0 ss:$0x1], $0xffff;
	s21 =	sor.u32 $0x780, s16;
	v42 =	vshll.u32 v24, $0x3;
	v45 =	vshll.u32 v26, $0x3;
	v41 =	vshrl.u32 v22, v23  }
0xeb: {  	s25 =	sor.u32 $0x680, s16;
	v52 =	vld.idx.msk [tilespmem:v2+s21+$0x0 ss:$0x1], $0xffff;
	v20 =	vshrl.u32 v20, v21;
	v22 =	vshrl.u32 v25, v42;
	v21 =	vshll.u32 v41, $0x8  }
0xec: {  	v44 =	vld.idx.msk [tilespmem:v1+s25+$0x0 ss:$0x1], $0xffff;
	v20 =	vand.u32 $0xFF, v20;
	v22 =	vshll.u32 v22, $0x10;
	v21 =	vand.u32 $0xFF00, v21  }
0xed: {  	s24 =	sor.u32 $0x700, s16;
	v46 =	vld.idx.msk [tilespmem:v2+s25+$0x0 ss:$0x1], $0xffff;
	v48 =	vshrl.u32 v27, v45;
	v47 =	vand.u32 $0xFF0000, v22;
	v20 =	vor.u32 v20, v21  }
0xee: {  	s26 =	sor.u32 $0x440, s16;
	v49 =	vld.idx.msk [tilespmem:v2+s24+$0x0 ss:$0x1], $0xffff;
	v50 =	vshll.u32 v48, $0x18;
	v20 =	vor.u32 v47, v20  }
0xef: {  	v51 =	vld.idx.msk [tilespmem:v1+s24+$0x0 ss:$0x1], $0xffff;
	s29 =	sshrl.u32 s26, $0x2;
	v20 =	vor.u32 v50, v20  }
0xf0: {  	s30 =	sor.u32 $0x420, s16;
	v53 =	vld.idx.msk [tilespmem:v1+s21+$0x0 ss:$0x1], $0xffff;
	[tilespmem:v3+s29+$0x0 ss:$0x1] =	vst.idx.msk $0xffff, v20  }
0xf1: {  	v54 =	vld.idx.msk [tilespmem:v1+s30+$0x0 ss:$0x1], $0xffff  }
0xf2: {  	s31 =	sor.u32 $0x4A0, s16;
	v23 =	vshll.u32 v43, $0x3;
	v26 =	vshll.u32 v46, $0x3;
	v55 =	vld.idx.msk [tilespmem:v2+s30+$0x0 ss:$0x1], $0xffff  }
0xf3: {  	v25 =	vshll.u32 v49, $0x3;
	v23 =	vshrl.u32 v28, v23;
	v24 =	vshrl.u32 v44, v26;
	v56 =	vld.idx.msk [tilespmem:v1+s31+$0x0 ss:$0x1], $0xffff  }
0xf4: {  	v23 =	vand.u32 $0xFF, v23;
	v24 =	vshll.u32 v24, $0x8;
	v22 =	vshrl.u32 v51, v25;
	v57 =	vld.idx.msk [tilespmem:v2+s31+$0x0 ss:$0x1], $0xffff;
	s30 =	sor.u32 $0x520, s16  }
0xf5: {  	v24 =	vand.u32 $0xFF00, v24;
	v22 =	vshll.u32 v22, $0x10;
	v21 =	vshll.u32 v52, $0x3;
	v58 =	vld.idx.msk [tilespmem:v2+s30+$0x0 ss:$0x1], $0xffff  }
0xf6: {  	v23 =	vor.u32 v23, v24;
	v22 =	vand.u32 $0xFF0000, v22;
	v20 =	vshrl.u32 v53, v21;
	s31 =	sor.u32 $0x5A0, s16;
	v59 =	vld.idx.msk [tilespmem:v1+s30+$0x0 ss:$0x1], $0xffff  }
0xf7: {  	v22 =	vor.u32 v22, v23;
	v20 =	vshll.u32 v20, $0x18;
	v60 =	vld.idx.msk [tilespmem:v2+s31+$0x0 ss:$0x1], $0xffff  }
0xf8: {  	s28 =	sshrl.u32 s28, $0x2;
	v20 =	vor.u32 v20, v22  }
0xf9: {  	v61 =	vld.idx.msk [tilespmem:v1+s31+$0x0 ss:$0x1], $0xffff;
	s30 =	sor.u32 $0x610, s16;
	[tilespmem:v3+s28+$0x0 ss:$0x1] =	vst.idx.msk $0xffff, v20  }
0xfa: {  	v63 =	vld.idx.msk [tilespmem:v1+s30+$0x0 ss:$0x1], $0xffff;
	v62 =	vshll.u32 v55, $0x3;
	v25 =	vshll.u32 v57, $0x3  }
0xfb: {  	s31 =	sor.u32 $0x690, s16;
	v31 =	vld.idx.msk [tilespmem:v2+s30+$0x0 ss:$0x1], $0xffff;
	v20 =	vshrl.u32 v54, v62;
	v25 =	vshrl.u32 v56, v25;
	v24 =	vshll.u32 v58, $0x3  }
0xfc: {  	v32 =	vld.idx.msk [tilespmem:v1+s31+$0x0 ss:$0x1], $0xffff;
	v23 =	vshll.u32 v60, $0x3;
	v25 =	vshll.u32 v25, $0x8;
	v21 =	vshrl.u32 v59, v24  }
0xfd: {  	s29 =	sor.u32 $0x710, s16;
	v33 =	vld.idx.msk [tilespmem:v2+s31+$0x0 ss:$0x1], $0xffff;
	v20 =	vand.u32 $0xFF, v20;
	v25 =	vand.u32 $0xFF00, v25;
	v21 =	vshll.u32 v21, $0x10  }
0xfe: {  	v34 =	vld.idx.msk [tilespmem:v2+s29+$0x0 ss:$0x1], $0xffff;
	v22 =	vshrl.u32 v61, v23;
	v20 =	vor.u32 v20, v25;
	v21 =	vand.u32 $0xFF0000, v21  }
0xff: {  	v36 =	vld.idx.msk [tilespmem:v1+s29+$0x0 ss:$0x1], $0xffff;
	s30 =	sor.u32 $0x790, s16;
	v35 =	vshll.u32 v22, $0x18;
	v20 =	vor.u32 v21, v20  }
0x100: {  	s22 =	sshrl.u32 s22, $0x2;
	v37 =	vld.idx.msk [tilespmem:v2+s30+$0x0 ss:$0x1], $0xffff;
	v20 =	vor.u32 v35, v20  }
0x101: {  	s31 =	sor.u32 $0x430, s16;
	v38 =	vld.idx.msk [tilespmem:v1+s30+$0x0 ss:$0x1], $0xffff;
	[tilespmem:v3+s22+$0x0 ss:$0x1] =	vst.idx.msk $0xffff, v20  }
0x102: {  	v39 =	vld.idx.msk [tilespmem:v1+s31+$0x0 ss:$0x1], $0xffff  }
0x103: {  	s29 =	sor.u32 $0x4B0, s16;
	v26 =	vshll.u32 v31, $0x3;
	v27 =	vshll.u32 v33, $0x3;
	v40 =	vld.idx.msk [tilespmem:v2+s31+$0x0 ss:$0x1], $0xffff  }
0x104: {  	v23 =	vshll.u32 v34, $0x3;
	v26 =	vshrl.u32 v63, v26;
	v24 =	vshrl.u32 v32, v27;
	v41 =	vld.idx.msk [tilespmem:v1+s29+$0x0 ss:$0x1], $0xffff  }
0x105: {  	s30 =	sor.u32 $0x530, s16;
	v22 =	vshrl.u32 v36, v23;
	v26 =	vand.u32 $0xFF, v26;
	v24 =	vshll.u32 v24, $0x8;
	v42 =	vld.idx.msk [tilespmem:v2+s29+$0x0 ss:$0x1], $0xffff  }
0x106: {  	v22 =	vshll.u32 v22, $0x10;
	v21 =	vshll.u32 v37, $0x3;
	v24 =	vand.u32 $0xFF00, v24;
	v43 =	vld.idx.msk [tilespmem:v2+s30+$0x0 ss:$0x1], $0xffff  }
0x107: {  	v22 =	vand.u32 $0xFF0000, v22;
	v24 =	vor.u32 v26, v24;
	v20 =	vshrl.u32 v38, v21;
	v44 =	vld.idx.msk [tilespmem:v1+s30+$0x0 ss:$0x1], $0xffff;
	s31 =	sor.u32 $0x5B0, s16  }
0x108: {  	s28 =	sor.u32 $0x640, s16;
	v22 =	vor.u32 v22, v24;
	v20 =	vshll.u32 v20, $0x18;
	v45 =	vld.idx.msk [tilespmem:v2+s31+$0x0 ss:$0x1], $0xffff  }
0x109: {  	s30 =	sshrl.u32 s28, $0x2;
	v20 =	vor.u32 v20, v22  }
0x10a: {  	v46 =	vld.idx.msk [tilespmem:v1+s31+$0x0 ss:$0x1], $0xffff;
	s31 =	sor.u32 $0x620, s16;
	[tilespmem:v3+s30+$0x0 ss:$0x1] =	vst.idx.msk $0xffff, v20  }
0x10b: {  	v48 =	vld.idx.msk [tilespmem:v1+s31+$0x0 ss:$0x1], $0xffff;
	v47 =	vshll.u32 v40, $0x3;
	v23 =	vshll.u32 v42, $0x3  }
0x10c: {  	s29 =	sor.u32 $0x6A0, s16;
	v50 =	vld.idx.msk [tilespmem:v2+s31+$0x0 ss:$0x1], $0xffff;
	v49 =	vshll.u32 v43, $0x3;
	v20 =	vshrl.u32 v39, v47;
	v23 =	vshrl.u32 v41, v23  }
0x10d: {  	v51 =	vld.idx.msk [tilespmem:v1+s29+$0x0 ss:$0x1], $0xffff;
	v21 =	vshrl.u32 v44, v49;
	v24 =	vshll.u32 v45, $0x3;
	v23 =	vshll.u32 v23, $0x8  }
0x10e: {  	s30 =	sor.u32 $0x720, s16;
	v52 =	vld.idx.msk [tilespmem:v2+s29+$0x0 ss:$0x1], $0xffff;
	v20 =	vand.u32 $0xFF, v20;
	v21 =	vshll.u32 v21, $0x10;
	v23 =	vand.u32 $0xFF00, v23  }
0x10f: {  	v53 =	vld.idx.msk [tilespmem:v2+s30+$0x0 ss:$0x1], $0xffff;
	v22 =	vshrl.u32 v46, v24;
	v21 =	vand.u32 $0xFF0000, v21;
	v20 =	vor.u32 v20, v23  }
0x110: {  	s29 =	sor.u32 $0x4C0, s16;
	v55 =	vld.idx.msk [tilespmem:v1+s30+$0x0 ss:$0x1], $0xffff;
	s31 =	sor.u32 $0x7A0, s16;
	v54 =	vshll.u32 v22, $0x18;
	v20 =	vor.u32 v21, v20  }
0x111: {  	s30 =	sshrl.u32 s29, $0x2;
	v57 =	vld.idx.msk [tilespmem:v2+s31+$0x0 ss:$0x1], $0xffff;
	v56 =	vor.u32 v54, v20  }
0x112: {  	v19 =	vshll.u32 v19, $0x3;
	v58 =	vld.idx.msk [tilespmem:v1+s31+$0x0 ss:$0x1], $0xffff;
	[tilespmem:v3+s30+$0x0 ss:$0x1] =	vst.idx.msk $0xffff, v56  }
0x113: {  	v16 =	vshrl.u32 v16, v19;
	v60 =	vshll.u32 v50, $0x3;
	v61 =	vshll.u32 v52, $0x3;
	v59 =	vld.idx.msk [tilespmem:v1+s26+$0x0 ss:$0x1], $0xffff  }
0x114: {  	v24 =	vshrl.u32 v51, v61;
	v23 =	vshll.u32 v53, $0x3;
	v21 =	vshrl.u32 v48, v60;
	v62 =	vld.idx.msk [tilespmem:v2+s26+$0x0 ss:$0x1], $0xffff  }
0x115: {  	v24 =	vshll.u32 v24, $0x8;
	v22 =	vshrl.u32 v55, v23;
	v21 =	vand.u32 $0xFF, v21;
	v63 =	vld.idx.msk [tilespmem:v1+s29+$0x0 ss:$0x1], $0xffff  }
0x116: {  	s22 =	sor.u32 $0x5C0, s16;
	v24 =	vand.u32 $0xFF00, v24;
	v22 =	vshll.u32 v22, $0x10;
	v20 =	vshll.u32 v57, $0x3;
	v30 =	vld.idx.msk [tilespmem:v2+s29+$0x0 ss:$0x1], $0xffff  }
0x117: {  	v21 =	vor.u32 v21, v24;
	v22 =	vand.u32 $0xFF0000, v22;
	v19 =	vshrl.u32 v58, v20;
	v33 =	vld.idx.msk [tilespmem:v1+s22+$0x0 ss:$0x1], $0xffff  }
0x118: {  	v18 =	vshll.u32 v18, $0x3;
	s26 =	sor.u32 $0x540, s16;
	v21 =	vor.u32 v22, v21;
	v19 =	vshll.u32 v19, $0x18;
	v34 =	vld.idx.msk [tilespmem:v2+s22+$0x0 ss:$0x1], $0xffff  }
0x119: {  	s25 =	sshrl.u32 s25, $0x2;
	v15 =	vshll.u32 v15, $0x3;
	v17 =	vshrl.u32 v17, v18;
	v31 =	vld.idx.msk [tilespmem:v1+s26+$0x0 ss:$0x1], $0xffff;
	v19 =	vor.u32 v19, v21  }
0x11a: {  	v13 =	vshrl.u32 v13, v15;
	v14 =	vshll.u32 v14, $0x3;
	v17 =	vshll.u32 v17, $0x8;
	s29 =	sor.u32 $0x630, s16;
	v32 =	vld.idx.msk [tilespmem:v2+s26+$0x0 ss:$0x1], $0xffff;
	[tilespmem:v3+s25+$0x0 ss:$0x1] =	vst.idx.msk $0xffff, v19  }
0x11b: {  	v16 =	vand.u32 $0xFF, v16;
	v13 =	vshll.u32 v13, $0x10;
	v17 =	vand.u32 $0xFF00, v17;
	v35 =	vld.idx.msk [tilespmem:v1+s29+$0x0 ss:$0x1], $0xffff  }
0x11c: {  	v12 =	vshrl.u32 v12, v14;
	v13 =	vand.u32 $0xFF0000, v13;
	v16 =	vor.u32 v16, v17;
	s30 =	sor.u32 $0x6B0, s16;
	v36 =	vld.idx.msk [tilespmem:v2+s29+$0x0 ss:$0x1], $0xffff  }
0x11d: {  	v12 =	vshll.u32 v12, $0x18;
	v13 =	vor.u32 v13, v16;
	v19 =	vld.idx.msk [tilespmem:v1+s30+$0x0 ss:$0x1], $0xffff  }
0x11e: {  	v12 =	vor.u32 v12, v13;
	s31 =	sor.u32 $0x730, s16;
	v40 =	vld.idx.msk [tilespmem:v2+s30+$0x0 ss:$0x1], $0xffff  }
0x11f: {  	v41 =	vld.idx.msk [tilespmem:v2+s31+$0x0 ss:$0x1], $0xffff;
	v37 =	vshll.u32 v62, $0x3;
	v38 =	vshll.u32 v30, $0x3;
	v21 =	vshll.u32 v34, $0x3  }
0x120: {  	v42 =	vld.idx.msk [tilespmem:v1+s31+$0x0 ss:$0x1], $0xffff;
	s29 =	sor.u32 $0x7B0, s16;
	v13 =	vshrl.u32 v59, v37;
	v16 =	vshrl.u32 v63, v38;
	v39 =	vshll.u32 v32, $0x3  }
0x121: {  	v44 =	vld.idx.msk [tilespmem:v2+s29+$0x0 ss:$0x1], $0xffff;
	v15 =	vshrl.u32 v33, v21;
	v13 =	vand.u32 $0xFF, v13;
	v16 =	vshll.u32 v16, $0x8  }
0x122: {  	v18 =	vshrl.u32 v31, v39;
	v46 =	vshll.u32 v15, $0x18;
	v16 =	vand.u32 $0xFF00, v16  }
0x123: {  	s19 =	sshrl.u32 s19, $0x2;
	v47 =	vld.idx.msk [tilespmem:v1+s29+$0x0 ss:$0x1], $0xffff;
	v18 =	vshll.u32 v18, $0x10;
	v49 =	vshll.u32 v36, $0x3;
	v50 =	vshll.u32 v40, $0x3  }
0x124: {  	[tilespmem:v3+s19+$0x0 ss:$0x1] =	vst.idx.msk $0xffff, v12;
	s30 =	sor.u32 $0x270, s16;
	v51 =	vshll.u32 v41, $0x3;
	v13 =	vor.u32 v13, v16;
	v43 =	vand.u32 $0xFF0000, v18  }
0x125: {  	s31 =	sor.u32 $0x2F0, s16;
	v17 =	vld.idx.msk [tilespmem:v2+s30+$0x0 ss:$0x1], $0xffff;
	v14 =	vshrl.u32 v35, v49;
	v45 =	vor.u32 v43, v13;
	v13 =	vshrl.u32 v19, v50  }
0x126: {  	s25 =	sor.u32 $0x370, s16;
	v12 =	vld.idx.msk [tilespmem:v1+s31+$0x0 ss:$0x1], $0xffff;
	v18 =	vshll.u32 v44, $0x3;
	v19 =	vshrl.u32 v42, v51;
	v13 =	vshll.u32 v13, $0x8  }
0x127: {  	v15 =	vld.idx.msk [tilespmem:v2+s25+$0x0 ss:$0x1], $0xffff;
	v52 =	vand.u32 $0xFF, v14;
	v19 =	vshll.u32 v19, $0x10;
	v53 =	vand.u32 $0xFF00, v13  }
0x128: {  	v16 =	vld.idx.msk [tilespmem:v1+s30+$0x0 ss:$0x1], $0xffff;
	v18 =	vshrl.u32 v47, v18;
	v19 =	vand.u32 $0xFF0000, v19;
	v20 =	vor.u32 v52, v53  }
0x129: {  	s23 =	sshrl.u32 s23, $0x2;
	s30 =	sor.u32 $0x6C0, s16;
	v14 =	vld.idx.msk [tilespmem:v2+s31+$0x0 ss:$0x1], $0xffff;
	v48 =	vor.u32 v46, v45;
	v18 =	vshll.u32 v18, $0x18;
	v19 =	vor.u32 v19, v20  }
0x12a: {  	s29 =	sor.u32 $0x450, s16;
	s31 =	sshrl.u32 s30, $0x2;
	v13 =	vld.idx.msk [tilespmem:v1+s25+$0x0 ss:$0x1], $0xffff;
	[tilespmem:v3+s23+$0x0 ss:$0x1] =	vst.idx.msk $0xffff, v48;
	v18 =	vor.u32 v18, v19  }
0x12b: {  	v54 =	vld.idx.msk [tilespmem:v1+s29+$0x0 ss:$0x1], $0xffff;
	[tilespmem:v3+s31+$0x0 ss:$0x1] =	vst.idx.msk $0xffff, v18  }
0x12c: {  	v18 =	vld.idx.msk [tilespmem:v1+s28+$0x0 ss:$0x1], $0xffff  }
0x12d: {  	v55 =	vld.idx.msk [tilespmem:v2+s28+$0x0 ss:$0x1], $0xffff  }
0x12e: {  	v56 =	vld.idx.msk [tilespmem:v1+s30+$0x0 ss:$0x1], $0xffff  }
0x12f: {  	s23 =	sor.u32 $0x740, s16;
	v57 =	vld.idx.msk [tilespmem:v2+s30+$0x0 ss:$0x1], $0xffff  }
0x130: {  	s19 =	sor.u32 $0x7C0, s16;
	v58 =	vld.idx.msk [tilespmem:v2+s23+$0x0 ss:$0x1], $0xffff  }
0x131: {  	v60 =	vld.idx.msk [tilespmem:v2+s19+$0x0 ss:$0x1], $0xffff  }
0x132: {  	v59 =	vld.idx.msk [tilespmem:v1+s23+$0x0 ss:$0x1], $0xffff  }
0x133: {  	v21 =	vld.idx.msk [tilespmem:v2+s29+$0x0 ss:$0x1], $0xffff  }
0x134: {  	s29 =	sor.u32 $0x550, s16;
	v61 =	vld.idx.msk [tilespmem:v1+s19+$0x0 ss:$0x1], $0xffff  }
0x135: {  	v31 =	vld.idx.msk [tilespmem:v1+s29+$0x0 ss:$0x1], $0xffff;
	v19 =	vshll.u32 v55, $0x3;
	v23 =	vshll.u32 v57, $0x3  }
0x136: {  	v32 =	vld.idx.msk [tilespmem:v2+s29+$0x0 ss:$0x1], $0xffff;
	s28 =	sor.u32 $0x4D0, s16;
	v30 =	vshll.u32 v58, $0x3;
	v33 =	vshll.u32 v60, $0x3;
	v63 =	vshrl.u32 v56, v23  }
0x137: {  	v62 =	vld.idx.msk [tilespmem:v1+s28+$0x0 ss:$0x1], $0xffff;
	v18 =	vshrl.u32 v18, v19;
	v22 =	vshrl.u32 v59, v30;
	v19 =	vshll.u32 v63, $0x8  }
0x138: {  	s30 =	sor.u32 $0x5D0, s16;
	v29 =	vld.idx.msk [tilespmem:v2+s28+$0x0 ss:$0x1], $0xffff;
	v18 =	vand.u32 $0xFF, v18;
	v22 =	vshll.u32 v22, $0x10;
	v19 =	vand.u32 $0xFF00, v19  }
0x139: {  	v35 =	vld.idx.msk [tilespmem:v1+s30+$0x0 ss:$0x1], $0xffff;
	v34 =	vshrl.u32 v61, v33;
	v22 =	vand.u32 $0xFF0000, v22;
	v18 =	vor.u32 v18, v19  }
0x13a: {  	s31 =	sor.u32 $0x3F0, s16;
	v36 =	vld.idx.msk [tilespmem:v2+s30+$0x0 ss:$0x1], $0xffff;
	v19 =	vshll.u32 v34, $0x18;
	v18 =	vor.u32 v22, v18  }
0x13b: {  	s24 =	sshrl.u32 s24, $0x2;
	v19 =	vor.u32 v19, v18;
	v18 =	vld.idx.msk [tilespmem:v1+s31+$0x0 ss:$0x1], $0xffff  }
0x13c: {  	s25 =	sor.u32 $0x650, s16;
	[tilespmem:v3+s24+$0x0 ss:$0x1] =	vst.idx.msk $0xffff, v19;
	v19 =	vld.idx.msk [tilespmem:v2+s31+$0x0 ss:$0x1], $0xffff  }
0x13d: {  	v39 =	vld.idx.msk [tilespmem:v1+s25+$0x0 ss:$0x1], $0xffff  }
0x13e: {  	v21 =	vshll.u32 v21, $0x3;
	s28 =	sor.u32 $0x6D0, s16;
	v37 =	vshll.u32 v29, $0x3;
	v40 =	vld.idx.msk [tilespmem:v2+s25+$0x0 ss:$0x1], $0xffff  }
0x13f: {  	v20 =	vshrl.u32 v54, v21;
	v24 =	vshll.u32 v32, $0x3;
	v38 =	vshrl.u32 v62, v37;
	v41 =	vld.idx.msk [tilespmem:v2+s28+$0x0 ss:$0x1], $0xffff  }
0x140: {  	s29 =	sor.u32 $0x750, s16;
	v20 =	vand.u32 $0xFF, v20;
	v23 =	vshrl.u32 v31, v24;
	v21 =	vshll.u32 v38, $0x8;
	v43 =	vld.idx.msk [tilespmem:v1+s28+$0x0 ss:$0x1], $0xffff  }
0x141: {  	v23 =	vshll.u32 v23, $0x10;
	v21 =	vand.u32 $0xFF00, v21;
	v22 =	vshll.u32 v36, $0x3;
	s31 =	sor.u32 $0x7D0, s16;
	v45 =	vld.idx.msk [tilespmem:v2+s29+$0x0 ss:$0x1], $0xffff  }
0x142: {  	v42 =	vand.u32 $0xFF0000, v23;
	v20 =	vor.u32 v20, v21;
	v22 =	vshrl.u32 v35, v22;
	v47 =	vld.idx.msk [tilespmem:v2+s31+$0x0 ss:$0x1], $0xffff  }
0x143: {  	v20 =	vor.u32 v42, v20;
	v44 =	vshll.u32 v22, $0x18;
	v46 =	vld.idx.msk [tilespmem:v1+s29+$0x0 ss:$0x1], $0xffff  }
0x144: {  	v9 =	vshll.u32 v9, $0x3;
	s30 =	sshrl.u32 s26, $0x2;
	v20 =	vor.u32 v44, v20  }
0x145: {  	v11 =	vshll.u32 v11, $0x3;
	v8 =	vshrl.u32 v8, v9;
	s26 =	sor.u32 $0x460, s16;
	v49 =	vld.idx.msk [tilespmem:v1+s31+$0x0 ss:$0x1], $0xffff;
	[tilespmem:v3+s30+$0x0 ss:$0x1] =	vst.idx.msk $0xffff, v20  }
0x146: {  	v48 =	vshrl.u32 v10, v11;
	v51 =	vld.idx.msk [tilespmem:v1+s26+$0x0 ss:$0x1], $0xffff;
	v50 =	vshll.u32 v41, $0x3;
	v24 =	vshll.u32 v40, $0x3  }
0x147: {  	s28 =	sor.u32 $0x4E0, s16;
	v52 =	vld.idx.msk [tilespmem:v2+s26+$0x0 ss:$0x1], $0xffff;
	v22 =	vshll.u32 v45, $0x3;
	v20 =	vshll.u32 v47, $0x3;
	v11 =	vshrl.u32 v43, v50  }
0x148: {  	v53 =	vld.idx.msk [tilespmem:v2+s28+$0x0 ss:$0x1], $0xffff;
	v24 =	vshrl.u32 v39, v24;
	v21 =	vshrl.u32 v46, v22;
	v11 =	vshll.u32 v11, $0x8  }
0x149: {  	s29 =	sor.u32 $0x560, s16;
	v54 =	vld.idx.msk [tilespmem:v1+s28+$0x0 ss:$0x1], $0xffff;
	v24 =	vand.u32 $0xFF, v24;
	v21 =	vshll.u32 v21, $0x10;
	v11 =	vand.u32 $0xFF00, v11  }
0x14a: {  	v55 =	vld.idx.msk [tilespmem:v2+s29+$0x0 ss:$0x1], $0xffff;
	v10 =	vshrl.u32 v49, v20;
	v21 =	vand.u32 $0xFF0000, v21;
	v11 =	vor.u32 v24, v11  }
0x14b: {  	v6 =	vshll.u32 v6, $0x3;
	s30 =	sor.u32 $0x5E0, s16;
	v56 =	vld.idx.msk [tilespmem:v1+s29+$0x0 ss:$0x1], $0xffff;
	v10 =	vshll.u32 v10, $0x18;
	v11 =	vor.u32 v21, v11  }
0x14c: {  	v4 =	vshrl.u32 v4, v6;
	v9 =	vshll.u32 v48, $0x8;
	s23 =	sshrl.u32 s23, $0x2;
	v58 =	vld.idx.msk [tilespmem:v2+s30+$0x0 ss:$0x1], $0xffff;
	v57 =	vor.u32 v10, v11  }
0x14d: {  	v8 =	vand.u32 $0xFF, v8;
	v4 =	vshll.u32 v4, $0x10;
	v9 =	vand.u32 $0xFF00, v9;
	s31 =	sor.u32 $0x660, s16;
	v61 =	vld.idx.msk [tilespmem:v1+s30+$0x0 ss:$0x1], $0xffff;
	[tilespmem:v3+s23+$0x0 ss:$0x1] =	vst.idx.msk $0xffff, v57  }
0x14e: {  	v4 =	vand.u32 $0xFF0000, v4;
	v8 =	vor.u32 v8, v9;
	v63 =	vld.idx.msk [tilespmem:v1+s31+$0x0 ss:$0x1], $0xffff  }
0x14f: {  	v59 =	vshll.u32 v7, $0x3;
	s24 =	sor.u32 $0x6E0, s16;
	v60 =	vshll.u32 v53, $0x3;
	v62 =	vshll.u32 v52, $0x3;
	v24 =	vld.idx.msk [tilespmem:v2+s31+$0x0 ss:$0x1], $0xffff  }
0x150: {  	v20 =	vshll.u32 v55, $0x3;
	v7 =	vshrl.u32 v54, v60;
	v6 =	vshrl.u32 v51, v62;
	v25 =	vld.idx.msk [tilespmem:v1+s24+$0x0 ss:$0x1], $0xffff  }
0x151: {  	s25 =	sor.u32 $0x760, s16;
	v20 =	vshrl.u32 v56, v20;
	v7 =	vshll.u32 v7, $0x8;
	v6 =	vand.u32 $0xFF, v6;
	v27 =	vld.idx.msk [tilespmem:v2+s24+$0x0 ss:$0x1], $0xffff  }
0x152: {  	s26 =	sor.u32 $0x7E0, s16;
	v26 =	vshll.u32 v20, $0x10;
	v7 =	vand.u32 $0xFF00, v7;
	v10 =	vshll.u32 v58, $0x3;
	v28 =	vld.idx.msk [tilespmem:v2+s25+$0x0 ss:$0x1], $0xffff  }
0x153: {  	v6 =	vor.u32 v6, v7;
	v7 =	vand.u32 $0xFF0000, v26;
	v9 =	vshrl.u32 v61, v10;
	v31 =	vld.idx.msk [tilespmem:v2+s26+$0x0 ss:$0x1], $0xffff  }
0x154: {  	v5 =	vshrl.u32 v5, v59;
	v6 =	vor.u32 v7, v6;
	v29 =	vshll.u32 v9, $0x18;
	v30 =	vld.idx.msk [tilespmem:v1+s25+$0x0 ss:$0x1], $0xffff  }
0x155: {  	s20 =	sshrl.u32 s20, $0x2;
	v4 =	vor.u32 v4, v8;
	v5 =	vshll.u32 v5, $0x18;
	v6 =	vor.u32 v29, v6  }
0x156: {  	v4 =	vor.u32 v5, v4;
	s28 =	sor.u32 $0x470, s16;
	v32 =	vld.idx.msk [tilespmem:v1+s26+$0x0 ss:$0x1], $0xffff;
	[tilespmem:v3+s20+$0x0 ss:$0x1] =	vst.idx.msk $0xffff, v6  }
0x157: {  	v5 =	vshll.u32 v17, $0x3;
	v33 =	vld.idx.msk [tilespmem:v1+s28+$0x0 ss:$0x1], $0xffff;
	v34 =	vshll.u32 v24, $0x3;
	v35 =	vshll.u32 v27, $0x3  }
0x158: {  	s29 =	sor.u32 $0x4F0, s16;
	v36 =	vld.idx.msk [tilespmem:v2+s28+$0x0 ss:$0x1], $0xffff;
	v10 =	vshll.u32 v28, $0x3;
	v7 =	vshll.u32 v31, $0x3;
	v17 =	vshrl.u32 v25, v35  }
0x159: {  	v37 =	vld.idx.msk [tilespmem:v1+s29+$0x0 ss:$0x1], $0xffff;
	v11 =	vshrl.u32 v63, v34;
	v9 =	vshrl.u32 v30, v10;
	v17 =	vshll.u32 v17, $0x8  }
0x15a: {  	s30 =	sor.u32 $0x570, s16;
	v38 =	vld.idx.msk [tilespmem:v2+s29+$0x0 ss:$0x1], $0xffff;
	v11 =	vand.u32 $0xFF, v11;
	v9 =	vshll.u32 v9, $0x10;
	v17 =	vand.u32 $0xFF00, v17  }
0x15b: {  	v39 =	vld.idx.msk [tilespmem:v1+s30+$0x0 ss:$0x1], $0xffff;
	v6 =	vshrl.u32 v32, v7;
	v9 =	vand.u32 $0xFF0000, v9;
	v11 =	vor.u32 v11, v17  }
0x15c: {  	v14 =	vshll.u32 v14, $0x3;
	s31 =	sor.u32 $0x5F0, s16;
	v40 =	vld.idx.msk [tilespmem:v2+s30+$0x0 ss:$0x1], $0xffff;
	v6 =	vshll.u32 v6, $0x18;
	v9 =	vor.u32 v9, v11  }
0x15d: {  	s21 =	sshrl.u32 s21, $0x2;
	v12 =	vshrl.u32 v12, v14;
	v42 =	vld.idx.msk [tilespmem:v1+s31+$0x0 ss:$0x1], $0xffff;
	v6 =	vor.u32 v6, v9  }
0x15e: {  	v5 =	vshrl.u32 v16, v5;
	v41 =	vshll.u32 v15, $0x3;
	s23 =	sor.u32 $0x670, s16;
	v43 =	vld.idx.msk [tilespmem:v2+s31+$0x0 ss:$0x1], $0xffff;
	[tilespmem:v3+s21+$0x0 ss:$0x1] =	vst.idx.msk $0xffff, v6  }
0x15f: {  	v12 =	vshll.u32 v12, $0x8;
	v5 =	vand.u32 $0xFF, v5;
	v13 =	vshrl.u32 v13, v41;
	v47 =	vld.idx.msk [tilespmem:v1+s23+$0x0 ss:$0x1], $0xffff  }
0x160: {  	v44 =	vand.u32 $0xFF00, v12;
	v46 =	vshll.u32 v19, $0x3;
	v45 =	vshll.u32 v13, $0x10;
	s24 =	sor.u32 $0x6F0, s16;
	v50 =	vld.idx.msk [tilespmem:v2+s23+$0x0 ss:$0x1], $0xffff  }
0x161: {  	v5 =	vor.u32 v5, v44;
	v49 =	vshrl.u32 v18, v46;
	v48 =	vand.u32 $0xFF0000, v45;
	v52 =	vld.idx.msk [tilespmem:v2+s24+$0x0 ss:$0x1], $0xffff  }
0x162: {  	v51 =	vshll.u32 v49, $0x18;
	v5 =	vor.u32 v48, v5;
	s25 =	sor.u32 $0x770, s16;
	v10 =	vshll.u32 v38, $0x3;
	v53 =	vld.idx.msk [tilespmem:v1+s24+$0x0 ss:$0x1], $0xffff  }
0x163: {  	s16 =	sor.u32 $0x7F0, s16;
	v16 =	vshll.u32 v36, $0x3;
	v10 =	vshrl.u32 v37, v10;
	v11 =	vshll.u32 v40, $0x3;
	v54 =	vld.idx.msk [tilespmem:v2+s25+$0x0 ss:$0x1], $0xffff  }
0x164: {  	v8 =	vshrl.u32 v33, v16;
	v10 =	vshll.u32 v10, $0x8;
	v7 =	vshrl.u32 v39, v11;
	v57 =	vld.idx.msk [tilespmem:v2+s16+$0x0 ss:$0x1], $0xffff  }
0x165: {  	v8 =	vand.u32 $0xFF, v8;
	v10 =	vand.u32 $0xFF00, v10;
	v7 =	vshll.u32 v7, $0x10;
	v55 =	vld.idx.msk [tilespmem:v1+s25+$0x0 ss:$0x1], $0xffff  }
0x166: {  	v58 =	vshll.u32 v43, $0x3;
	v56 =	vor.u32 v8, v10;
	v7 =	vand.u32 $0xFF0000, v7  }
0x167: {  	v5 =	vor.u32 v51, v5;
	v60 =	vld.idx.msk [tilespmem:v1+s16+$0x0 ss:$0x1], $0xffff;
	v6 =	vor.u32 v7, v56;
	v7 =	vshrl.u32 v42, v58  }
0x168: {  	v7 =	vshll.u32 v7, $0x18;
	v59 =	vshll.u32 v52, $0x3;
	v61 =	vshll.u32 v50, $0x3  }
0x169: {  	v11 =	vshll.u32 v54, $0x3;
	v8 =	vshll.u32 v57, $0x3;
	v9 =	vshrl.u32 v53, v59  }
0x16a: {  	p0 =	slt.u32 s15, $0xC;
	v12 =	vshrl.u32 v47, v61;
	v11 =	vshrl.u32 v55, v11;
	v9 =	vshll.u32 v9, $0x8  }
.Ltmp6:
0x16b: {  	s26 =	sshra.s32 s17, $0x2;
	v12 =	vand.u32 $0xFF, v12;
	v11 =	vshll.u32 v11, $0x10;
	v9 =	vand.u32 $0xFF00, v9;
	(pc) =	sbr.rel @p0 .LBB2_8-.Ltmp6, $4  }
0x16c: {  	[tilespmem:v3+s26+$0x0 ss:$0x1] =	vst.idx.msk $0xffff, v4;
	s28 =	sshrl.u32 s18, $0x2;
	v4 =	vshrl.u32 v60, v8;
	v62 =	vand.u32 $0xFF0000, v11;
	v9 =	vor.u32 v12, v9  }
0x16d: {  	s29 =	sshrl.u32 s22, $0x2;
	[tilespmem:v3+s28+$0x0 ss:$0x1] =	vst.idx.msk $0xffff, v5;
	v5 =	vor.u32 v7, v6;
	v4 =	vshll.u32 v4, $0x18;
	v63 =	vor.u32 v62, v9  }
0x16e: {  	s30 =	sshrl.u32 s19, $0x2;
	s31 =	sadd.s32 $0x4, s15;
	[tilespmem:v3+s29+$0x0 ss:$0x1] =	vst.idx.msk $0xffff, v5;
	v4 =	vor.u32 v4, v63  }
0x16f: {  	s15 =	smov.u32 s31;
	[tilespmem:v3+s30+$0x0 ss:$0x1] =	vst.idx.msk $0xffff, v4  }
.Ltmp7:
0x170: {  	(pc) =	sbr.rel .LBB2_10-.Ltmp7, $4  }
0x171: {  	_ = 	snop  }
0x172: {  	s15 =	sshrl.u32 s13, $0x2;
	s31 =	sshrl.u32 s13, $0x5  }
0x173: {  	s13 =	sadd.s32 s31, s4;
	s15 =	sand.u32 $0x7, s15  }
0x174: {  	[hbm4b:s13+s15] =	stream.linear.scatter [tilespmem:s14], [sflag:$0x4], $0x800, $0x38;
	[tilespmem:$0xB000] =	vst v63  }
.LBB2_12:
0x175: {  	s2 =	simm.s32 $0x4  }
0x176: {  	_ =	swait.ge [sflag:s2], $0x800  }
0x177: {  	[sflag:s2] =	ssyncset.done $0x0  }
0x178: {  	[sflag:s2] =	ssyncadd.s32 $0xFFFFF800  }
0x179: {  	_ =	sfence.sel $0x180000  }
0x17a: {  	s3 =	simm.s32 $0x2;
	[bflag:$0x0] =	sbarrier.arrive $0xFFFF  }
0x17b: {  	s30 =	simm.s32 $0x3;
	[sflag:s3] =	ssyncpa.u1 $0x1  }
0x17c: {  	[sflag:s30] =	ssyncpa.u1 $0x1  }
0x17d: {  	s31 =	simm.s32 $0x1;
	[sflag:s2] =	ssyncpa.u1 $0x1  }
0x17e: {  	[sflag:s31] =	ssyncpa.u1 $0x1  }
0x17f: {  	p0 =	sne.s32 s1, $0x0;
	_ =	strace $0x90000053  }
0x180: {  	s0 =	sadd.s32 @!p0 $0x100000, s0;
	[bflag:$0x2] =	sbarrier.arrive $0xFFFF  }
0x181: {  	[sflag:s0] =	ssyncadd.tile.s32 @!p0 $0x1;
	_ =	shalt  }
.Lfunc_end2:
_tile_overlayer_lowered:
.L_overlay_start_2:
0x182: {  	(tag) =	ssettag $0x2  }
0x183: {  	s0 =	rddreg [dreg:$0x0];
	s2 =	stileid.u32  }
0x184: {  	s1 =	rddreg [dreg:$0x1];
	p0 =	sne.s32 s2, $0x0  }
0x185: {  	s3 =	rddreg [dreg:$0x2];
	[bflag:$0x3] =	sbarrier.arrive $0xFFFF;
	s2 =	simm.s32 @!p0 $0x1C01  }
0x186: {  	[timem:s3], [sflag:s2] =	dma.local @!p0 [hbm:s0], s1  }
0x187: {  	s0 =	simm.s32 @!p0 $0x1  }
0x188: {  	_ =	swait.ge @!p0 [sflag:s0], s1  }
0x189: {  	s1 =	ssub.s32 @!p0 $0x0, s1;
	[sflag:s0] =	ssyncset.done @!p0 $0x0  }
0x18a: {  	[sflag:s0] =	ssyncadd.s32 @!p0 s1  }
0x18b: {  	[bflag:$0x3] =	sbarrier.arrive $0xFFFF  }
0x18c: {  	_ =	shalt  }

// kernel: gather_offload_async_start.2
scs
__scs_entry_jumppad:
0x0: {  	(pc) =	sbr.rel $0x88, $3  }
0x1: {  	(tag) =	ssettag $0x0;
	lr =	simm.s32 $0x1  }
0x2: {  	[smem:$0x3F91] =	sst lr;
	_ =	strace $0xD0000000  }
0x3: {  	_ = 	snop  }
0x4: {  	_ = 	snop  }
0x5: {  	_ = 	snop  }
0x6: {  	_ = 	snop  }
0x7: {  	_ = 	snop  }
__scs_overlays_trampoline_lowered:
0x8: {  	[smem:$0x3FA0] =	sst s0  }
0x9: {  	[smem:$0x3FA1] =	sst s1  }
0xa: {  	[smem:$0x3FA2] =	sst s2  }
0xb: {  	[smem:$0x3FA3] =	sst s3  }
0xc: {  	[smem:$0x3FA4] =	sst s4  }
0xd: {  	[smem:$0x3FA5] =	sst s5  }
0xe: {  	[smem:$0x3FA6] =	sst s6  }
0xf: {  	[smem:$0x3FA7] =	sst s7  }
0x10: {  	[smem:$0x3FA8] =	sst s8  }
0x11: {  	[smem:$0x3FA9] =	sst s9;
	s0 =	simm.s32 @!p0 $0x0  }
0x12: {  	s1 =	sld [smem:$0x3F8F];
	s0 =	simm.s32 @p0 $0x1  }
0x13: {  	[smem:$0x3FAA] =	sst s0;
	s0 =	simm.s32 @!p1 $0x0  }
0x14: {  	s2 =	sld [smem:$0x3F8E];
	s0 =	simm.s32 @p1 $0x1  }
0x15: {  	[smem:$0x3FAB] =	sst s0;
	s0 =	simm.s32 @!p2 $0x0  }
0x16: {  	s3 =	sld [smem:$0x3FDB];
	s0 =	simm.s32 @p2 $0x1  }
0x17: {  	s4 =	simm.s32 $0x1BF5;
	[smem:$0x3FAD] =	sst s0  }
0x18: {  	s0 =	sld [smem:$0x3F90];
	_ =	swait.ge [sflag:s4], $0x0  }
0x19: {  	s7 =	sld [smem:$0x3F91]  }
0x1a: {  	s8 =	sadd.s32 $0xFFFFE003, lr  }
0x1b: {  	s9 =	sadd.s32 $0xFFFFFEF7, lr;
	s5 =	simm.s32 $0xFFFFFFFF;
	p2 =	slt.u32 s8, $0xFFFFF086  }
0x1c: {  	p1 =	slt.u32 s9, $0xF7A;
	s5 =	simm.s32 @!p2 $0x0  }
0x1d: {  	s5 =	simm.s32 @p1 $0x1;
	p0 =	seq.s32 s7, s2  }
0x1e: {  	s7 =	smul.u32 @!p0 $0xF7A, s2;
	p2 =	seq.s32 @!p0 s5, $0x0  }
0x1f: {  	s9 =	smul.u32 $0xF7A, s1;
	s8 =	simm.s32 @!p0 $0x1BF5;
	p2 =	por !p2, p0  }
0x20: {  	[sflag:s8] =	ssyncset.s32 @!p0 $0xFFFFF086;
	s6 =	sadd.s32 @!p0 s3, s7;
	s7 =	simm.s32 @!p0 $0x108  }
0x21: {  	s3 =	sadd.s32 s3, s9;
	s6 =	sadd.s32 @!p0 $0x88, s6;
	s7 =	simm.s32 @p2 $0x1082  }
0x22: {  	[simem:s7], [sflag:s8] =	dma.local @!p0 [hbm:s6], $0xF7A  }
0x23: {  	s9 =	sor.u32 $0xD0000000, s2;
	s6 =	simm.s32 $0x108;
	_ =	swait.ge @!p0 [sflag:s8], $0x0  }
0x24: {  	s3 =	sadd.s32 $0x88, s3;
	s6 =	simm.s32 @!p1 $0x1082;
	[sflag:s4] =	ssyncset.s32 $0xFFFFF086  }
0x25: {  	[simem:s6], [sflag:s4] =	dma.local [hbm:s3], $0xF7A  }
0x26: {  	[smem:$0x3F91] =	sst s1;
	(tag) =	ssettag s2;
	_ =	strace s9  }
0x27: {  	s1 =	sld [smem:$0x3FA1]  }
0x28: {  	s2 =	sld [smem:$0x3FA2]  }
0x29: {  	s4 =	sld [smem:$0x3FA4]  }
0x2a: {  	p0 =	seq.s32 s5, $0x0;
	s5 =	sld [smem:$0x3FA5]  }
0x2b: {  	s6 =	sld [smem:$0x3FA6]  }
0x2c: {  	s7 =	sld [smem:$0x3FA7]  }
0x2d: {  	s3 =	simm.s32 $0x108;
	s8 =	sld [smem:$0x3FA8]  }
0x2e: {  	s3 =	simm.s32 @!p0 $0x1082;
	s9 =	sld [smem:$0x3FA9]  }
0x2f: {  	lr =	sadd.s32 s0, s3;
	s0 =	sld [smem:$0x3FA0]  }
0x30: {  	s3 =	sld [smem:$0x3FA3]  }
0x31: {  	[smem:$0x3FAC] =	sst s10  }
0x32: {  	s10 =	sld [smem:$0x3FAA];
	_ =	sdelay $0x3  }
0x33: {  	p0 =	seq.s32 s10, $0x1;
	s10 =	sld [smem:$0x3FAC];
	_ =	sdelay $0x3  }
0x34: {  	[smem:$0x3FAC] =	sst s10  }
0x35: {  	s10 =	sld [smem:$0x3FAB];
	_ =	sdelay $0x3  }
0x36: {  	p1 =	seq.s32 s10, $0x1;
	s10 =	sld [smem:$0x3FAC];
	_ =	sdelay $0x3  }
0x37: {  	[smem:$0x3FAC] =	sst s10  }
0x38: {  	s10 =	sld [smem:$0x3FAD]  }
0x39: {  	_ = 	snop;
	(pc) =	sbr.ind lr, $3  }
0x3a: {  	_ = 	snop  }
0x3b: {  	_ = 	snop  }
0x3c: {  	p2 =	seq.s32 s10, $0x1;
	s10 =	sld [smem:$0x3FAC]  }
0x3d: {  	_ =	shalt  }
0x3e: {  	_ =	shalt  }
0x3f: {  	_ =	shalt  }
0x40: {  	_ =	shalt  }
0x41: {  	_ =	shalt  }
0x42: {  	_ =	shalt  }
0x43: {  	_ =	shalt  }
0x44: {  	_ =	shalt  }
0x45: {  	_ =	shalt  }
0x46: {  	_ =	shalt  }
0x47: {  	_ =	shalt  }
0x48: {  	_ =	shalt  }
0x49: {  	_ =	shalt  }
0x4a: {  	_ =	shalt  }
0x4b: {  	_ =	shalt  }
0x4c: {  	_ =	shalt  }
0x4d: {  	_ =	shalt  }
0x4e: {  	_ =	shalt  }
0x4f: {  	_ =	shalt  }
0x50: {  	_ =	shalt  }
0x51: {  	_ =	shalt  }
0x52: {  	_ =	shalt  }
0x53: {  	_ =	shalt  }
0x54: {  	_ =	shalt  }
0x55: {  	_ =	shalt  }
0x56: {  	_ =	shalt  }
0x57: {  	_ =	shalt  }
0x58: {  	_ =	shalt  }
0x59: {  	_ =	shalt  }
0x5a: {  	_ =	shalt  }
0x5b: {  	_ =	shalt  }
0x5c: {  	_ =	shalt  }
0x5d: {  	_ =	shalt  }
0x5e: {  	_ =	shalt  }
0x5f: {  	_ =	shalt  }
0x60: {  	_ =	shalt  }
0x61: {  	_ =	shalt  }
0x62: {  	_ =	shalt  }
0x63: {  	_ =	shalt  }
0x64: {  	_ =	shalt  }
0x65: {  	_ =	shalt  }
0x66: {  	_ =	shalt  }
0x67: {  	_ =	shalt  }
0x68: {  	_ =	shalt  }
0x69: {  	_ =	shalt  }
0x6a: {  	_ =	shalt  }
0x6b: {  	_ =	shalt  }
0x6c: {  	_ =	shalt  }
0x6d: {  	_ =	shalt  }
0x6e: {  	_ =	shalt  }
0x6f: {  	_ =	shalt  }
0x70: {  	_ =	shalt  }
0x71: {  	_ =	shalt  }
0x72: {  	_ =	shalt  }
0x73: {  	_ =	shalt  }
0x74: {  	_ =	shalt  }
0x75: {  	_ =	shalt  }
0x76: {  	_ =	shalt  }
0x77: {  	_ =	shalt  }
0x78: {  	_ =	shalt  }
0x79: {  	_ =	shalt  }
0x7a: {  	_ =	shalt  }
0x7b: {  	_ =	shalt  }
0x7c: {  	_ =	shalt  }
0x7d: {  	_ =	shalt  }
0x7e: {  	_ =	shalt  }
0x7f: {  	_ =	shalt  }
0x80: {  	_ =	shalt  }
0x81: {  	_ =	shalt  }
0x82: {  	_ =	shalt  }
0x83: {  	_ =	shalt  }
0x84: {  	_ =	shalt  }
0x85: {  	_ =	shalt  }
0x86: {  	_ =	shalt  }
0x87: {  	_ =	shalt  }
.Lfunc_end0:
.L_simem_size_0:
called_computation.4_lowered:
.L_overlay_start_0:
0x88: {  	s2 =	sld [smem:$0x3FD9]  }
0x89: {  	s3 =	sld [smem:$0x3FFE];
	_ =	sdelay $0x1  }
0x8a: {  	s1 =	srdreg.scid  }
0x8b: {  	s0 =	sand.u32 $0x1, s1  }
0x8c: {  	s16 =	sshll.u32 s0, $0xA;
	s2 =	sadd.s32 s3, s2  }
0x8d: {  	s2 =	sadd.s32 s2, s16  }
0x8e: {  	[smem:$0x3FB8] =	sst s2  }
0x8f: {  	_ = 	snop  }
0x90: {  	(tm) =	ssettm $0x1  }
0x91: {  	s17 =	sld [smem:$0x3FFB];
	_ =	sdelay $0x3  }
0x92: {  	_ =	strace s17  }
0x93: {  	s2 =	sld [smem:$0x3FFC];
	_ =	sdelay $0x3  }
0x94: {  	_ =	strace s2  }
0x95: {  	s2 =	sld [smem:$0x3FFD];
	_ =	sdelay $0x3  }
0x96: {  	_ =	strace s2  }
0x97: {  	_ =	strace $0x8FFFFFFF  }
0x98: {  	s18 =	sld [smem:$0x3FDB];
	_ =	sdelay $0x1  }
0x99: {  	s19 =	simm.s32 $_scs_section_size  }
0x9a: {  	s4 =	simm.s32 $_size__tile_overlayer_lowered;
	s5 =	simm.s32 $_tile_overlayer_lowered  }
0x9b: {  	s22 =	simm.s32 $0x1BFF;
	s21 =	sshll.u32 s5, $0x1;
	s2 =	sadd.s32 s19, s18  }
0x9c: {  	s6 =	simm.s32 $0x0;
	s20 =	sshll.u32 s4, $0x1;
	s4 =	sadd.s32 s21, s2  }
0x9d: {  	[timem:s6], [sflag:s22] =	dma.local [hbm:s4], s20  }
0x9e: {  	_ =	swait.ge [sflag:s22], s20  }
0x9f: {  	s3 =	ssub.s32 $0x0, s20;
	[sflag:s22] =	ssyncset.done $0x0  }
0xa0: {  	[sflag:s22] =	ssyncadd.s32 s3;
	_ =	sdelay $0x1  }
0xa1: {  	s23 =	simm.s32 $0x1B8B  }
0xa2: {  	_ =	swait.ge [sflag:s23], $0x1  }
0xa3: {  	[sflag:s23] =	ssyncset.done $0x0  }
0xa4: {  	s25 =	simm.s32 $0x1B8E;
	s24 =	sld [smem:$0x3FFE];
	[sflag:s23] =	ssyncadd.s32 $0xFFFFFFFF  }
0xa5: {  	s26 =	simm.s32 $execute0_lowered;
	[smem:$0x3FD2] =	sst s25  }
0xa6: {  	s4 =	sshll.u32 s26, $0x1;
	_ =	strace $0x8000004F;
	[dreg:$0x1] =	wrdreg $0xFFFFFFFF  }
0xa7: {  	s28 =	simm.s32 $_size_execute0_lowered;
	s2 =	sadd.s32 s2, s4;
	[dreg:$0x0] =	wrdreg $0x0  }
0xa8: {  	s4 =	sshll.u32 s28, $0x1;
	[dreg:$0x2] =	wrdreg s2  }
0xa9: {  	[dreg:$0x3] =	wrdreg s4  }
0xaa: {  	[dreg:$0x4] =	wrdreg $0xC0  }
0xab: {  	_ =	task [dreg:s6], $0x5FFFF  }
0xac: {  	[dreg:$0x1] =	wrdreg $0xFFFFFFFF  }
0xad: {  	[dreg:$0x0] =	wrdreg $0x60  }
0xae: {  	[dreg:$0x2] =	wrdreg s24  }
0xaf: {  	[dreg:$0x3] =	wrdreg $0x9  }
0xb0: {  	_ =	task.clear_ibuf [dreg:s6], $0x4FFFF;
	_ =	strace $0x9000004F  }
0xb1: {  	s29 =	simm.s32 $0x9;
	_ =	strace $0x80000051  }
0xb2: {  	_ =	swait.ge [sflag:s29], $0x1  }
0xb3: {  	[sflag:s29] =	ssyncadd.s32 $0xFFFFFFFF  }
0xb4: {  	_ =	strace $0x90000051  }
0xb5: {  	_ =	sfence  }
0xb6: {  	s30 =	sld [smem:$0x0];
	_ =	sdelay $0x2  }
0xb7: {  	s31 =	sshll.u32 s1, $0xD;
	s1 =	sshrl.u32 s1, $0x2  }
0xb8: {  	s3 =	sand.u32 $0x4000, s31;
	s1 =	sadd.s32 s1, s30  }
0xb9: {  	s0 =	sor.u32 s3, s0;
	s1 =	sshll.u32 s1, $0x11  }
0xba: {  	s0 =	sor.u32 s1, s0  }
0xbb: {  	s0 =	sadd.s32 $0x8F2B, s0  }
0xbc: {  	[sflag:s0] =	ssyncadd.remote.s32 $0x1  }
0xbd: {  	_ =	sfence.sel $0xFFFF  }
0xbe: {  	[dreg:$0x0] =	wrdreg $0xFFFFFFFF;
	(pc) =	sbr.abs _section_cstart, $3  }
0xbf: {  	[dreg:$0x1] =	wrdreg $0xFFFFFFFF  }
0xc0: {  	_ =	task.clear_ibuf [dreg:s6], $0x2FFFF;
	_ =	strace $0x9FFFFFFF  }
0xc1: {  	(tm) =	ssettm $0x7FFFFFFF  }
tec
execute0_lowered:
.L_overlay_start_1:
0x0: {  	(tag) =	ssettag $0x1  }
0x1: {  	s0 =	srdreg.scid;
	s5 =	rddreg [dreg:$0x0]  }
0x2: {  	s1 =	stileid.u32;
	s6 =	simm.s32 $0x1;
	s9 =	simm.s32 $0x1  }
0x3: {  	s10 =	simm.s32 $0x3;
	s13 =	simm.s32 $0x0;
	s2 =	sshll.u32 s0, $0xC  }
0x4: {  	s12 =	simm.s32 $0x0;
	s3 =	sshll.u32 s1, $0xD;
	s2 =	sand.u32 $0x1000, s2  }
0x5: {  	s0 =	rddreg [dreg:$0x1];
	_ =	strace $0x80000050;
	s2 =	sor.u32 s3, s2  }
0x6: {  	s4 =	sadd.s32 $0x9AC00, s5;
	[sflag:s6] =	ssyncpa.u1 $0x0;
	s8 =	ssub.s32 $0x40000, s2  }
.Ltmp0:
0x7: {  	s3 =	sadd.s32 $0xA2C00, s5;
	s7 =	sand.u32 $0x1F000, s8;
	(pc) =	sbr.rel .LBB2_1-.Ltmp0, $4  }
0x8: {  	s5 =	sadd.s32 $0x20C00, s5;
	s11 =	smov.u32 s2;
	p0 =	sne.s32 s7, $0x0  }
0x9: {  	s8 =	sshrl.u32 s8, $0x11;
	s7 =	simm.s32 $0x2;
	s9 =	simm.s32 @!p0 $0x0  }
0xa: {  	[sflag:s7] =	ssyncpa.u1 $0x0;
	p0 =	por $0x0, $0x0;
	s8 =	sadd.s32 s9, s8  }
0xb: {  	vm0 =	vmmov $0xffff;
	[sflag:s10] =	ssyncpa.u1 $0x0;
	s10 =	simm.s32 $0x0;
	s9 =	sadd.s32 $0x1, s8  }
.LBB2_4:
0xc: {  	v5 =	vshrl.u32 v1, $0xE;
	v6 =	vshll.u32 v1, $0x7  }
0xd: {  	vm1 =	veq.s32 v1, $0x80000000;
	v58 =	vand.u32 $0x3F, v5;
	v59 =	vand.u32 $0x1FFF80, v6  }
0xe: {  	v1 =	vsel vm1, $0xFFFFFFFF, v58;
	v5 =	vsel vm1, $0xFFFFFF80, v59  }
0xf: {  	v3 =	vor.u32 v4, v3;
	v60 =	vand.u32 $0xFFFFFC00, v5;
	v61 =	vand.u32 $0xFFFFFC00, v1  }
0x10: {  	v2 =	vor.u32 v2, v3;
	v63 =	vand.u32 $0x380, v5;
	v62 =	vadd.s32 v61, v60  }
0x11: {  	v1 =	vand.u32 $0x7F, v1;
	v3 =	vor.u32 v63, v62  }
0x12: {  	v1 =	vor.u32 v1, v3  }
0x13: {  	[tilespmem:s15], [sflag:$0x1] =	stream.indirect_vreg.gather [hbm4b:s3+s10], $0x1, v0, vm0, $0x4038;
	[tilespmem:$0x4000] =	vst v63  }
0x14: {  	(ifvalue) =	ssetifvalue $0x7FFFFFFF  }
0x15: {  	[tilespmem:s16], [sflag:$0x1] =	stream.indirect_vreg.gather [hbm4b:s3+s10], $0x1, v2, vm0, $0x4038;
	[tilespmem:$0x4000] =	vst v63  }
0x16: {  	s29 =	sadd.s32 $0x10, s16;
	(ifvalue) =	ssetifvalue $0x7FFFFFFF  }
0x17: {  	[tilespmem:s29], [sflag:$0x1] =	stream.indirect_vreg.gather [hbm4b:s3+s10], $0x1, v1, vm0, $0x4038;
	[tilespmem:$0x4000] =	vst v63  }
0x18: {  	_ =	swait.ge [sflag:s6], $0x1000  }
0x19: {  	s30 =	sshrl.u32 s13, $0x3;
	[sflag:s6] =	ssyncset.done $0x0  }
0x1a: {  	s31 =	sand.u32 $0x7, s13;
	s15 =	sadd.s32 s5, s30;
	[sflag:s6] =	ssyncadd.s32 $0xFFFFF000  }
0x1b: {  	[hbm4b:s15+s31] =	stream.linear.scatter [tilespmem:s14], [sflag:$0x3], $0x1000, $0x38;
	[tilespmem:$0x4000] =	vst v63  }
.LBB2_5:
0x1c: {  	s15 =	sadd.s32 $0x20000, s11  }
0x1d: {  	p2 =	sgt.s32 s15, $0x3FFFF  }
0x1e: {  	s15 =	smov.u32 @p2 s2;
	p2 =	sne.s32 s12, s9  }
.Ltmp1:
0x1f: {  	p1 =	slt.u32 s12, $0x2;
	(pc) =	sbr.rel @!p2 .LBB2_6-.Ltmp1, $4  }
0x20: {  	s14 =	simm.s32 @!p1 $0x3  }
0x21: {  	s16 =	sadd.s32 $0x1, s12;
	_ =	swait.ge @!p1 [sflag:s14], $0x1000  }
0x22: {  	s13 =	smov.u32 s11;
	p0 =	por !p0, !p0;
	[sflag:s14] =	ssyncset.done @!p1 $0x0  }
0x23: {  	s12 =	smov.u32 s16;
	s11 =	smov.u32 s15;
	[sflag:s14] =	ssyncadd.s32 @!p1 $0xFFFFF000  }
.LBB2_1:
0x24: {  	p1 =	sge.u32 s12, s8  }
0x25: {  	s14 =	sxor.u32 @!p1 $0xFFFFFFFF, s12  }
0x26: {  	s31 =	sadd.s32 $0xFFFFFFFF, s12;
	s15 =	sshrl.u32 @!p1 s11, $0x3;
	s14 =	sshll.u32 @!p1 s14, $0xC  }
0x27: {  	s16 =	sand.u32 @!p1 $0x7, s11;
	s15 =	sadd.s32 @!p1 s4, s15;
	s14 =	sand.u32 @!p1 $0x1000, s14  }
0x28: {  	[tilespmem:s14], [sflag:$0x2] =	stream.linear.gather @!p1 [hbm4b:s15+s16], $0x1000, $0x38;
	[tilespmem:$0x4000] =	vst v63  }
0x29: {  	p1 =	sge.u32 s31, s8  }
.Ltmp2:
0x2a: {  	_ = 	snop;
	(pc) =	sbr.rel @p1 .LBB2_5-.Ltmp2, $1  }
0x2b: {  	_ =	sdelay $0x3  }
0x2c: {  	s14 =	simm.s32 $0x1  }
0x2d: {  	_ =	swait.ge [sflag:s7], $0x1000;
	s14 =	simm.s32 @!p0 $0x0  }
0x2e: {  	[sflag:s7] =	ssyncset.done $0x0;
	s14 =	sshll.u32 s14, $0xC  }
0x2f: {  	[sflag:s7] =	ssyncadd.s32 $0xFFFFF000;
	(ifvalue) =	ssetifvalue $0x7FFFFFFF;
	v0 =	vld.msk [tilespmem:s14+$0x0 ss:$0x1], $0xffff;
	_ =	sdelay $0x4  }
0x30: {  	s15 =	sadd.s32 $0x10, s14;
	v2 =	vshrl.u32 v0, $0xE;
	v3 =	vshll.u32 v0, $0x7  }
0x31: {  	v1 =	vld.msk [tilespmem:s15+$0x0 ss:$0x1], $0xffff;
	vm1 =	veq.s32 v0, $0x80000000;
	v0 =	vand.u32 $0x3F, v2;
	v2 =	vand.u32 $0x1FFF80, v3  }
0x32: {  	v0 =	vsel vm1, $0xFFFFFFFF, v0;
	v2 =	vsel vm1, $0xFFFFFF80, v2  }
0x33: {  	v3 =	vand.u32 $0xFFFFFC00, v2;
	v4 =	vand.u32 $0xFFFFFC00, v0  }
0x34: {  	v2 =	vand.u32 $0x380, v2;
	v3 =	vadd.s32 v4, v3  }
0x35: {  	v0 =	vand.u32 $0x7F, v0;
	v2 =	vor.u32 v2, v3  }
0x36: {  	v5 =	vshll.u32 v1, $0x7;
	v4 =	vshrl.u32 v1, $0xE;
	v0 =	vor.u32 v0, v2  }
0x37: {  	s16 =	sshll.u32 s12, $0xC;
	vm1 =	veq.s32 v1, $0x80000000;
	v1 =	vand.u32 $0x3F, v4;
	v4 =	vand.u32 $0x1FFF80, v5  }
0x38: {  	s16 =	sand.u32 $0x1000, s16;
	s18 =	sadd.s32 $0x10, s15;
	v3 =	vsel vm1, $0xFFFFFFFF, v1;
	v4 =	vsel vm1, $0xFFFFFF80, v4  }
0x39: {  	s17 =	simm.s32 $0x20;
	s15 =	sor.u32 $0x2000, s14;
	s14 =	sor.u32 $0x2000, s16;
	v1 =	vld.msk [tilespmem:s18+$0x0 ss:$0x1], $0xffff;
	v5 =	vand.u32 $0xFFFFFC00, v4;
	v6 =	vand.u32 $0xFFFFFC00, v3  }
0x3a: {  	s16 =	sadd.s32 $0x10, s15;
	s18 =	sadd.s32 $0x10, s18;
	(ifvalue) =	ssetifvalue $0x7FFFFFFF;
	v2 =	vand.u32 $0x7F, v3;
	v4 =	vand.u32 $0x380, v4;
	v3 =	vadd.s32 v6, v5  }
.LBB2_3:
0x3b: {  	[tilespmem:s15], [sflag:$0x1] =	stream.indirect_vreg.gather [hbm4b:s3+s10], $0x1, v0, vm0, $0x4038;
	[tilespmem:$0x4000] =	vst v63  }
0x3c: {  	s17 =	sadd.s32 $0x10, s17  }
0x3d: {  	v3 =	vor.u32 v4, v3;
	p1 =	slt.u32 s17, $0xFF0  }
.Ltmp3:
0x3e: {  	v4 =	vshrl.u32 v1, $0xE;
	v5 =	vshll.u32 v1, $0x7;
	s15 =	smov.u32 s16;
	v0 =	vor.u32 v2, v3;
	v2 =	vmovc v1;
	v1 =	vld.msk [tilespmem:s18+$0x0 ss:$0x1], $0xffff;
	(pc) =	sbr.rel @p1 .LBB2_3-.Ltmp3, $4  }
0x3f: {  	v3 =	vand.u32 $0x1FFF80, v5;
	vm1 =	veq.s32 v2, $0x80000000;
	v2 =	vand.u32 $0x3F, v4  }
0x40: {  	v4 =	vsel vm1, $0xFFFFFFFF, v2;
	v5 =	vsel vm1, $0xFFFFFF80, v3  }
0x41: {  	v2 =	vand.u32 $0x7F, v4;
	v3 =	vand.u32 $0xFFFFFC00, v5;
	v4 =	vand.u32 $0xFFFFFC00, v4  }
0x42: {  	s16 =	sadd.s32 $0x10, s16;
	s18 =	sadd.s32 $0x10, s18;
	v3 =	vadd.s32 v4, v3;
	v4 =	vand.u32 $0x380, v5;
	(ifvalue) =	ssetifvalue $0x7FFFFFFF  }
.Ltmp4:
0x43: {  	_ = 	snop;
	(pc) =	sbr.rel .LBB2_4-.Ltmp4, $1  }
0x44: {  	_ =	sdelay $0x3  }
.LBB2_6:
0x45: {  	_ =	sfence.sel $0x180000  }
0x46: {  	s2 =	simm.s32 $0x2;
	[bflag:$0x0] =	sbarrier.arrive $0xFFFF  }
0x47: {  	s30 =	simm.s32 $0x3;
	[sflag:s2] =	ssyncpa.u1 $0x1  }
0x48: {  	s31 =	simm.s32 $0x1;
	[sflag:s30] =	ssyncpa.u1 $0x1  }
0x49: {  	[sflag:s31] =	ssyncpa.u1 $0x1  }
0x4a: {  	p0 =	sne.s32 s1, $0x0;
	_ =	strace $0x90000050  }
0x4b: {  	s0 =	sadd.s32 @!p0 $0x100000, s0;
	[bflag:$0x2] =	sbarrier.arrive $0xFFFF  }
0x4c: {  	[sflag:s0] =	ssyncadd.tile.s32 @!p0 $0x1;
	_ =	shalt  }
.Lfunc_end2:
_tile_overlayer_lowered:
.L_overlay_start_2:
0x4d: {  	(tag) =	ssettag $0x2  }
0x4e: {  	s0 =	rddreg [dreg:$0x0];
	s2 =	stileid.u32  }
0x4f: {  	s1 =	rddreg [dreg:$0x1];
	p0 =	sne.s32 s2, $0x0  }
0x50: {  	s3 =	rddreg [dreg:$0x2];
	[bflag:$0x3] =	sbarrier.arrive $0xFFFF;
	s2 =	simm.s32 @!p0 $0x1C01  }
0x51: {  	[timem:s3], [sflag:s2] =	dma.local @!p0 [hbm:s0], s1  }
0x52: {  	s0 =	simm.s32 @!p0 $0x1  }
0x53: {  	_ =	swait.ge @!p0 [sflag:s0], s1  }
0x54: {  	s1 =	ssub.s32 @!p0 $0x0, s1;
	[sflag:s0] =	ssyncset.done @!p0 $0x0  }
0x55: {  	[sflag:s0] =	ssyncadd.s32 @!p0 s1  }
0x56: {  	[bflag:$0x3] =	sbarrier.arrive $0xFFFF  }
0x57: {  	_ =	shalt  }

// kernel: gather_offload_async_start.3
scs
__scs_entry_jumppad:
0x0: {  	(pc) =	sbr.rel $0x88, $3  }
0x1: {  	(tag) =	ssettag $0x0;
	lr =	simm.s32 $0x1  }
0x2: {  	[smem:$0x3F91] =	sst lr;
	_ =	strace $0xD0000000  }
0x3: {  	_ = 	snop  }
0x4: {  	_ = 	snop  }
0x5: {  	_ = 	snop  }
0x6: {  	_ = 	snop  }
0x7: {  	_ = 	snop  }
__scs_overlays_trampoline_lowered:
0x8: {  	[smem:$0x3FA0] =	sst s0  }
0x9: {  	[smem:$0x3FA1] =	sst s1  }
0xa: {  	[smem:$0x3FA2] =	sst s2  }
0xb: {  	[smem:$0x3FA3] =	sst s3  }
0xc: {  	[smem:$0x3FA4] =	sst s4  }
0xd: {  	[smem:$0x3FA5] =	sst s5  }
0xe: {  	[smem:$0x3FA6] =	sst s6  }
0xf: {  	[smem:$0x3FA7] =	sst s7  }
0x10: {  	[smem:$0x3FA8] =	sst s8  }
0x11: {  	[smem:$0x3FA9] =	sst s9;
	s0 =	simm.s32 @!p0 $0x0  }
0x12: {  	s1 =	sld [smem:$0x3F8F];
	s0 =	simm.s32 @p0 $0x1  }
0x13: {  	[smem:$0x3FAA] =	sst s0;
	s0 =	simm.s32 @!p1 $0x0  }
0x14: {  	s2 =	sld [smem:$0x3F8E];
	s0 =	simm.s32 @p1 $0x1  }
0x15: {  	[smem:$0x3FAB] =	sst s0;
	s0 =	simm.s32 @!p2 $0x0  }
0x16: {  	s3 =	sld [smem:$0x3FDB];
	s0 =	simm.s32 @p2 $0x1  }
0x17: {  	s4 =	simm.s32 $0x1BF5;
	[smem:$0x3FAD] =	sst s0  }
0x18: {  	s0 =	sld [smem:$0x3F90];
	_ =	swait.ge [sflag:s4], $0x0  }
0x19: {  	s7 =	sld [smem:$0x3F91]  }
0x1a: {  	s8 =	sadd.s32 $0xFFFFE003, lr  }
0x1b: {  	s9 =	sadd.s32 $0xFFFFFEF7, lr;
	s5 =	simm.s32 $0xFFFFFFFF;
	p2 =	slt.u32 s8, $0xFFFFF086  }
0x1c: {  	p1 =	slt.u32 s9, $0xF7A;
	s5 =	simm.s32 @!p2 $0x0  }
0x1d: {  	s5 =	simm.s32 @p1 $0x1;
	p0 =	seq.s32 s7, s2  }
0x1e: {  	s7 =	smul.u32 @!p0 $0xF7A, s2;
	p2 =	seq.s32 @!p0 s5, $0x0  }
0x1f: {  	s9 =	smul.u32 $0xF7A, s1;
	s8 =	simm.s32 @!p0 $0x1BF5;
	p2 =	por !p2, p0  }
0x20: {  	[sflag:s8] =	ssyncset.s32 @!p0 $0xFFFFF086;
	s6 =	sadd.s32 @!p0 s3, s7;
	s7 =	simm.s32 @!p0 $0x108  }
0x21: {  	s3 =	sadd.s32 s3, s9;
	s6 =	sadd.s32 @!p0 $0x88, s6;
	s7 =	simm.s32 @p2 $0x1082  }
0x22: {  	[simem:s7], [sflag:s8] =	dma.local @!p0 [hbm:s6], $0xF7A  }
0x23: {  	s9 =	sor.u32 $0xD0000000, s2;
	s6 =	simm.s32 $0x108;
	_ =	swait.ge @!p0 [sflag:s8], $0x0  }
0x24: {  	s3 =	sadd.s32 $0x88, s3;
	s6 =	simm.s32 @!p1 $0x1082;
	[sflag:s4] =	ssyncset.s32 $0xFFFFF086  }
0x25: {  	[simem:s6], [sflag:s4] =	dma.local [hbm:s3], $0xF7A  }
0x26: {  	[smem:$0x3F91] =	sst s1;
	(tag) =	ssettag s2;
	_ =	strace s9  }
0x27: {  	s1 =	sld [smem:$0x3FA1]  }
0x28: {  	s2 =	sld [smem:$0x3FA2]  }
0x29: {  	s4 =	sld [smem:$0x3FA4]  }
0x2a: {  	p0 =	seq.s32 s5, $0x0;
	s5 =	sld [smem:$0x3FA5]  }
0x2b: {  	s6 =	sld [smem:$0x3FA6]  }
0x2c: {  	s7 =	sld [smem:$0x3FA7]  }
0x2d: {  	s3 =	simm.s32 $0x108;
	s8 =	sld [smem:$0x3FA8]  }
0x2e: {  	s3 =	simm.s32 @!p0 $0x1082;
	s9 =	sld [smem:$0x3FA9]  }
0x2f: {  	lr =	sadd.s32 s0, s3;
	s0 =	sld [smem:$0x3FA0]  }
0x30: {  	s3 =	sld [smem:$0x3FA3]  }
0x31: {  	[smem:$0x3FAC] =	sst s10  }
0x32: {  	s10 =	sld [smem:$0x3FAA];
	_ =	sdelay $0x3  }
0x33: {  	p0 =	seq.s32 s10, $0x1;
	s10 =	sld [smem:$0x3FAC];
	_ =	sdelay $0x3  }
0x34: {  	[smem:$0x3FAC] =	sst s10  }
0x35: {  	s10 =	sld [smem:$0x3FAB];
	_ =	sdelay $0x3  }
0x36: {  	p1 =	seq.s32 s10, $0x1;
	s10 =	sld [smem:$0x3FAC];
	_ =	sdelay $0x3  }
0x37: {  	[smem:$0x3FAC] =	sst s10  }
0x38: {  	s10 =	sld [smem:$0x3FAD]  }
0x39: {  	_ = 	snop;
	(pc) =	sbr.ind lr, $3  }
0x3a: {  	_ = 	snop  }
0x3b: {  	_ = 	snop  }
0x3c: {  	p2 =	seq.s32 s10, $0x1;
	s10 =	sld [smem:$0x3FAC]  }
0x3d: {  	_ =	shalt  }
0x3e: {  	_ =	shalt  }
0x3f: {  	_ =	shalt  }
0x40: {  	_ =	shalt  }
0x41: {  	_ =	shalt  }
0x42: {  	_ =	shalt  }
0x43: {  	_ =	shalt  }
0x44: {  	_ =	shalt  }
0x45: {  	_ =	shalt  }
0x46: {  	_ =	shalt  }
0x47: {  	_ =	shalt  }
0x48: {  	_ =	shalt  }
0x49: {  	_ =	shalt  }
0x4a: {  	_ =	shalt  }
0x4b: {  	_ =	shalt  }
0x4c: {  	_ =	shalt  }
0x4d: {  	_ =	shalt  }
0x4e: {  	_ =	shalt  }
0x4f: {  	_ =	shalt  }
0x50: {  	_ =	shalt  }
0x51: {  	_ =	shalt  }
0x52: {  	_ =	shalt  }
0x53: {  	_ =	shalt  }
0x54: {  	_ =	shalt  }
0x55: {  	_ =	shalt  }
0x56: {  	_ =	shalt  }
0x57: {  	_ =	shalt  }
0x58: {  	_ =	shalt  }
0x59: {  	_ =	shalt  }
0x5a: {  	_ =	shalt  }
0x5b: {  	_ =	shalt  }
0x5c: {  	_ =	shalt  }
0x5d: {  	_ =	shalt  }
0x5e: {  	_ =	shalt  }
0x5f: {  	_ =	shalt  }
0x60: {  	_ =	shalt  }
0x61: {  	_ =	shalt  }
0x62: {  	_ =	shalt  }
0x63: {  	_ =	shalt  }
0x64: {  	_ =	shalt  }
0x65: {  	_ =	shalt  }
0x66: {  	_ =	shalt  }
0x67: {  	_ =	shalt  }
0x68: {  	_ =	shalt  }
0x69: {  	_ =	shalt  }
0x6a: {  	_ =	shalt  }
0x6b: {  	_ =	shalt  }
0x6c: {  	_ =	shalt  }
0x6d: {  	_ =	shalt  }
0x6e: {  	_ =	shalt  }
0x6f: {  	_ =	shalt  }
0x70: {  	_ =	shalt  }
0x71: {  	_ =	shalt  }
0x72: {  	_ =	shalt  }
0x73: {  	_ =	shalt  }
0x74: {  	_ =	shalt  }
0x75: {  	_ =	shalt  }
0x76: {  	_ =	shalt  }
0x77: {  	_ =	shalt  }
0x78: {  	_ =	shalt  }
0x79: {  	_ =	shalt  }
0x7a: {  	_ =	shalt  }
0x7b: {  	_ =	shalt  }
0x7c: {  	_ =	shalt  }
0x7d: {  	_ =	shalt  }
0x7e: {  	_ =	shalt  }
0x7f: {  	_ =	shalt  }
0x80: {  	_ =	shalt  }
0x81: {  	_ =	shalt  }
0x82: {  	_ =	shalt  }
0x83: {  	_ =	shalt  }
0x84: {  	_ =	shalt  }
0x85: {  	_ =	shalt  }
0x86: {  	_ =	shalt  }
0x87: {  	_ =	shalt  }
.Lfunc_end0:
.L_simem_size_0:
called_computation.5_lowered:
.L_overlay_start_0:
0x88: {  	s2 =	sld [smem:$0x3FD9]  }
0x89: {  	s3 =	sld [smem:$0x3FFE];
	_ =	sdelay $0x1  }
0x8a: {  	s1 =	srdreg.scid  }
0x8b: {  	s0 =	sand.u32 $0x1, s1  }
0x8c: {  	s16 =	sshll.u32 s0, $0xA;
	s2 =	sadd.s32 s3, s2  }
0x8d: {  	s2 =	sadd.s32 s2, s16  }
0x8e: {  	[smem:$0x3FB8] =	sst s2  }
0x8f: {  	_ = 	snop  }
0x90: {  	(tm) =	ssettm $0x1  }
0x91: {  	s17 =	sld [smem:$0x3FFB];
	_ =	sdelay $0x3  }
0x92: {  	_ =	strace s17  }
0x93: {  	s2 =	sld [smem:$0x3FFC];
	_ =	sdelay $0x3  }
0x94: {  	_ =	strace s2  }
0x95: {  	s2 =	sld [smem:$0x3FFD];
	_ =	sdelay $0x3  }
0x96: {  	_ =	strace s2  }
0x97: {  	_ =	strace $0x8FFFFFFF  }
0x98: {  	s18 =	sld [smem:$0x3FDB];
	_ =	sdelay $0x1  }
0x99: {  	s19 =	simm.s32 $_scs_section_size  }
0x9a: {  	s4 =	simm.s32 $_size__tile_overlayer_lowered;
	s5 =	simm.s32 $_tile_overlayer_lowered  }
0x9b: {  	s22 =	simm.s32 $0x1BFF;
	s21 =	sshll.u32 s5, $0x1;
	s2 =	sadd.s32 s19, s18  }
0x9c: {  	s6 =	simm.s32 $0x0;
	s20 =	sshll.u32 s4, $0x1;
	s4 =	sadd.s32 s21, s2  }
0x9d: {  	[timem:s6], [sflag:s22] =	dma.local [hbm:s4], s20  }
0x9e: {  	_ =	swait.ge [sflag:s22], s20  }
0x9f: {  	s3 =	ssub.s32 $0x0, s20;
	[sflag:s22] =	ssyncset.done $0x0  }
0xa0: {  	[sflag:s22] =	ssyncadd.s32 s3;
	_ =	sdelay $0x1  }
0xa1: {  	s23 =	simm.s32 $0x1B8B  }
0xa2: {  	_ =	swait.ge [sflag:s23], $0x1  }
0xa3: {  	[sflag:s23] =	ssyncset.done $0x0  }
0xa4: {  	s25 =	simm.s32 $0x1B8E;
	s24 =	sld [smem:$0x3FFE];
	[sflag:s23] =	ssyncadd.s32 $0xFFFFFFFF  }
0xa5: {  	s26 =	simm.s32 $execute0_lowered;
	[smem:$0x3FD2] =	sst s25  }
0xa6: {  	s4 =	sshll.u32 s26, $0x1;
	_ =	strace $0x8000004C;
	[dreg:$0x1] =	wrdreg $0xFFFFFFFF  }
0xa7: {  	s28 =	simm.s32 $_size_execute0_lowered;
	s2 =	sadd.s32 s2, s4;
	[dreg:$0x0] =	wrdreg $0x0  }
0xa8: {  	s4 =	sshll.u32 s28, $0x1;
	[dreg:$0x2] =	wrdreg s2  }
0xa9: {  	[dreg:$0x3] =	wrdreg s4  }
0xaa: {  	[dreg:$0x4] =	wrdreg $0xC0  }
0xab: {  	_ =	task [dreg:s6], $0x5FFFF  }
0xac: {  	[dreg:$0x1] =	wrdreg $0xFFFFFFFF  }
0xad: {  	[dreg:$0x0] =	wrdreg $0x60  }
0xae: {  	[dreg:$0x2] =	wrdreg s24  }
0xaf: {  	[dreg:$0x3] =	wrdreg $0x9  }
0xb0: {  	_ =	task.clear_ibuf [dreg:s6], $0x4FFFF;
	_ =	strace $0x9000004C  }
0xb1: {  	s29 =	simm.s32 $0x9;
	_ =	strace $0x8000004E  }
0xb2: {  	_ =	swait.ge [sflag:s29], $0x1  }
0xb3: {  	[sflag:s29] =	ssyncadd.s32 $0xFFFFFFFF  }
0xb4: {  	_ =	strace $0x9000004E  }
0xb5: {  	_ =	sfence  }
0xb6: {  	s30 =	sld [smem:$0x0];
	_ =	sdelay $0x2  }
0xb7: {  	s31 =	sshll.u32 s1, $0xD;
	s1 =	sshrl.u32 s1, $0x2  }
0xb8: {  	s3 =	sand.u32 $0x4000, s31;
	s1 =	sadd.s32 s1, s30  }
0xb9: {  	s0 =	sor.u32 s3, s0;
	s1 =	sshll.u32 s1, $0x11  }
0xba: {  	s0 =	sor.u32 s1, s0  }
0xbb: {  	s0 =	sadd.s32 $0x8F2B, s0  }
0xbc: {  	[sflag:s0] =	ssyncadd.remote.s32 $0x1  }
0xbd: {  	_ =	sfence.sel $0xFFFF  }
0xbe: {  	[dreg:$0x0] =	wrdreg $0xFFFFFFFF;
	(pc) =	sbr.abs _section_cstart, $3  }
0xbf: {  	[dreg:$0x1] =	wrdreg $0xFFFFFFFF  }
0xc0: {  	_ =	task.clear_ibuf [dreg:s6], $0x2FFFF;
	_ =	strace $0x9FFFFFFF  }
0xc1: {  	(tm) =	ssettm $0x7FFFFFFF  }
tec
execute0_lowered:
.L_overlay_start_1:
0x0: {  	(tag) =	ssettag $0x1  }
0x1: {  	s1 =	rddreg [dreg:$0x0]  }
0x2: {  	s0 =	rddreg [dreg:$0x1];
	_ =	strace $0x8000004D  }
0x3: {  	s5 =	simm.s32 $0x1;
	s6 =	srdreg.scid;
	s9 =	simm.s32 $0x4  }
0x4: {  	s13 =	simm.s32 $0x0;
	s10 =	simm.s32 $0x0;
	s2 =	sadd.s32 $0xC00, s1  }
0x5: {  	s3 =	sadd.s32 $0x5DC00, s1;
	s4 =	sadd.s32 $0x20C00, s1;
	s31 =	sshll.u32 s6, $0x4  }
.Ltmp0:
0x6: {  	s1 =	stileid.u32;
	s6 =	sand.u32 $0x10, s31;
	(pc) =	sbr.rel .LBB2_1-.Ltmp0, $4  }
0x7: {  	[sflag:s5] =	ssyncpa.u1 $0x0;
	s5 =	simm.s32 $0x2;
	s7 =	sor.u32 s1, s6  }
0x8: {  	[sflag:s5] =	ssyncpa.u1 $0x0;
	s6 =	simm.s32 $0x3;
	s7 =	sshll.u32 s7, $0xE  }
0x9: {  	s11 =	simm.s32 $0x0;
	[sflag:s6] =	ssyncpa.u1 $0x0;
	s8 =	sadd.s32 $0x4000, s7  }
0xa: {  	v0 =	vlaneseq.u32;
	vm0 =	vmmov $0xffff;
	[sflag:s9] =	ssyncpa.u1 $0x0;
	s9 =	simm.s32 $0x0;
	s12 =	smov.u32 s7  }
.LBB2_3:
0xb: {  	s13 =	sshrl.u32 s12, $0x3  }
0xc: {  	s14 =	sand.u32 $0x7, s12;
	s13 =	sadd.s32 s3, s13  }
0xd: {  	[tilespmem:s9], [sflag:$0x2] =	stream.linear.gather [hbm4b:s13+s14], $0x4000, $0x38;
	[tilespmem:$0x16000] =	vst v63  }
.LBB2_10:
0xe: {  	s14 =	sadd.s32 $0x4000, s12  }
0xf: {  	s15 =	smov.u32 s7;
	p0 =	slt.s32 s14, s8  }
0x10: {  	s13 =	smov.u32 s10;
	s15 =	smov.u32 @p0 s14  }
0x11: {  	s10 =	smov.u32 s12;
	s11 =	sadd.s32 $0x1, s11;
	s12 =	smov.u32 s15  }
.LBB2_1:
0x12: {  	p0 =	sgt.s32 s11, $0x1  }
.Ltmp1:
0x13: {  	_ = 	snop;
	(pc) =	sbr.rel @p0 .LBB2_11-.Ltmp1, $1  }
0x14: {  	_ =	sdelay $0x3  }
0x15: {  	p0 =	seq.s32 s11, $0x0  }
.Ltmp2:
0x16: {  	_ = 	snop;
	(pc) =	sbr.rel @p0 .LBB2_3-.Ltmp2, $1  }
0x17: {  	_ =	sdelay $0x3  }
0x18: {  	_ =	swait.ge [sflag:s5], $0x4000  }
0x19: {  	s15 =	simm.s32 $0x0;
	[sflag:s5] =	ssyncset.done $0x0  }
0x1a: {  	[sflag:s5] =	ssyncadd.s32 $0xFFFFC000;
	(ifvalue) =	ssetifvalue $0x7FFFFFFF;
	v1 =	vld.msk [tilespmem:s15+$0x0 ss:$0x1], $0xffff;
	_ =	sdelay $0x4  }
0x1b: {  	s16 =	ssub.s32 $0x80000, s10;
	vm1 =	veq.s32 v1, $0x80000000;
	v2 =	vand.u32 $0x3FFF, v1;
	v1 =	vshrl.u32 v1, $0xE  }
0x1c: {  	s13 =	simm.s32 $0x10;
	p0 =	slt.s32 s16, $0x4000;
	v3 =	vsel vm1, $0xFFFFFFFF, v2;
	v1 =	vand.u32 $0x7F, v1  }
0x1d: {  	s16 =	simm.s32 @!p0 $0x4000;
	v6 =	vld.msk [tilespmem:s13+$0x0 ss:$0x1], $0xffff;
	v1 =	vsel vm1, $0xFFFFFFFF, v1;
	v2 =	vshll.u32 v3, $0x7  }
0x1e: {  	p0 =	sgt.s32 s16, $0x0;
	s14 =	smov.u32 s16;
	v4 =	vand.u32 $0xFFFFFC00, v2;
	v5 =	vand.u32 $0xFFFFFC00, v1  }
0x1f: {  	s14 =	simm.s32 @!p0 $0x0;
	v2 =	vand.u32 $0x200, v2;
	v1 =	vshll.u32 v1, $0x2;
	v4 =	vadd.s32 v5, v4  }
0x20: {  	s14 =	smin.u32 s14, $0x10;
	v1 =	vand.u32 $0x1FC, v1;
	v2 =	vor.u32 v2, v4  }
0x21: {  	v4 =	vmov s14;
	v1 =	vor.u32 v1, v2  }
0x22: {  	v5 =	vshrl.u32 v6, $0xE;
	vm1 =	vgt.u32 v4, v0;
	v1 =	vshrl.u32 v1, $0x2  }
0x23: {  	s14 =	simm.s32 $0x20;
	v4 =	vnsel vm1, $0x7FFFFFFF, v1;
	vm1 =	veq.s32 v6, $0x80000000;
	v1 =	vand.u32 $0x3FFF, v6  }
0x24: {  	s16 =	sadd.s32 $0xFFFFFFF0, s16;
	v5 =	vand.u32 $0x7F, v5;
	v2 =	vld.msk [tilespmem:s14+$0x0 ss:$0x1], $0xffff;
	v1 =	vsel vm1, $0xFFFFFFFF, v1  }
0x25: {  	p0 =	sgt.s32 s16, $0x0;
	s17 =	smov.u32 s16;
	v3 =	vand.u32 $0x3, v3;
	v5 =	vsel vm1, $0xFFFFFFFF, v5;
	v63 =	vshll.u32 v1, $0x7  }
0x26: {  	s17 =	simm.s32 @!p0 $0x0;
	[tilespmem:s15+$0x0] =	vst v3;
	v7 =	vand.u32 $0xFFFFFC00, v5;
	v3 =	vand.u32 $0xFFFFFC00, v63  }
0x27: {  	s17 =	smin.u32 s17, $0x10;
	s15 =	simm.s32 $0xC000;
	(ifvalue) =	ssetifvalue $0x7FFFFFFF;
	v5 =	vshll.u32 v5, $0x2;
	v6 =	vand.u32 $0x200, v63;
	v3 =	vadd.s32 v7, v3  }
0x28: {  	v5 =	vand.u32 $0x1FC, v5;
	[tilespmem:s15], [sflag:$0x3] =	stream.indirect_vreg.gather [hbm4b:s2+s9], $0x1, v4, vm0, $0x4038;
	v4 =	vmov s17;
	v3 =	vor.u32 v6, v3;
	[tilespmem:$0x16000] =	vst v63  }
0x29: {  	s18 =	simm.s32 $0x30;
	vm2 =	veq.s32 v2, $0x80000000;
	s17 =	simm.s32 $0x20;
	vm1 =	vgt.u32 v4, v0;
	v3 =	vor.u32 v5, v3  }
.LBB2_5:
0x2a: {  	s19 =	smov.u32 s13  }
0x2b: {  	v4 =	vand.u32 $0x3FFF, v2;
	v5 =	vshrl.u32 v2, $0xE;
	v2 =	vld.msk [tilespmem:s18+$0x0 ss:$0x1], $0xffff;
	v3 =	vshrl.u32 v3, $0x2;
	s13 =	smov.u32 s14;
	s14 =	smov.u32 s18;
	s17 =	sadd.s32 $0x10, s17  }
0x2c: {  	s16 =	sadd.s32 $0xFFFFFFF0, s16;
	v4 =	vsel vm2, $0xFFFFFFFF, v4;
	v5 =	vand.u32 $0x7F, v5;
	v6 =	vnsel vm1, $0x7FFFFFFF, v3;
	p0 =	slt.u32 s17, $0x3FF0  }
.Ltmp3:
0x2d: {  	p1 =	sgt.s32 s16, $0x0;
	s20 =	smov.u32 s16;
	v3 =	vsel vm2, $0xFFFFFFFF, v5;
	v5 =	vshll.u32 v4, $0x7;
	(pc) =	sbr.rel @p0 .LBB2_5-.Ltmp3, $4  }
0x2e: {  	v9 =	vand.u32 $0x3, v1;
	s20 =	simm.s32 @!p1 $0x0;
	v1 =	vmovc v4;
	v7 =	vand.u32 $0xFFFFFC00, v5;
	v8 =	vand.u32 $0xFFFFFC00, v3  }
0x2f: {  	s20 =	smin.u32 s20, $0x10;
	v5 =	vand.u32 $0x200, v5;
	v3 =	vshll.u32 v3, $0x2;
	v4 =	vadd.s32 v8, v7  }
0x30: {  	s18 =	sadd.s32 $0x10, s18;
	s15 =	sadd.s32 $0x10, s15;
	v7 =	vmov s20;
	v3 =	vand.u32 $0x1FC, v3;
	v4 =	vor.u32 v5, v4;
	[tilespmem:s19+$0x0] =	vst v9;
	(ifvalue) =	ssetifvalue $0x7FFFFFFF  }
0x31: {  	vm2 =	veq.s32 v2, $0x80000000;
	vm1 =	vgt.u32 v7, v0;
	v3 =	vor.u32 v3, v4;
	[tilespmem:s15], [sflag:$0x3] =	stream.indirect_vreg.gather [hbm4b:s2+s9], $0x1, v6, vm0, $0x4038;
	[tilespmem:$0x16000] =	vst v63  }
0x32: {  	v4 =	vand.u32 $0x3FFF, v2;
	v2 =	vshrl.u32 v2, $0xE  }
0x33: {  	v4 =	vsel vm2, $0xFFFFFFFF, v4;
	v2 =	vand.u32 $0x7F, v2  }
0x34: {  	s16 =	sadd.s32 $0xFFFFFFF0, s16;
	v2 =	vsel vm2, $0xFFFFFFFF, v2;
	v5 =	vshll.u32 v4, $0x7  }
0x35: {  	p0 =	sgt.s32 s16, $0x0;
	v6 =	vand.u32 $0xFFFFFC00, v5;
	v7 =	vand.u32 $0xFFFFFC00, v2  }
0x36: {  	s16 =	simm.s32 @!p0 $0x0;
	v5 =	vand.u32 $0x200, v5;
	v2 =	vshll.u32 v2, $0x2;
	v6 =	vadd.s32 v7, v6  }
0x37: {  	v3 =	vshrl.u32 v3, $0x2;
	s16 =	smin.u32 s16, $0x10;
	v2 =	vand.u32 $0x1FC, v2;
	v5 =	vor.u32 v5, v6  }
0x38: {  	v3 =	vnsel vm1, $0x7FFFFFFF, v3;
	v63 =	vmov s16;
	v2 =	vor.u32 v2, v5  }
0x39: {  	vm1 =	vgt.u32 v63, v0;
	v2 =	vshrl.u32 v2, $0x2  }
0x3a: {  	v2 =	vnsel vm1, $0x7FFFFFFF, v2  }
.Ltmp4:
0x3b: {  	v1 =	vand.u32 $0x3, v1;
	(pc) =	sbr.rel .LBB2_10-.Ltmp4, $4  }
0x3c: {  	s31 =	sadd.s32 $0x10, s15;
	[tilespmem:s13+$0x0] =	vst v1;
	(ifvalue) =	ssetifvalue $0x7FFFFFFF  }
0x3d: {  	v1 =	vand.u32 $0x3, v4;
	[tilespmem:s31], [sflag:$0x3] =	stream.indirect_vreg.gather [hbm4b:s2+s9], $0x1, v3, vm0, $0x4038;
	[tilespmem:$0x16000] =	vst v63  }
0x3e: {  	s13 =	sadd.s32 $0x10, s31;
	[tilespmem:s14+$0x0] =	vst v1;
	(ifvalue) =	ssetifvalue $0x7FFFFFFF  }
0x3f: {  	[tilespmem:s13], [sflag:$0x3] =	stream.indirect_vreg.gather [hbm4b:s2+s9], $0x1, v2, vm0, $0x4038;
	[tilespmem:$0x16000] =	vst v63  }
.LBB2_11:
0x40: {  	p0 =	seq.s32 s11, $0x2  }
.Ltmp5:
0x41: {  	_ = 	snop;
	(pc) =	sbr.rel @!p0 .LBB2_12-.Ltmp5, $1  }
0x42: {  	_ =	sdelay $0x3  }
0x43: {  	s15 =	sshll.u32 s11, $0x10  }
0x44: {  	s14 =	sand.u32 $0x1, s11;
	s15 =	sshra.s32 s15, $0x2  }
0x45: {  	s16 =	sshll.u32 s14, $0xE;
	s17 =	sadd.s32 $0xFFFF8000, s15  }
0x46: {  	s16 =	sadd.s32 $0xC000, s16;
	v2 =	vmov s17  }
0x47: {  	_ =	swait.ge [sflag:s6], $0x4000;
	s14 =	sshll.u32 s14, $0xC;
	v1 =	vmov s16  }
0x48: {  	[sflag:s6] =	ssyncset.done $0x0;
	s14 =	sor.u32 $0x14000, s14  }
0x49: {  	[sflag:s6] =	ssyncadd.s32 $0xFFFFC000;
	s15 =	simm.s32 $0x0;
	v3 =	vmov s14  }
.LBB2_8:
0x4a: {  	s16 =	sshll.u32 s15, $0x9  }
0x4b: {  	s17 =	sand.u32 $0x3FFFFE00, s16;
	v5 =	vld.idx.msk [tilespmem:v2+s16+$0x0 ss:$0x1], $0xffff  }
0x4c: {  	s23 =	sor.u32 $0x80, s16;
	v4 =	vld.idx.msk [tilespmem:v1+s17+$0x0 ss:$0x1], $0xffff  }
0x4d: {  	v6 =	vld.idx.msk [tilespmem:v1+s23+$0x0 ss:$0x1], $0xffff  }
0x4e: {  	s18 =	sor.u32 $0x100, s16;
	v7 =	vld.idx.msk [tilespmem:v2+s23+$0x0 ss:$0x1], $0xffff  }
0x4f: {  	v8 =	vld.idx.msk [tilespmem:v2+s18+$0x0 ss:$0x1], $0xffff  }
0x50: {  	s20 =	sor.u32 $0x180, s16;
	v9 =	vld.idx.msk [tilespmem:v1+s18+$0x0 ss:$0x1], $0xffff  }
0x51: {  	v10 =	vld.idx.msk [tilespmem:v2+s20+$0x0 ss:$0x1], $0xffff;
	_ =	sdelay $0x1  }
0x52: {  	v11 =	vld.idx.msk [tilespmem:v1+s20+$0x0 ss:$0x1], $0xffff  }
0x53: {  	v5 =	vshll.u32 v5, $0x3;
	v7 =	vshll.u32 v7, $0x3  }
0x54: {  	v4 =	vshrl.u32 v4, v5;
	v30 =	vshll.u32 v8, $0x3;
	v5 =	vshrl.u32 v6, v7  }
0x55: {  	v31 =	vshll.u32 v10, $0x3;
	v6 =	vshrl.u32 v9, v30;
	v5 =	vshll.u32 v5, $0x8  }
0x56: {  	v4 =	vand.u32 $0xFF, v4;
	v6 =	vshll.u32 v6, $0x10;
	v5 =	vand.u32 $0xFF00, v5  }
0x57: {  	v32 =	vshrl.u32 v11, v31;
	v4 =	vor.u32 v4, v5;
	v5 =	vand.u32 $0xFF0000, v6  }
0x58: {  	v4 =	vor.u32 v5, v4;
	v5 =	vshll.u32 v32, $0x18  }
0x59: {  	s24 =	sshra.s32 s16, $0x2;
	v4 =	vor.u32 v5, v4  }
0x5a: {  	s25 =	sor.u32 $0x10, s16;
	[tilespmem:v3+s24+$0x0 ss:$0x1] =	vst.idx.msk $0xffff, v4  }
0x5b: {  	v4 =	vld.idx.msk [tilespmem:v1+s25+$0x0 ss:$0x1], $0xffff  }
0x5c: {  	s26 =	sor.u32 $0x90, s16;
	v5 =	vld.idx.msk [tilespmem:v2+s25+$0x0 ss:$0x1], $0xffff  }
0x5d: {  	v33 =	vld.idx.msk [tilespmem:v1+s26+$0x0 ss:$0x1], $0xffff  }
0x5e: {  	s28 =	sor.u32 $0x110, s16;
	v34 =	vld.idx.msk [tilespmem:v2+s26+$0x0 ss:$0x1], $0xffff  }
0x5f: {  	v35 =	vld.idx.msk [tilespmem:v2+s28+$0x0 ss:$0x1], $0xffff  }
0x60: {  	s29 =	sor.u32 $0x190, s16;
	v36 =	vld.idx.msk [tilespmem:v1+s28+$0x0 ss:$0x1], $0xffff  }
0x61: {  	v37 =	vld.idx.msk [tilespmem:v2+s29+$0x0 ss:$0x1], $0xffff;
	_ =	sdelay $0x1  }
0x62: {  	v38 =	vld.idx.msk [tilespmem:v1+s29+$0x0 ss:$0x1], $0xffff  }
0x63: {  	v5 =	vshll.u32 v5, $0x3;
	v7 =	vshll.u32 v34, $0x3  }
0x64: {  	v39 =	vshll.u32 v35, $0x3;
	v4 =	vshrl.u32 v4, v5;
	v5 =	vshrl.u32 v33, v7  }
0x65: {  	v40 =	vshll.u32 v37, $0x3;
	v6 =	vshrl.u32 v36, v39;
	v5 =	vshll.u32 v5, $0x8  }
0x66: {  	v4 =	vand.u32 $0xFF, v4;
	v6 =	vshll.u32 v6, $0x10;
	v5 =	vand.u32 $0xFF00, v5  }
0x67: {  	v41 =	vshrl.u32 v38, v40;
	v4 =	vor.u32 v4, v5;
	v5 =	vand.u32 $0xFF0000, v6  }
0x68: {  	s17 =	sor.u32 $0x40, s16;
	v4 =	vor.u32 v5, v4;
	v5 =	vshll.u32 v41, $0x18  }
0x69: {  	s19 =	sshra.s32 s17, $0x2;
	v4 =	vor.u32 v5, v4  }
0x6a: {  	s30 =	sor.u32 $0x20, s16;
	[tilespmem:v3+s19+$0x0 ss:$0x1] =	vst.idx.msk $0xffff, v4  }
0x6b: {  	v4 =	vld.idx.msk [tilespmem:v1+s30+$0x0 ss:$0x1], $0xffff  }
0x6c: {  	s31 =	sor.u32 $0xA0, s16;
	v5 =	vld.idx.msk [tilespmem:v2+s30+$0x0 ss:$0x1], $0xffff  }
0x6d: {  	v42 =	vld.idx.msk [tilespmem:v1+s31+$0x0 ss:$0x1], $0xffff  }
0x6e: {  	s21 =	sor.u32 $0x120, s16;
	v43 =	vld.idx.msk [tilespmem:v2+s31+$0x0 ss:$0x1], $0xffff  }
0x6f: {  	v44 =	vld.idx.msk [tilespmem:v2+s21+$0x0 ss:$0x1], $0xffff  }
0x70: {  	s22 =	sor.u32 $0x1A0, s16;
	v45 =	vld.idx.msk [tilespmem:v1+s21+$0x0 ss:$0x1], $0xffff  }
0x71: {  	v46 =	vld.idx.msk [tilespmem:v2+s22+$0x0 ss:$0x1], $0xffff;
	_ =	sdelay $0x1  }
0x72: {  	s24 =	sor.u32 $0x200, s16;
	v47 =	vld.idx.msk [tilespmem:v1+s22+$0x0 ss:$0x1], $0xffff  }
0x73: {  	s25 =	sand.u32 $0x3FFFFE00, s24;
	v49 =	vld.idx.msk [tilespmem:v2+s24+$0x0 ss:$0x1], $0xffff;
	v5 =	vshll.u32 v5, $0x3;
	v7 =	vshll.u32 v43, $0x3  }
0x74: {  	v12 =	vld.idx.msk [tilespmem:v1+s25+$0x0 ss:$0x1], $0xffff;
	s22 =	sor.u32 $0x280, s16;
	v48 =	vshll.u32 v44, $0x3;
	v4 =	vshrl.u32 v4, v5;
	v5 =	vshrl.u32 v42, v7  }
0x75: {  	v50 =	vld.idx.msk [tilespmem:v1+s22+$0x0 ss:$0x1], $0xffff;
	v51 =	vshll.u32 v46, $0x3;
	v6 =	vshrl.u32 v45, v48;
	v5 =	vshll.u32 v5, $0x8  }
0x76: {  	s21 =	sor.u32 $0x300, s16;
	v52 =	vld.idx.msk [tilespmem:v2+s22+$0x0 ss:$0x1], $0xffff;
	v4 =	vand.u32 $0xFF, v4;
	v6 =	vshll.u32 v6, $0x10;
	v5 =	vand.u32 $0xFF00, v5  }
0x77: {  	v54 =	vld.idx.msk [tilespmem:v2+s21+$0x0 ss:$0x1], $0xffff;
	v53 =	vshrl.u32 v47, v51;
	v4 =	vor.u32 v4, v5;
	v5 =	vand.u32 $0xFF0000, v6  }
0x78: {  	s19 =	sor.u32 $0x380, s16;
	v55 =	vld.idx.msk [tilespmem:v1+s21+$0x0 ss:$0x1], $0xffff;
	v4 =	vor.u32 v5, v4;
	v5 =	vshll.u32 v53, $0x18  }
0x79: {  	s23 =	sshra.s32 s23, $0x2;
	v4 =	vor.u32 v5, v4;
	v5 =	vld.idx.msk [tilespmem:v2+s19+$0x0 ss:$0x1], $0xffff  }
0x7a: {  	s26 =	sor.u32 $0x30, s16;
	[tilespmem:v3+s23+$0x0 ss:$0x1] =	vst.idx.msk $0xffff, v4;
	v4 =	vld.idx.msk [tilespmem:v1+s19+$0x0 ss:$0x1], $0xffff  }
0x7b: {  	v56 =	vld.idx.msk [tilespmem:v1+s26+$0x0 ss:$0x1], $0xffff  }
0x7c: {  	s28 =	sor.u32 $0xB0, s16;
	v7 =	vshll.u32 v49, $0x3;
	v10 =	vshll.u32 v52, $0x3;
	v13 =	vld.idx.msk [tilespmem:v2+s26+$0x0 ss:$0x1], $0xffff  }
0x7d: {  	v9 =	vshll.u32 v54, $0x3;
	v7 =	vshrl.u32 v12, v7;
	v8 =	vshrl.u32 v50, v10;
	v57 =	vld.idx.msk [tilespmem:v1+s28+$0x0 ss:$0x1], $0xffff  }
0x7e: {  	s29 =	sor.u32 $0x130, s16;
	v7 =	vand.u32 $0xFF, v7;
	v8 =	vshll.u32 v8, $0x8;
	v6 =	vshrl.u32 v55, v9;
	v58 =	vld.idx.msk [tilespmem:v2+s28+$0x0 ss:$0x1], $0xffff  }
0x7f: {  	s30 =	sor.u32 $0x1B0, s16;
	v8 =	vand.u32 $0xFF00, v8;
	v6 =	vshll.u32 v6, $0x10;
	v59 =	vld.idx.msk [tilespmem:v2+s29+$0x0 ss:$0x1], $0xffff;
	v5 =	vshll.u32 v5, $0x3  }
0x80: {  	v7 =	vor.u32 v7, v8;
	v6 =	vand.u32 $0xFF0000, v6;
	v60 =	vld.idx.msk [tilespmem:v2+s30+$0x0 ss:$0x1], $0xffff;
	v4 =	vshrl.u32 v4, v5  }
0x81: {  	v6 =	vor.u32 v6, v7;
	v5 =	vld.idx.msk [tilespmem:v1+s29+$0x0 ss:$0x1], $0xffff;
	v4 =	vshll.u32 v4, $0x18  }
0x82: {  	s24 =	sshrl.u32 s24, $0x2;
	v4 =	vor.u32 v4, v6  }
0x83: {  	s31 =	sor.u32 $0x210, s16;
	v61 =	vld.idx.msk [tilespmem:v1+s30+$0x0 ss:$0x1], $0xffff;
	[tilespmem:v3+s24+$0x0 ss:$0x1] =	vst.idx.msk $0xffff, v4  }
0x84: {  	v62 =	vshll.u32 v58, $0x3;
	v15 =	vshll.u32 v59, $0x3;
	v63 =	vld.idx.msk [tilespmem:v1+s31+$0x0 ss:$0x1], $0xffff  }
0x85: {  	v7 =	vshll.u32 v60, $0x3;
	v8 =	vshrl.u32 v57, v62;
	v4 =	vshll.u32 v13, $0x3;
	s24 =	sor.u32 $0x290, s16;
	v16 =	vld.idx.msk [tilespmem:v2+s31+$0x0 ss:$0x1], $0xffff  }
0x86: {  	v8 =	vshll.u32 v8, $0x8;
	v4 =	vshrl.u32 v56, v4;
	v17 =	vld.idx.msk [tilespmem:v1+s24+$0x0 ss:$0x1], $0xffff;
	v5 =	vshrl.u32 v5, v15  }
0x87: {  	s25 =	sor.u32 $0x310, s16;
	v8 =	vand.u32 $0xFF00, v8;
	v18 =	vld.idx.msk [tilespmem:v2+s24+$0x0 ss:$0x1], $0xffff;
	v4 =	vand.u32 $0xFF, v4;
	v5 =	vshll.u32 v5, $0x10  }
0x88: {  	v6 =	vshrl.u32 v61, v7;
	v19 =	vld.idx.msk [tilespmem:v2+s25+$0x0 ss:$0x1], $0xffff;
	v4 =	vor.u32 v4, v8;
	v5 =	vand.u32 $0xFF0000, v5  }
0x89: {  	s26 =	sor.u32 $0xC0, s16;
	s28 =	sor.u32 $0x390, s16;
	v20 =	vld.idx.msk [tilespmem:v1+s25+$0x0 ss:$0x1], $0xffff;
	v4 =	vor.u32 v5, v4;
	v5 =	vshll.u32 v6, $0x18  }
0x8a: {  	s25 =	sshra.s32 s26, $0x2;
	v4 =	vor.u32 v5, v4;
	v5 =	vld.idx.msk [tilespmem:v2+s28+$0x0 ss:$0x1], $0xffff  }
0x8b: {  	[tilespmem:v3+s25+$0x0 ss:$0x1] =	vst.idx.msk $0xffff, v4;
	v4 =	vld.idx.msk [tilespmem:v1+s28+$0x0 ss:$0x1], $0xffff  }
0x8c: {  	v21 =	vld.idx.msk [tilespmem:v1+s17+$0x0 ss:$0x1], $0xffff  }
0x8d: {  	v11 =	vshll.u32 v16, $0x3;
	v12 =	vshll.u32 v18, $0x3;
	v22 =	vld.idx.msk [tilespmem:v2+s17+$0x0 ss:$0x1], $0xffff  }
0x8e: {  	v7 =	vshll.u32 v19, $0x3;
	v9 =	vshrl.u32 v63, v11;
	v10 =	vshrl.u32 v17, v12;
	v23 =	vld.idx.msk [tilespmem:v1+s26+$0x0 ss:$0x1], $0xffff  }
0x8f: {  	s24 =	sor.u32 $0x140, s16;
	v6 =	vshrl.u32 v20, v7;
	v9 =	vand.u32 $0xFF, v9;
	v10 =	vshll.u32 v10, $0x8;
	v24 =	vld.idx.msk [tilespmem:v2+s26+$0x0 ss:$0x1], $0xffff  }
0x90: {  	v6 =	vshll.u32 v6, $0x10;
	v25 =	vld.idx.msk [tilespmem:v2+s24+$0x0 ss:$0x1], $0xffff;
	s17 =	sor.u32 $0x1C0, s16;
	v10 =	vand.u32 $0xFF00, v10;
	v5 =	vshll.u32 v5, $0x3  }
0x91: {  	v6 =	vand.u32 $0xFF0000, v6;
	v26 =	vld.idx.msk [tilespmem:v2+s17+$0x0 ss:$0x1], $0xffff;
	v9 =	vor.u32 v9, v10;
	v4 =	vshrl.u32 v4, v5  }
0x92: {  	s23 =	sor.u32 $0x240, s16;
	v6 =	vor.u32 v6, v9;
	v5 =	vld.idx.msk [tilespmem:v1+s24+$0x0 ss:$0x1], $0xffff;
	v4 =	vshll.u32 v4, $0x18  }
0x93: {  	s29 =	sshrl.u32 s23, $0x2;
	v4 =	vor.u32 v4, v6  }
0x94: {  	s30 =	sor.u32 $0x220, s16;
	v27 =	vld.idx.msk [tilespmem:v1+s17+$0x0 ss:$0x1], $0xffff;
	[tilespmem:v3+s29+$0x0 ss:$0x1] =	vst.idx.msk $0xffff, v4  }
0x95: {  	v7 =	vshll.u32 v24, $0x3;
	v29 =	vshll.u32 v25, $0x3;
	v28 =	vld.idx.msk [tilespmem:v1+s30+$0x0 ss:$0x1], $0xffff  }
0x96: {  	s31 =	sor.u32 $0x2A0, s16;
	v7 =	vshrl.u32 v23, v7;
	v9 =	vshll.u32 v26, $0x3;
	v4 =	vshll.u32 v22, $0x3;
	v30 =	vld.idx.msk [tilespmem:v2+s30+$0x0 ss:$0x1], $0xffff  }
0x97: {  	v7 =	vshll.u32 v7, $0x8;
	v4 =	vshrl.u32 v21, v4;
	v31 =	vld.idx.msk [tilespmem:v1+s31+$0x0 ss:$0x1], $0xffff;
	v5 =	vshrl.u32 v5, v29  }
0x98: {  	s26 =	sor.u32 $0x320, s16;
	v7 =	vand.u32 $0xFF00, v7;
	v32 =	vld.idx.msk [tilespmem:v2+s31+$0x0 ss:$0x1], $0xffff;
	v4 =	vand.u32 $0xFF, v4;
	v5 =	vshll.u32 v5, $0x10  }
0x99: {  	v6 =	vshrl.u32 v27, v9;
	v33 =	vld.idx.msk [tilespmem:v2+s26+$0x0 ss:$0x1], $0xffff;
	v4 =	vor.u32 v4, v7;
	v5 =	vand.u32 $0xFF0000, v5  }
0x9a: {  	s28 =	sor.u32 $0x3A0, s16;
	v34 =	vld.idx.msk [tilespmem:v1+s26+$0x0 ss:$0x1], $0xffff;
	v4 =	vor.u32 v5, v4;
	v5 =	vshll.u32 v6, $0x18  }
0x9b: {  	s18 =	sshra.s32 s18, $0x2;
	v4 =	vor.u32 v5, v4;
	v5 =	vld.idx.msk [tilespmem:v2+s28+$0x0 ss:$0x1], $0xffff  }
0x9c: {  	s29 =	sor.u32 $0x50, s16;
	[tilespmem:v3+s18+$0x0 ss:$0x1] =	vst.idx.msk $0xffff, v4;
	v4 =	vld.idx.msk [tilespmem:v1+s28+$0x0 ss:$0x1], $0xffff  }
0x9d: {  	v35 =	vld.idx.msk [tilespmem:v1+s29+$0x0 ss:$0x1], $0xffff  }
0x9e: {  	s30 =	sor.u32 $0xD0, s16;
	v11 =	vshll.u32 v30, $0x3;
	v12 =	vshll.u32 v32, $0x3;
	v36 =	vld.idx.msk [tilespmem:v2+s29+$0x0 ss:$0x1], $0xffff  }
0x9f: {  	v7 =	vshll.u32 v33, $0x3;
	v10 =	vshrl.u32 v28, v11;
	v8 =	vshrl.u32 v31, v12;
	v37 =	vld.idx.msk [tilespmem:v1+s30+$0x0 ss:$0x1], $0xffff  }
0xa0: {  	s31 =	sor.u32 $0x150, s16;
	v6 =	vshrl.u32 v34, v7;
	v10 =	vand.u32 $0xFF, v10;
	v8 =	vshll.u32 v8, $0x8;
	v38 =	vld.idx.msk [tilespmem:v2+s30+$0x0 ss:$0x1], $0xffff  }
0xa1: {  	s25 =	sor.u32 $0x1D0, s16;
	v6 =	vshll.u32 v6, $0x10;
	v39 =	vld.idx.msk [tilespmem:v2+s31+$0x0 ss:$0x1], $0xffff;
	v8 =	vand.u32 $0xFF00, v8;
	v5 =	vshll.u32 v5, $0x3  }
0xa2: {  	v40 =	vld.idx.msk [tilespmem:v2+s25+$0x0 ss:$0x1], $0xffff;
	v6 =	vand.u32 $0xFF0000, v6;
	v8 =	vor.u32 v10, v8;
	v4 =	vshrl.u32 v4, v5  }
0xa3: {  	v6 =	vor.u32 v6, v8;
	v5 =	vld.idx.msk [tilespmem:v1+s31+$0x0 ss:$0x1], $0xffff;
	v4 =	vshll.u32 v4, $0x18  }
0xa4: {  	s22 =	sshrl.u32 s22, $0x2;
	v4 =	vor.u32 v4, v6  }
0xa5: {  	s26 =	sor.u32 $0x230, s16;
	v41 =	vld.idx.msk [tilespmem:v1+s25+$0x0 ss:$0x1], $0xffff;
	[tilespmem:v3+s22+$0x0 ss:$0x1] =	vst.idx.msk $0xffff, v4  }
0xa6: {  	v7 =	vshll.u32 v38, $0x3;
	v43 =	vshll.u32 v39, $0x3;
	v42 =	vld.idx.msk [tilespmem:v1+s26+$0x0 ss:$0x1], $0xffff  }
0xa7: {  	s28 =	sor.u32 $0x2B0, s16;
	v8 =	vshll.u32 v40, $0x3;
	v7 =	vshrl.u32 v37, v7;
	v4 =	vshll.u32 v36, $0x3;
	v44 =	vld.idx.msk [tilespmem:v2+s26+$0x0 ss:$0x1], $0xffff  }
0xa8: {  	v7 =	vshll.u32 v7, $0x8;
	v4 =	vshrl.u32 v35, v4;
	v45 =	vld.idx.msk [tilespmem:v1+s28+$0x0 ss:$0x1], $0xffff;
	v5 =	vshrl.u32 v5, v43  }
0xa9: {  	s29 =	sor.u32 $0x330, s16;
	v7 =	vand.u32 $0xFF00, v7;
	v46 =	vld.idx.msk [tilespmem:v2+s28+$0x0 ss:$0x1], $0xffff;
	v4 =	vand.u32 $0xFF, v4;
	v5 =	vshll.u32 v5, $0x10  }
0xaa: {  	v6 =	vshrl.u32 v41, v8;
	v47 =	vld.idx.msk [tilespmem:v2+s29+$0x0 ss:$0x1], $0xffff;
	v4 =	vor.u32 v4, v7;
	v5 =	vand.u32 $0xFF0000, v5  }
0xab: {  	s30 =	sor.u32 $0x3B0, s16;
	v48 =	vld.idx.msk [tilespmem:v1+s29+$0x0 ss:$0x1], $0xffff;
	v4 =	vor.u32 v5, v4;
	v5 =	vshll.u32 v6, $0x18  }
0xac: {  	s31 =	sshra.s32 s24, $0x2;
	v4 =	vor.u32 v5, v4;
	v5 =	vld.idx.msk [tilespmem:v2+s30+$0x0 ss:$0x1], $0xffff  }
0xad: {  	s24 =	sor.u32 $0x60, s16;
	[tilespmem:v3+s31+$0x0 ss:$0x1] =	vst.idx.msk $0xffff, v4;
	v4 =	vld.idx.msk [tilespmem:v1+s30+$0x0 ss:$0x1], $0xffff  }
0xae: {  	v49 =	vld.idx.msk [tilespmem:v1+s24+$0x0 ss:$0x1], $0xffff  }
0xaf: {  	s25 =	sor.u32 $0xE0, s16;
	v11 =	vshll.u32 v44, $0x3;
	v12 =	vshll.u32 v46, $0x3;
	v50 =	vld.idx.msk [tilespmem:v2+s24+$0x0 ss:$0x1], $0xffff  }
0xb0: {  	v7 =	vshll.u32 v47, $0x3;
	v10 =	vshrl.u32 v42, v11;
	v9 =	vshrl.u32 v45, v12;
	v51 =	vld.idx.msk [tilespmem:v1+s25+$0x0 ss:$0x1], $0xffff  }
0xb1: {  	s26 =	sor.u32 $0x160, s16;
	v6 =	vshrl.u32 v48, v7;
	v10 =	vand.u32 $0xFF, v10;
	v9 =	vshll.u32 v9, $0x8;
	v52 =	vld.idx.msk [tilespmem:v2+s25+$0x0 ss:$0x1], $0xffff  }
0xb2: {  	s28 =	sor.u32 $0x1E0, s16;
	v6 =	vshll.u32 v6, $0x10;
	v53 =	vld.idx.msk [tilespmem:v2+s26+$0x0 ss:$0x1], $0xffff;
	v9 =	vand.u32 $0xFF00, v9;
	v5 =	vshll.u32 v5, $0x3  }
0xb3: {  	v54 =	vld.idx.msk [tilespmem:v2+s28+$0x0 ss:$0x1], $0xffff;
	v6 =	vand.u32 $0xFF0000, v6;
	v9 =	vor.u32 v10, v9;
	v4 =	vshrl.u32 v4, v5  }
0xb4: {  	s29 =	sor.u32 $0x2C0, s16;
	v6 =	vor.u32 v6, v9;
	v5 =	vld.idx.msk [tilespmem:v1+s26+$0x0 ss:$0x1], $0xffff;
	v4 =	vshll.u32 v4, $0x18  }
0xb5: {  	s30 =	sshrl.u32 s29, $0x2;
	v4 =	vor.u32 v4, v6  }
0xb6: {  	v55 =	vld.idx.msk [tilespmem:v1+s28+$0x0 ss:$0x1], $0xffff;
	[tilespmem:v3+s30+$0x0 ss:$0x1] =	vst.idx.msk $0xffff, v4  }
0xb7: {  	v7 =	vshll.u32 v52, $0x3;
	v57 =	vshll.u32 v53, $0x3;
	v56 =	vld.idx.msk [tilespmem:v1+s23+$0x0 ss:$0x1], $0xffff  }
0xb8: {  	v60 =	vshll.u32 v54, $0x3;
	v7 =	vshrl.u32 v51, v7;
	v4 =	vshll.u32 v50, $0x3;
	v58 =	vld.idx.msk [tilespmem:v2+s23+$0x0 ss:$0x1], $0xffff  }
0xb9: {  	v7 =	vshll.u32 v7, $0x8;
	v4 =	vshrl.u32 v49, v4;
	v59 =	vld.idx.msk [tilespmem:v1+s29+$0x0 ss:$0x1], $0xffff;
	v5 =	vshrl.u32 v5, v57  }
0xba: {  	s24 =	sor.u32 $0x340, s16;
	v7 =	vand.u32 $0xFF00, v7;
	v61 =	vld.idx.msk [tilespmem:v2+s29+$0x0 ss:$0x1], $0xffff;
	v4 =	vand.u32 $0xFF, v4;
	v5 =	vshll.u32 v5, $0x10  }
0xbb: {  	v6 =	vshrl.u32 v55, v60;
	v62 =	vld.idx.msk [tilespmem:v2+s24+$0x0 ss:$0x1], $0xffff;
	v4 =	vor.u32 v4, v7;
	v5 =	vand.u32 $0xFF0000, v5  }
0xbc: {  	s18 =	sor.u32 $0x3C0, s16;
	v63 =	vld.idx.msk [tilespmem:v1+s24+$0x0 ss:$0x1], $0xffff;
	v4 =	vor.u32 v5, v4;
	v5 =	vshll.u32 v6, $0x18  }
0xbd: {  	s20 =	sshra.s32 s20, $0x2;
	v16 =	vld.idx.msk [tilespmem:v1+s18+$0x0 ss:$0x1], $0xffff;
	v4 =	vor.u32 v5, v4  }
0xbe: {  	s31 =	sor.u32 $0x70, s16;
	v5 =	vld.idx.msk [tilespmem:v2+s18+$0x0 ss:$0x1], $0xffff;
	[tilespmem:v3+s20+$0x0 ss:$0x1] =	vst.idx.msk $0xffff, v4  }
0xbf: {  	v8 =	vld.idx.msk [tilespmem:v1+s31+$0x0 ss:$0x1], $0xffff  }
0xc0: {  	s22 =	sor.u32 $0xF0, s16;
	v17 =	vshll.u32 v61, $0x3;
	v4 =	vshll.u32 v58, $0x3;
	v9 =	vld.idx.msk [tilespmem:v2+s31+$0x0 ss:$0x1], $0xffff  }
0xc1: {  	v7 =	vshll.u32 v62, $0x3;
	v11 =	vshrl.u32 v59, v17;
	s20 =	sor.u32 $0x580, s16;
	v4 =	vshrl.u32 v56, v4;
	v10 =	vld.idx.msk [tilespmem:v1+s22+$0x0 ss:$0x1], $0xffff  }
0xc2: {  	v6 =	vshrl.u32 v63, v7;
	v33 =	vld.idx.msk [tilespmem:v2+s20+$0x0 ss:$0x1], $0xffff;
	v18 =	vand.u32 $0xFF, v4;
	v4 =	vshll.u32 v11, $0x8  }
0xc3: {  	s23 =	sor.u32 $0x170, s16;
	v6 =	vshll.u32 v6, $0x10;
	v11 =	vld.idx.msk [tilespmem:v2+s22+$0x0 ss:$0x1], $0xffff;
	v19 =	vand.u32 $0xFF00, v4;
	v5 =	vshll.u32 v5, $0x3  }
0xc4: {  	s31 =	sor.u32 $0x400, s16;
	v20 =	vand.u32 $0xFF0000, v6;
	v6 =	vld.idx.msk [tilespmem:v2+s23+$0x0 ss:$0x1], $0xffff;
	v7 =	vor.u32 v18, v19;
	v5 =	vshrl.u32 v16, v5  }
0xc5: {  	v25 =	vld.idx.msk [tilespmem:v2+s31+$0x0 ss:$0x1], $0xffff;
	v7 =	vor.u32 v20, v7;
	v21 =	vshll.u32 v5, $0x18  }
0xc6: {  	s21 =	sshrl.u32 s21, $0x2;
	s22 =	sor.u32 $0x480, s16;
	v4 =	vld.idx.msk [tilespmem:v1+s23+$0x0 ss:$0x1], $0xffff;
	v12 =	vor.u32 v21, v7  }
0xc7: {  	s26 =	sor.u32 $0x250, s16;
	v26 =	vld.idx.msk [tilespmem:v1+s22+$0x0 ss:$0x1], $0xffff;
	[tilespmem:v3+s21+$0x0 ss:$0x1] =	vst.idx.msk $0xffff, v12  }
0xc8: {  	v12 =	vld.idx.msk [tilespmem:v1+s26+$0x0 ss:$0x1], $0xffff  }
0xc9: {  	s28 =	sor.u32 $0x2D0, s16;
	v22 =	vld.idx.msk [tilespmem:v2+s26+$0x0 ss:$0x1], $0xffff  }
0xca: {  	v14 =	vld.idx.msk [tilespmem:v1+s28+$0x0 ss:$0x1], $0xffff  }
0xcb: {  	s29 =	sor.u32 $0x350, s16;
	v15 =	vld.idx.msk [tilespmem:v2+s28+$0x0 ss:$0x1], $0xffff  }
0xcc: {  	s30 =	sor.u32 $0x3D0, s16;
	v16 =	vld.idx.msk [tilespmem:v2+s29+$0x0 ss:$0x1], $0xffff  }
0xcd: {  	v18 =	vld.idx.msk [tilespmem:v2+s30+$0x0 ss:$0x1], $0xffff  }
0xce: {  	v17 =	vld.idx.msk [tilespmem:v1+s29+$0x0 ss:$0x1], $0xffff  }
0xcf: {  	v28 =	vld.idx.msk [tilespmem:v2+s22+$0x0 ss:$0x1], $0xffff  }
0xd0: {  	s23 =	sor.u32 $0x500, s16;
	v19 =	vld.idx.msk [tilespmem:v1+s30+$0x0 ss:$0x1], $0xffff  }
0xd1: {  	s25 =	sor.u32 $0x1F0, s16;
	v32 =	vld.idx.msk [tilespmem:v1+s23+$0x0 ss:$0x1], $0xffff;
	v13 =	vshll.u32 v22, $0x3;
	v15 =	vshll.u32 v15, $0x3  }
0xd2: {  	v5 =	vld.idx.msk [tilespmem:v1+s25+$0x0 ss:$0x1], $0xffff;
	v24 =	vshll.u32 v16, $0x3;
	v27 =	vshll.u32 v18, $0x3;
	v23 =	vshrl.u32 v14, v15  }
0xd3: {  	v7 =	vld.idx.msk [tilespmem:v2+s25+$0x0 ss:$0x1], $0xffff;
	v12 =	vshrl.u32 v12, v13;
	v14 =	vshrl.u32 v17, v24;
	v13 =	vshll.u32 v23, $0x8  }
0xd4: {  	s25 =	sand.u32 $0x3FFFFE00, s31;
	v21 =	vld.idx.msk [tilespmem:v2+s23+$0x0 ss:$0x1], $0xffff;
	v12 =	vand.u32 $0xFF, v12;
	v14 =	vshll.u32 v14, $0x10;
	v13 =	vand.u32 $0xFF00, v13  }
0xd5: {  	v20 =	vld.idx.msk [tilespmem:v1+s25+$0x0 ss:$0x1], $0xffff;
	v30 =	vshrl.u32 v19, v27;
	v29 =	vand.u32 $0xFF0000, v14;
	v12 =	vor.u32 v12, v13  }
0xd6: {  	v31 =	vshll.u32 v30, $0x18;
	v12 =	vor.u32 v29, v12  }
0xd7: {  	s24 =	sshrl.u32 s24, $0x2;
	v34 =	vld.idx.msk [tilespmem:v1+s20+$0x0 ss:$0x1], $0xffff;
	v12 =	vor.u32 v31, v12  }
0xd8: {  	v38 =	vshll.u32 v33, $0x3;
	s26 =	sor.u32 $0x260, s16;
	v18 =	vshll.u32 v28, $0x3;
	[tilespmem:v3+s24+$0x0 ss:$0x1] =	vst.idx.msk $0xffff, v12  }
0xd9: {  	v35 =	vshll.u32 v21, $0x3;
	v15 =	vshll.u32 v25, $0x3;
	v18 =	vshrl.u32 v26, v18;
	v16 =	vld.idx.msk [tilespmem:v1+s26+$0x0 ss:$0x1], $0xffff  }
0xda: {  	s28 =	sor.u32 $0x2E0, s16;
	v15 =	vshrl.u32 v20, v15;
	v36 =	vshll.u32 v18, $0x8;
	v14 =	vshrl.u32 v32, v35;
	v19 =	vld.idx.msk [tilespmem:v2+s26+$0x0 ss:$0x1], $0xffff  }
0xdb: {  	v15 =	vand.u32 $0xFF, v15;
	v37 =	vand.u32 $0xFF00, v36;
	v14 =	vshll.u32 v14, $0x10;
	v17 =	vld.idx.msk [tilespmem:v1+s28+$0x0 ss:$0x1], $0xffff  }
0xdc: {  	s29 =	sor.u32 $0x360, s16;
	v20 =	vor.u32 v15, v37;
	v14 =	vand.u32 $0xFF0000, v14;
	v12 =	vshrl.u32 v34, v38;
	v18 =	vld.idx.msk [tilespmem:v2+s28+$0x0 ss:$0x1], $0xffff  }
0xdd: {  	v14 =	vor.u32 v14, v20;
	v13 =	vld.idx.msk [tilespmem:v1+s29+$0x0 ss:$0x1], $0xffff;
	v39 =	vshll.u32 v12, $0x18  }
0xde: {  	s21 =	sshrl.u32 s31, $0x2;
	s30 =	sor.u32 $0x3E0, s16;
	v15 =	vld.idx.msk [tilespmem:v2+s29+$0x0 ss:$0x1], $0xffff;
	v20 =	vor.u32 v39, v14  }
0xdf: {  	s31 =	sor.u32 $0x410, s16;
	v12 =	vld.idx.msk [tilespmem:v1+s30+$0x0 ss:$0x1], $0xffff;
	[tilespmem:v3+s21+$0x0 ss:$0x1] =	vst.idx.msk $0xffff, v20  }
0xe0: {  	v20 =	vld.idx.msk [tilespmem:v1+s31+$0x0 ss:$0x1], $0xffff  }
0xe1: {  	s24 =	sor.u32 $0x490, s16;
	v40 =	vld.idx.msk [tilespmem:v2+s31+$0x0 ss:$0x1], $0xffff  }
0xe2: {  	v22 =	vld.idx.msk [tilespmem:v1+s24+$0x0 ss:$0x1], $0xffff  }
0xe3: {  	s25 =	sor.u32 $0x510, s16;
	v23 =	vld.idx.msk [tilespmem:v2+s24+$0x0 ss:$0x1], $0xffff  }
0xe4: {  	s26 =	sor.u32 $0x590, s16;
	v24 =	vld.idx.msk [tilespmem:v2+s25+$0x0 ss:$0x1], $0xffff  }
0xe5: {  	v26 =	vld.idx.msk [tilespmem:v2+s26+$0x0 ss:$0x1], $0xffff  }
0xe6: {  	v25 =	vld.idx.msk [tilespmem:v1+s25+$0x0 ss:$0x1], $0xffff  }
0xe7: {  	v14 =	vld.idx.msk [tilespmem:v2+s30+$0x0 ss:$0x1], $0xffff  }
0xe8: {  	s28 =	sor.u32 $0x600, s16;
	v27 =	vld.idx.msk [tilespmem:v1+s26+$0x0 ss:$0x1], $0xffff  }
0xe9: {  	s29 =	sand.u32 $0x3FFFFE00, s28;
	v43 =	vld.idx.msk [tilespmem:v2+s28+$0x0 ss:$0x1], $0xffff;
	v21 =	vshll.u32 v40, $0x3;
	v23 =	vshll.u32 v23, $0x3  }
0xea: {  	v28 =	vld.idx.msk [tilespmem:v1+s29+$0x0 ss:$0x1], $0xffff;
	s21 =	sor.u32 $0x780, s16;
	v42 =	vshll.u32 v24, $0x3;
	v45 =	vshll.u32 v26, $0x3;
	v41 =	vshrl.u32 v22, v23  }
0xeb: {  	s25 =	sor.u32 $0x680, s16;
	v52 =	vld.idx.msk [tilespmem:v2+s21+$0x0 ss:$0x1], $0xffff;
	v20 =	vshrl.u32 v20, v21;
	v22 =	vshrl.u32 v25, v42;
	v21 =	vshll.u32 v41, $0x8  }
0xec: {  	v44 =	vld.idx.msk [tilespmem:v1+s25+$0x0 ss:$0x1], $0xffff;
	v20 =	vand.u32 $0xFF, v20;
	v22 =	vshll.u32 v22, $0x10;
	v21 =	vand.u32 $0xFF00, v21  }
0xed: {  	s24 =	sor.u32 $0x700, s16;
	v46 =	vld.idx.msk [tilespmem:v2+s25+$0x0 ss:$0x1], $0xffff;
	v48 =	vshrl.u32 v27, v45;
	v47 =	vand.u32 $0xFF0000, v22;
	v20 =	vor.u32 v20, v21  }
0xee: {  	s26 =	sor.u32 $0x440, s16;
	v49 =	vld.idx.msk [tilespmem:v2+s24+$0x0 ss:$0x1], $0xffff;
	v50 =	vshll.u32 v48, $0x18;
	v20 =	vor.u32 v47, v20  }
0xef: {  	v51 =	vld.idx.msk [tilespmem:v1+s24+$0x0 ss:$0x1], $0xffff;
	s29 =	sshrl.u32 s26, $0x2;
	v20 =	vor.u32 v50, v20  }
0xf0: {  	s30 =	sor.u32 $0x420, s16;
	v53 =	vld.idx.msk [tilespmem:v1+s21+$0x0 ss:$0x1], $0xffff;
	[tilespmem:v3+s29+$0x0 ss:$0x1] =	vst.idx.msk $0xffff, v20  }
0xf1: {  	v54 =	vld.idx.msk [tilespmem:v1+s30+$0x0 ss:$0x1], $0xffff  }
0xf2: {  	s31 =	sor.u32 $0x4A0, s16;
	v23 =	vshll.u32 v43, $0x3;
	v26 =	vshll.u32 v46, $0x3;
	v55 =	vld.idx.msk [tilespmem:v2+s30+$0x0 ss:$0x1], $0xffff  }
0xf3: {  	v25 =	vshll.u32 v49, $0x3;
	v23 =	vshrl.u32 v28, v23;
	v24 =	vshrl.u32 v44, v26;
	v56 =	vld.idx.msk [tilespmem:v1+s31+$0x0 ss:$0x1], $0xffff  }
0xf4: {  	v23 =	vand.u32 $0xFF, v23;
	v24 =	vshll.u32 v24, $0x8;
	v22 =	vshrl.u32 v51, v25;
	v57 =	vld.idx.msk [tilespmem:v2+s31+$0x0 ss:$0x1], $0xffff;
	s30 =	sor.u32 $0x520, s16  }
0xf5: {  	v24 =	vand.u32 $0xFF00, v24;
	v22 =	vshll.u32 v22, $0x10;
	v21 =	vshll.u32 v52, $0x3;
	v58 =	vld.idx.msk [tilespmem:v2+s30+$0x0 ss:$0x1], $0xffff  }
0xf6: {  	v23 =	vor.u32 v23, v24;
	v22 =	vand.u32 $0xFF0000, v22;
	v20 =	vshrl.u32 v53, v21;
	s31 =	sor.u32 $0x5A0, s16;
	v59 =	vld.idx.msk [tilespmem:v1+s30+$0x0 ss:$0x1], $0xffff  }
0xf7: {  	v22 =	vor.u32 v22, v23;
	v20 =	vshll.u32 v20, $0x18;
	v60 =	vld.idx.msk [tilespmem:v2+s31+$0x0 ss:$0x1], $0xffff  }
0xf8: {  	s28 =	sshrl.u32 s28, $0x2;
	v20 =	vor.u32 v20, v22  }
0xf9: {  	v61 =	vld.idx.msk [tilespmem:v1+s31+$0x0 ss:$0x1], $0xffff;
	s30 =	sor.u32 $0x610, s16;
	[tilespmem:v3+s28+$0x0 ss:$0x1] =	vst.idx.msk $0xffff, v20  }
0xfa: {  	v63 =	vld.idx.msk [tilespmem:v1+s30+$0x0 ss:$0x1], $0xffff;
	v62 =	vshll.u32 v55, $0x3;
	v25 =	vshll.u32 v57, $0x3  }
0xfb: {  	s31 =	sor.u32 $0x690, s16;
	v31 =	vld.idx.msk [tilespmem:v2+s30+$0x0 ss:$0x1], $0xffff;
	v20 =	vshrl.u32 v54, v62;
	v25 =	vshrl.u32 v56, v25;
	v24 =	vshll.u32 v58, $0x3  }
0xfc: {  	v32 =	vld.idx.msk [tilespmem:v1+s31+$0x0 ss:$0x1], $0xffff;
	v23 =	vshll.u32 v60, $0x3;
	v25 =	vshll.u32 v25, $0x8;
	v21 =	vshrl.u32 v59, v24  }
0xfd: {  	s29 =	sor.u32 $0x710, s16;
	v33 =	vld.idx.msk [tilespmem:v2+s31+$0x0 ss:$0x1], $0xffff;
	v20 =	vand.u32 $0xFF, v20;
	v25 =	vand.u32 $0xFF00, v25;
	v21 =	vshll.u32 v21, $0x10  }
0xfe: {  	v34 =	vld.idx.msk [tilespmem:v2+s29+$0x0 ss:$0x1], $0xffff;
	v22 =	vshrl.u32 v61, v23;
	v20 =	vor.u32 v20, v25;
	v21 =	vand.u32 $0xFF0000, v21  }
0xff: {  	v36 =	vld.idx.msk [tilespmem:v1+s29+$0x0 ss:$0x1], $0xffff;
	s30 =	sor.u32 $0x790, s16;
	v35 =	vshll.u32 v22, $0x18;
	v20 =	vor.u32 v21, v20  }
0x100: {  	s22 =	sshrl.u32 s22, $0x2;
	v37 =	vld.idx.msk [tilespmem:v2+s30+$0x0 ss:$0x1], $0xffff;
	v20 =	vor.u32 v35, v20  }
0x101: {  	s31 =	sor.u32 $0x430, s16;
	v38 =	vld.idx.msk [tilespmem:v1+s30+$0x0 ss:$0x1], $0xffff;
	[tilespmem:v3+s22+$0x0 ss:$0x1] =	vst.idx.msk $0xffff, v20  }
0x102: {  	v39 =	vld.idx.msk [tilespmem:v1+s31+$0x0 ss:$0x1], $0xffff  }
0x103: {  	s29 =	sor.u32 $0x4B0, s16;
	v26 =	vshll.u32 v31, $0x3;
	v27 =	vshll.u32 v33, $0x3;
	v40 =	vld.idx.msk [tilespmem:v2+s31+$0x0 ss:$0x1], $0xffff  }
0x104: {  	v23 =	vshll.u32 v34, $0x3;
	v26 =	vshrl.u32 v63, v26;
	v24 =	vshrl.u32 v32, v27;
	v41 =	vld.idx.msk [tilespmem:v1+s29+$0x0 ss:$0x1], $0xffff  }
0x105: {  	s30 =	sor.u32 $0x530, s16;
	v22 =	vshrl.u32 v36, v23;
	v26 =	vand.u32 $0xFF, v26;
	v24 =	vshll.u32 v24, $0x8;
	v42 =	vld.idx.msk [tilespmem:v2+s29+$0x0 ss:$0x1], $0xffff  }
0x106: {  	v22 =	vshll.u32 v22, $0x10;
	v21 =	vshll.u32 v37, $0x3;
	v24 =	vand.u32 $0xFF00, v24;
	v43 =	vld.idx.msk [tilespmem:v2+s30+$0x0 ss:$0x1], $0xffff  }
0x107: {  	v22 =	vand.u32 $0xFF0000, v22;
	v24 =	vor.u32 v26, v24;
	v20 =	vshrl.u32 v38, v21;
	v44 =	vld.idx.msk [tilespmem:v1+s30+$0x0 ss:$0x1], $0xffff;
	s31 =	sor.u32 $0x5B0, s16  }
0x108: {  	s28 =	sor.u32 $0x640, s16;
	v22 =	vor.u32 v22, v24;
	v20 =	vshll.u32 v20, $0x18;
	v45 =	vld.idx.msk [tilespmem:v2+s31+$0x0 ss:$0x1], $0xffff  }
0x109: {  	s30 =	sshrl.u32 s28, $0x2;
	v20 =	vor.u32 v20, v22  }
0x10a: {  	v46 =	vld.idx.msk [tilespmem:v1+s31+$0x0 ss:$0x1], $0xffff;
	s31 =	sor.u32 $0x620, s16;
	[tilespmem:v3+s30+$0x0 ss:$0x1] =	vst.idx.msk $0xffff, v20  }
0x10b: {  	v48 =	vld.idx.msk [tilespmem:v1+s31+$0x0 ss:$0x1], $0xffff;
	v47 =	vshll.u32 v40, $0x3;
	v23 =	vshll.u32 v42, $0x3  }
0x10c: {  	s29 =	sor.u32 $0x6A0, s16;
	v50 =	vld.idx.msk [tilespmem:v2+s31+$0x0 ss:$0x1], $0xffff;
	v49 =	vshll.u32 v43, $0x3;
	v20 =	vshrl.u32 v39, v47;
	v23 =	vshrl.u32 v41, v23  }
0x10d: {  	v51 =	vld.idx.msk [tilespmem:v1+s29+$0x0 ss:$0x1], $0xffff;
	v21 =	vshrl.u32 v44, v49;
	v24 =	vshll.u32 v45, $0x3;
	v23 =	vshll.u32 v23, $0x8  }
0x10e: {  	s30 =	sor.u32 $0x720, s16;
	v52 =	vld.idx.msk [tilespmem:v2+s29+$0x0 ss:$0x1], $0xffff;
	v20 =	vand.u32 $0xFF, v20;
	v21 =	vshll.u32 v21, $0x10;
	v23 =	vand.u32 $0xFF00, v23  }
0x10f: {  	v53 =	vld.idx.msk [tilespmem:v2+s30+$0x0 ss:$0x1], $0xffff;
	v22 =	vshrl.u32 v46, v24;
	v21 =	vand.u32 $0xFF0000, v21;
	v20 =	vor.u32 v20, v23  }
0x110: {  	s29 =	sor.u32 $0x4C0, s16;
	v55 =	vld.idx.msk [tilespmem:v1+s30+$0x0 ss:$0x1], $0xffff;
	s31 =	sor.u32 $0x7A0, s16;
	v54 =	vshll.u32 v22, $0x18;
	v20 =	vor.u32 v21, v20  }
0x111: {  	s30 =	sshrl.u32 s29, $0x2;
	v57 =	vld.idx.msk [tilespmem:v2+s31+$0x0 ss:$0x1], $0xffff;
	v56 =	vor.u32 v54, v20  }
0x112: {  	v19 =	vshll.u32 v19, $0x3;
	v58 =	vld.idx.msk [tilespmem:v1+s31+$0x0 ss:$0x1], $0xffff;
	[tilespmem:v3+s30+$0x0 ss:$0x1] =	vst.idx.msk $0xffff, v56  }
0x113: {  	v16 =	vshrl.u32 v16, v19;
	v60 =	vshll.u32 v50, $0x3;
	v61 =	vshll.u32 v52, $0x3;
	v59 =	vld.idx.msk [tilespmem:v1+s26+$0x0 ss:$0x1], $0xffff  }
0x114: {  	v24 =	vshrl.u32 v51, v61;
	v23 =	vshll.u32 v53, $0x3;
	v21 =	vshrl.u32 v48, v60;
	v62 =	vld.idx.msk [tilespmem:v2+s26+$0x0 ss:$0x1], $0xffff  }
0x115: {  	v24 =	vshll.u32 v24, $0x8;
	v22 =	vshrl.u32 v55, v23;
	v21 =	vand.u32 $0xFF, v21;
	v63 =	vld.idx.msk [tilespmem:v1+s29+$0x0 ss:$0x1], $0xffff  }
0x116: {  	s22 =	sor.u32 $0x5C0, s16;
	v24 =	vand.u32 $0xFF00, v24;
	v22 =	vshll.u32 v22, $0x10;
	v20 =	vshll.u32 v57, $0x3;
	v30 =	vld.idx.msk [tilespmem:v2+s29+$0x0 ss:$0x1], $0xffff  }
0x117: {  	v21 =	vor.u32 v21, v24;
	v22 =	vand.u32 $0xFF0000, v22;
	v19 =	vshrl.u32 v58, v20;
	v33 =	vld.idx.msk [tilespmem:v1+s22+$0x0 ss:$0x1], $0xffff  }
0x118: {  	v18 =	vshll.u32 v18, $0x3;
	s26 =	sor.u32 $0x540, s16;
	v21 =	vor.u32 v22, v21;
	v19 =	vshll.u32 v19, $0x18;
	v34 =	vld.idx.msk [tilespmem:v2+s22+$0x0 ss:$0x1], $0xffff  }
0x119: {  	s25 =	sshrl.u32 s25, $0x2;
	v15 =	vshll.u32 v15, $0x3;
	v17 =	vshrl.u32 v17, v18;
	v31 =	vld.idx.msk [tilespmem:v1+s26+$0x0 ss:$0x1], $0xffff;
	v19 =	vor.u32 v19, v21  }
0x11a: {  	v13 =	vshrl.u32 v13, v15;
	v14 =	vshll.u32 v14, $0x3;
	v17 =	vshll.u32 v17, $0x8;
	s29 =	sor.u32 $0x630, s16;
	v32 =	vld.idx.msk [tilespmem:v2+s26+$0x0 ss:$0x1], $0xffff;
	[tilespmem:v3+s25+$0x0 ss:$0x1] =	vst.idx.msk $0xffff, v19  }
0x11b: {  	v16 =	vand.u32 $0xFF, v16;
	v13 =	vshll.u32 v13, $0x10;
	v17 =	vand.u32 $0xFF00, v17;
	v35 =	vld.idx.msk [tilespmem:v1+s29+$0x0 ss:$0x1], $0xffff  }
0x11c: {  	v12 =	vshrl.u32 v12, v14;
	v13 =	vand.u32 $0xFF0000, v13;
	v16 =	vor.u32 v16, v17;
	s30 =	sor.u32 $0x6B0, s16;
	v36 =	vld.idx.msk [tilespmem:v2+s29+$0x0 ss:$0x1], $0xffff  }
0x11d: {  	v12 =	vshll.u32 v12, $0x18;
	v13 =	vor.u32 v13, v16;
	v19 =	vld.idx.msk [tilespmem:v1+s30+$0x0 ss:$0x1], $0xffff  }
0x11e: {  	v12 =	vor.u32 v12, v13;
	s31 =	sor.u32 $0x730, s16;
	v40 =	vld.idx.msk [tilespmem:v2+s30+$0x0 ss:$0x1], $0xffff  }
0x11f: {  	v41 =	vld.idx.msk [tilespmem:v2+s31+$0x0 ss:$0x1], $0xffff;
	v37 =	vshll.u32 v62, $0x3;
	v38 =	vshll.u32 v30, $0x3;
	v21 =	vshll.u32 v34, $0x3  }
0x120: {  	v42 =	vld.idx.msk [tilespmem:v1+s31+$0x0 ss:$0x1], $0xffff;
	s29 =	sor.u32 $0x7B0, s16;
	v13 =	vshrl.u32 v59, v37;
	v16 =	vshrl.u32 v63, v38;
	v39 =	vshll.u32 v32, $0x3  }
0x121: {  	v44 =	vld.idx.msk [tilespmem:v2+s29+$0x0 ss:$0x1], $0xffff;
	v15 =	vshrl.u32 v33, v21;
	v13 =	vand.u32 $0xFF, v13;
	v16 =	vshll.u32 v16, $0x8  }
0x122: {  	v18 =	vshrl.u32 v31, v39;
	v46 =	vshll.u32 v15, $0x18;
	v16 =	vand.u32 $0xFF00, v16  }
0x123: {  	s19 =	sshrl.u32 s19, $0x2;
	v47 =	vld.idx.msk [tilespmem:v1+s29+$0x0 ss:$0x1], $0xffff;
	v18 =	vshll.u32 v18, $0x10;
	v49 =	vshll.u32 v36, $0x3;
	v50 =	vshll.u32 v40, $0x3  }
0x124: {  	[tilespmem:v3+s19+$0x0 ss:$0x1] =	vst.idx.msk $0xffff, v12;
	s30 =	sor.u32 $0x270, s16;
	v51 =	vshll.u32 v41, $0x3;
	v13 =	vor.u32 v13, v16;
	v43 =	vand.u32 $0xFF0000, v18  }
0x125: {  	s31 =	sor.u32 $0x2F0, s16;
	v17 =	vld.idx.msk [tilespmem:v2+s30+$0x0 ss:$0x1], $0xffff;
	v14 =	vshrl.u32 v35, v49;
	v45 =	vor.u32 v43, v13;
	v13 =	vshrl.u32 v19, v50  }
0x126: {  	s25 =	sor.u32 $0x370, s16;
	v12 =	vld.idx.msk [tilespmem:v1+s31+$0x0 ss:$0x1], $0xffff;
	v18 =	vshll.u32 v44, $0x3;
	v19 =	vshrl.u32 v42, v51;
	v13 =	vshll.u32 v13, $0x8  }
0x127: {  	v15 =	vld.idx.msk [tilespmem:v2+s25+$0x0 ss:$0x1], $0xffff;
	v52 =	vand.u32 $0xFF, v14;
	v19 =	vshll.u32 v19, $0x10;
	v53 =	vand.u32 $0xFF00, v13  }
0x128: {  	v16 =	vld.idx.msk [tilespmem:v1+s30+$0x0 ss:$0x1], $0xffff;
	v18 =	vshrl.u32 v47, v18;
	v19 =	vand.u32 $0xFF0000, v19;
	v20 =	vor.u32 v52, v53  }
0x129: {  	s23 =	sshrl.u32 s23, $0x2;
	s30 =	sor.u32 $0x6C0, s16;
	v14 =	vld.idx.msk [tilespmem:v2+s31+$0x0 ss:$0x1], $0xffff;
	v48 =	vor.u32 v46, v45;
	v18 =	vshll.u32 v18, $0x18;
	v19 =	vor.u32 v19, v20  }
0x12a: {  	s29 =	sor.u32 $0x450, s16;
	s31 =	sshrl.u32 s30, $0x2;
	v13 =	vld.idx.msk [tilespmem:v1+s25+$0x0 ss:$0x1], $0xffff;
	[tilespmem:v3+s23+$0x0 ss:$0x1] =	vst.idx.msk $0xffff, v48;
	v18 =	vor.u32 v18, v19  }
0x12b: {  	v54 =	vld.idx.msk [tilespmem:v1+s29+$0x0 ss:$0x1], $0xffff;
	[tilespmem:v3+s31+$0x0 ss:$0x1] =	vst.idx.msk $0xffff, v18  }
0x12c: {  	v18 =	vld.idx.msk [tilespmem:v1+s28+$0x0 ss:$0x1], $0xffff  }
0x12d: {  	v55 =	vld.idx.msk [tilespmem:v2+s28+$0x0 ss:$0x1], $0xffff  }
0x12e: {  	v56 =	vld.idx.msk [tilespmem:v1+s30+$0x0 ss:$0x1], $0xffff  }
0x12f: {  	s23 =	sor.u32 $0x740, s16;
	v57 =	vld.idx.msk [tilespmem:v2+s30+$0x0 ss:$0x1], $0xffff  }
0x130: {  	s19 =	sor.u32 $0x7C0, s16;
	v58 =	vld.idx.msk [tilespmem:v2+s23+$0x0 ss:$0x1], $0xffff  }
0x131: {  	v60 =	vld.idx.msk [tilespmem:v2+s19+$0x0 ss:$0x1], $0xffff  }
0x132: {  	v59 =	vld.idx.msk [tilespmem:v1+s23+$0x0 ss:$0x1], $0xffff  }
0x133: {  	v21 =	vld.idx.msk [tilespmem:v2+s29+$0x0 ss:$0x1], $0xffff  }
0x134: {  	s29 =	sor.u32 $0x550, s16;
	v61 =	vld.idx.msk [tilespmem:v1+s19+$0x0 ss:$0x1], $0xffff  }
0x135: {  	v31 =	vld.idx.msk [tilespmem:v1+s29+$0x0 ss:$0x1], $0xffff;
	v19 =	vshll.u32 v55, $0x3;
	v23 =	vshll.u32 v57, $0x3  }
0x136: {  	v32 =	vld.idx.msk [tilespmem:v2+s29+$0x0 ss:$0x1], $0xffff;
	s28 =	sor.u32 $0x4D0, s16;
	v30 =	vshll.u32 v58, $0x3;
	v33 =	vshll.u32 v60, $0x3;
	v63 =	vshrl.u32 v56, v23  }
0x137: {  	v62 =	vld.idx.msk [tilespmem:v1+s28+$0x0 ss:$0x1], $0xffff;
	v18 =	vshrl.u32 v18, v19;
	v22 =	vshrl.u32 v59, v30;
	v19 =	vshll.u32 v63, $0x8  }
0x138: {  	s30 =	sor.u32 $0x5D0, s16;
	v29 =	vld.idx.msk [tilespmem:v2+s28+$0x0 ss:$0x1], $0xffff;
	v18 =	vand.u32 $0xFF, v18;
	v22 =	vshll.u32 v22, $0x10;
	v19 =	vand.u32 $0xFF00, v19  }
0x139: {  	v35 =	vld.idx.msk [tilespmem:v1+s30+$0x0 ss:$0x1], $0xffff;
	v34 =	vshrl.u32 v61, v33;
	v22 =	vand.u32 $0xFF0000, v22;
	v18 =	vor.u32 v18, v19  }
0x13a: {  	s31 =	sor.u32 $0x3F0, s16;
	v36 =	vld.idx.msk [tilespmem:v2+s30+$0x0 ss:$0x1], $0xffff;
	v19 =	vshll.u32 v34, $0x18;
	v18 =	vor.u32 v22, v18  }
0x13b: {  	s24 =	sshrl.u32 s24, $0x2;
	v19 =	vor.u32 v19, v18;
	v18 =	vld.idx.msk [tilespmem:v1+s31+$0x0 ss:$0x1], $0xffff  }
0x13c: {  	s25 =	sor.u32 $0x650, s16;
	[tilespmem:v3+s24+$0x0 ss:$0x1] =	vst.idx.msk $0xffff, v19;
	v19 =	vld.idx.msk [tilespmem:v2+s31+$0x0 ss:$0x1], $0xffff  }
0x13d: {  	v39 =	vld.idx.msk [tilespmem:v1+s25+$0x0 ss:$0x1], $0xffff  }
0x13e: {  	v21 =	vshll.u32 v21, $0x3;
	s28 =	sor.u32 $0x6D0, s16;
	v37 =	vshll.u32 v29, $0x3;
	v40 =	vld.idx.msk [tilespmem:v2+s25+$0x0 ss:$0x1], $0xffff  }
0x13f: {  	v20 =	vshrl.u32 v54, v21;
	v24 =	vshll.u32 v32, $0x3;
	v38 =	vshrl.u32 v62, v37;
	v41 =	vld.idx.msk [tilespmem:v2+s28+$0x0 ss:$0x1], $0xffff  }
0x140: {  	s29 =	sor.u32 $0x750, s16;
	v20 =	vand.u32 $0xFF, v20;
	v23 =	vshrl.u32 v31, v24;
	v21 =	vshll.u32 v38, $0x8;
	v43 =	vld.idx.msk [tilespmem:v1+s28+$0x0 ss:$0x1], $0xffff  }
0x141: {  	v23 =	vshll.u32 v23, $0x10;
	v21 =	vand.u32 $0xFF00, v21;
	v22 =	vshll.u32 v36, $0x3;
	s31 =	sor.u32 $0x7D0, s16;
	v45 =	vld.idx.msk [tilespmem:v2+s29+$0x0 ss:$0x1], $0xffff  }
0x142: {  	v42 =	vand.u32 $0xFF0000, v23;
	v20 =	vor.u32 v20, v21;
	v22 =	vshrl.u32 v35, v22;
	v47 =	vld.idx.msk [tilespmem:v2+s31+$0x0 ss:$0x1], $0xffff  }
0x143: {  	v20 =	vor.u32 v42, v20;
	v44 =	vshll.u32 v22, $0x18;
	v46 =	vld.idx.msk [tilespmem:v1+s29+$0x0 ss:$0x1], $0xffff  }
0x144: {  	v9 =	vshll.u32 v9, $0x3;
	s30 =	sshrl.u32 s26, $0x2;
	v20 =	vor.u32 v44, v20  }
0x145: {  	v11 =	vshll.u32 v11, $0x3;
	v8 =	vshrl.u32 v8, v9;
	s26 =	sor.u32 $0x460, s16;
	v49 =	vld.idx.msk [tilespmem:v1+s31+$0x0 ss:$0x1], $0xffff;
	[tilespmem:v3+s30+$0x0 ss:$0x1] =	vst.idx.msk $0xffff, v20  }
0x146: {  	v48 =	vshrl.u32 v10, v11;
	v51 =	vld.idx.msk [tilespmem:v1+s26+$0x0 ss:$0x1], $0xffff;
	v50 =	vshll.u32 v41, $0x3;
	v24 =	vshll.u32 v40, $0x3  }
0x147: {  	s28 =	sor.u32 $0x4E0, s16;
	v52 =	vld.idx.msk [tilespmem:v2+s26+$0x0 ss:$0x1], $0xffff;
	v22 =	vshll.u32 v45, $0x3;
	v20 =	vshll.u32 v47, $0x3;
	v11 =	vshrl.u32 v43, v50  }
0x148: {  	v53 =	vld.idx.msk [tilespmem:v2+s28+$0x0 ss:$0x1], $0xffff;
	v24 =	vshrl.u32 v39, v24;
	v21 =	vshrl.u32 v46, v22;
	v11 =	vshll.u32 v11, $0x8  }
0x149: {  	s29 =	sor.u32 $0x560, s16;
	v54 =	vld.idx.msk [tilespmem:v1+s28+$0x0 ss:$0x1], $0xffff;
	v24 =	vand.u32 $0xFF, v24;
	v21 =	vshll.u32 v21, $0x10;
	v11 =	vand.u32 $0xFF00, v11  }
0x14a: {  	v55 =	vld.idx.msk [tilespmem:v2+s29+$0x0 ss:$0x1], $0xffff;
	v10 =	vshrl.u32 v49, v20;
	v21 =	vand.u32 $0xFF0000, v21;
	v11 =	vor.u32 v24, v11  }
0x14b: {  	v6 =	vshll.u32 v6, $0x3;
	s30 =	sor.u32 $0x5E0, s16;
	v56 =	vld.idx.msk [tilespmem:v1+s29+$0x0 ss:$0x1], $0xffff;
	v10 =	vshll.u32 v10, $0x18;
	v11 =	vor.u32 v21, v11  }
0x14c: {  	v4 =	vshrl.u32 v4, v6;
	v9 =	vshll.u32 v48, $0x8;
	s23 =	sshrl.u32 s23, $0x2;
	v58 =	vld.idx.msk [tilespmem:v2+s30+$0x0 ss:$0x1], $0xffff;
	v57 =	vor.u32 v10, v11  }
0x14d: {  	v8 =	vand.u32 $0xFF, v8;
	v4 =	vshll.u32 v4, $0x10;
	v9 =	vand.u32 $0xFF00, v9;
	s31 =	sor.u32 $0x660, s16;
	v61 =	vld.idx.msk [tilespmem:v1+s30+$0x0 ss:$0x1], $0xffff;
	[tilespmem:v3+s23+$0x0 ss:$0x1] =	vst.idx.msk $0xffff, v57  }
0x14e: {  	v4 =	vand.u32 $0xFF0000, v4;
	v8 =	vor.u32 v8, v9;
	v63 =	vld.idx.msk [tilespmem:v1+s31+$0x0 ss:$0x1], $0xffff  }
0x14f: {  	v59 =	vshll.u32 v7, $0x3;
	s24 =	sor.u32 $0x6E0, s16;
	v60 =	vshll.u32 v53, $0x3;
	v62 =	vshll.u32 v52, $0x3;
	v24 =	vld.idx.msk [tilespmem:v2+s31+$0x0 ss:$0x1], $0xffff  }
0x150: {  	v20 =	vshll.u32 v55, $0x3;
	v7 =	vshrl.u32 v54, v60;
	v6 =	vshrl.u32 v51, v62;
	v25 =	vld.idx.msk [tilespmem:v1+s24+$0x0 ss:$0x1], $0xffff  }
0x151: {  	s25 =	sor.u32 $0x760, s16;
	v20 =	vshrl.u32 v56, v20;
	v7 =	vshll.u32 v7, $0x8;
	v6 =	vand.u32 $0xFF, v6;
	v27 =	vld.idx.msk [tilespmem:v2+s24+$0x0 ss:$0x1], $0xffff  }
0x152: {  	s26 =	sor.u32 $0x7E0, s16;
	v26 =	vshll.u32 v20, $0x10;
	v7 =	vand.u32 $0xFF00, v7;
	v10 =	vshll.u32 v58, $0x3;
	v28 =	vld.idx.msk [tilespmem:v2+s25+$0x0 ss:$0x1], $0xffff  }
0x153: {  	v6 =	vor.u32 v6, v7;
	v7 =	vand.u32 $0xFF0000, v26;
	v9 =	vshrl.u32 v61, v10;
	v31 =	vld.idx.msk [tilespmem:v2+s26+$0x0 ss:$0x1], $0xffff  }
0x154: {  	v5 =	vshrl.u32 v5, v59;
	v6 =	vor.u32 v7, v6;
	v29 =	vshll.u32 v9, $0x18;
	v30 =	vld.idx.msk [tilespmem:v1+s25+$0x0 ss:$0x1], $0xffff  }
0x155: {  	s20 =	sshrl.u32 s20, $0x2;
	v4 =	vor.u32 v4, v8;
	v5 =	vshll.u32 v5, $0x18;
	v6 =	vor.u32 v29, v6  }
0x156: {  	v4 =	vor.u32 v5, v4;
	s28 =	sor.u32 $0x470, s16;
	v32 =	vld.idx.msk [tilespmem:v1+s26+$0x0 ss:$0x1], $0xffff;
	[tilespmem:v3+s20+$0x0 ss:$0x1] =	vst.idx.msk $0xffff, v6  }
0x157: {  	v5 =	vshll.u32 v17, $0x3;
	v33 =	vld.idx.msk [tilespmem:v1+s28+$0x0 ss:$0x1], $0xffff;
	v34 =	vshll.u32 v24, $0x3;
	v35 =	vshll.u32 v27, $0x3  }
0x158: {  	s29 =	sor.u32 $0x4F0, s16;
	v36 =	vld.idx.msk [tilespmem:v2+s28+$0x0 ss:$0x1], $0xffff;
	v10 =	vshll.u32 v28, $0x3;
	v7 =	vshll.u32 v31, $0x3;
	v17 =	vshrl.u32 v25, v35  }
0x159: {  	v37 =	vld.idx.msk [tilespmem:v1+s29+$0x0 ss:$0x1], $0xffff;
	v11 =	vshrl.u32 v63, v34;
	v9 =	vshrl.u32 v30, v10;
	v17 =	vshll.u32 v17, $0x8  }
0x15a: {  	s30 =	sor.u32 $0x570, s16;
	v38 =	vld.idx.msk [tilespmem:v2+s29+$0x0 ss:$0x1], $0xffff;
	v11 =	vand.u32 $0xFF, v11;
	v9 =	vshll.u32 v9, $0x10;
	v17 =	vand.u32 $0xFF00, v17  }
0x15b: {  	v39 =	vld.idx.msk [tilespmem:v1+s30+$0x0 ss:$0x1], $0xffff;
	v6 =	vshrl.u32 v32, v7;
	v9 =	vand.u32 $0xFF0000, v9;
	v11 =	vor.u32 v11, v17  }
0x15c: {  	v14 =	vshll.u32 v14, $0x3;
	s31 =	sor.u32 $0x5F0, s16;
	v40 =	vld.idx.msk [tilespmem:v2+s30+$0x0 ss:$0x1], $0xffff;
	v6 =	vshll.u32 v6, $0x18;
	v9 =	vor.u32 v9, v11  }
0x15d: {  	s21 =	sshrl.u32 s21, $0x2;
	v12 =	vshrl.u32 v12, v14;
	v42 =	vld.idx.msk [tilespmem:v1+s31+$0x0 ss:$0x1], $0xffff;
	v6 =	vor.u32 v6, v9  }
0x15e: {  	v5 =	vshrl.u32 v16, v5;
	v41 =	vshll.u32 v15, $0x3;
	s23 =	sor.u32 $0x670, s16;
	v43 =	vld.idx.msk [tilespmem:v2+s31+$0x0 ss:$0x1], $0xffff;
	[tilespmem:v3+s21+$0x0 ss:$0x1] =	vst.idx.msk $0xffff, v6  }
0x15f: {  	v12 =	vshll.u32 v12, $0x8;
	v5 =	vand.u32 $0xFF, v5;
	v13 =	vshrl.u32 v13, v41;
	v47 =	vld.idx.msk [tilespmem:v1+s23+$0x0 ss:$0x1], $0xffff  }
0x160: {  	v44 =	vand.u32 $0xFF00, v12;
	v46 =	vshll.u32 v19, $0x3;
	v45 =	vshll.u32 v13, $0x10;
	s24 =	sor.u32 $0x6F0, s16;
	v50 =	vld.idx.msk [tilespmem:v2+s23+$0x0 ss:$0x1], $0xffff  }
0x161: {  	v5 =	vor.u32 v5, v44;
	v49 =	vshrl.u32 v18, v46;
	v48 =	vand.u32 $0xFF0000, v45;
	v52 =	vld.idx.msk [tilespmem:v2+s24+$0x0 ss:$0x1], $0xffff  }
0x162: {  	v51 =	vshll.u32 v49, $0x18;
	v5 =	vor.u32 v48, v5;
	s25 =	sor.u32 $0x770, s16;
	v10 =	vshll.u32 v38, $0x3;
	v53 =	vld.idx.msk [tilespmem:v1+s24+$0x0 ss:$0x1], $0xffff  }
0x163: {  	s16 =	sor.u32 $0x7F0, s16;
	v16 =	vshll.u32 v36, $0x3;
	v10 =	vshrl.u32 v37, v10;
	v11 =	vshll.u32 v40, $0x3;
	v54 =	vld.idx.msk [tilespmem:v2+s25+$0x0 ss:$0x1], $0xffff  }
0x164: {  	v8 =	vshrl.u32 v33, v16;
	v10 =	vshll.u32 v10, $0x8;
	v7 =	vshrl.u32 v39, v11;
	v57 =	vld.idx.msk [tilespmem:v2+s16+$0x0 ss:$0x1], $0xffff  }
0x165: {  	v8 =	vand.u32 $0xFF, v8;
	v10 =	vand.u32 $0xFF00, v10;
	v7 =	vshll.u32 v7, $0x10;
	v55 =	vld.idx.msk [tilespmem:v1+s25+$0x0 ss:$0x1], $0xffff  }
0x166: {  	v58 =	vshll.u32 v43, $0x3;
	v56 =	vor.u32 v8, v10;
	v7 =	vand.u32 $0xFF0000, v7  }
0x167: {  	v5 =	vor.u32 v51, v5;
	v60 =	vld.idx.msk [tilespmem:v1+s16+$0x0 ss:$0x1], $0xffff;
	v6 =	vor.u32 v7, v56;
	v7 =	vshrl.u32 v42, v58  }
0x168: {  	v7 =	vshll.u32 v7, $0x18;
	v59 =	vshll.u32 v52, $0x3;
	v61 =	vshll.u32 v50, $0x3  }
0x169: {  	v11 =	vshll.u32 v54, $0x3;
	v8 =	vshll.u32 v57, $0x3;
	v9 =	vshrl.u32 v53, v59  }
0x16a: {  	p0 =	slt.u32 s15, $0x1C;
	v12 =	vshrl.u32 v47, v61;
	v11 =	vshrl.u32 v55, v11;
	v9 =	vshll.u32 v9, $0x8  }
.Ltmp6:
0x16b: {  	s26 =	sshra.s32 s17, $0x2;
	v12 =	vand.u32 $0xFF, v12;
	v11 =	vshll.u32 v11, $0x10;
	v9 =	vand.u32 $0xFF00, v9;
	(pc) =	sbr.rel @p0 .LBB2_8-.Ltmp6, $4  }
0x16c: {  	[tilespmem:v3+s26+$0x0 ss:$0x1] =	vst.idx.msk $0xffff, v4;
	s28 =	sshrl.u32 s18, $0x2;
	v4 =	vshrl.u32 v60, v8;
	v62 =	vand.u32 $0xFF0000, v11;
	v9 =	vor.u32 v12, v9  }
0x16d: {  	s29 =	sshrl.u32 s22, $0x2;
	[tilespmem:v3+s28+$0x0 ss:$0x1] =	vst.idx.msk $0xffff, v5;
	v5 =	vor.u32 v7, v6;
	v4 =	vshll.u32 v4, $0x18;
	v63 =	vor.u32 v62, v9  }
0x16e: {  	s30 =	sshrl.u32 s19, $0x2;
	s31 =	sadd.s32 $0x4, s15;
	[tilespmem:v3+s29+$0x0 ss:$0x1] =	vst.idx.msk $0xffff, v5;
	v4 =	vor.u32 v4, v63  }
0x16f: {  	s15 =	smov.u32 s31;
	[tilespmem:v3+s30+$0x0 ss:$0x1] =	vst.idx.msk $0xffff, v4  }
.Ltmp7:
0x170: {  	(pc) =	sbr.rel .LBB2_10-.Ltmp7, $4  }
0x171: {  	_ = 	snop  }
0x172: {  	s15 =	sshrl.u32 s13, $0x2;
	s31 =	sshrl.u32 s13, $0x5  }
0x173: {  	s13 =	sadd.s32 s31, s4;
	s15 =	sand.u32 $0x7, s15  }
0x174: {  	[hbm4b:s13+s15] =	stream.linear.scatter [tilespmem:s14], [sflag:$0x4], $0x1000, $0x38;
	[tilespmem:$0x16000] =	vst v63  }
.LBB2_12:
0x175: {  	s2 =	simm.s32 $0x4  }
0x176: {  	_ =	swait.ge [sflag:s2], $0x1000  }
0x177: {  	[sflag:s2] =	ssyncset.done $0x0  }
0x178: {  	[sflag:s2] =	ssyncadd.s32 $0xFFFFF000  }
0x179: {  	_ =	sfence.sel $0x180000  }
0x17a: {  	s3 =	simm.s32 $0x2;
	[bflag:$0x0] =	sbarrier.arrive $0xFFFF  }
0x17b: {  	s30 =	simm.s32 $0x3;
	[sflag:s3] =	ssyncpa.u1 $0x1  }
0x17c: {  	[sflag:s30] =	ssyncpa.u1 $0x1  }
0x17d: {  	s31 =	simm.s32 $0x1;
	[sflag:s2] =	ssyncpa.u1 $0x1  }
0x17e: {  	[sflag:s31] =	ssyncpa.u1 $0x1  }
0x17f: {  	p0 =	sne.s32 s1, $0x0;
	_ =	strace $0x9000004D  }
0x180: {  	s0 =	sadd.s32 @!p0 $0x100000, s0;
	[bflag:$0x2] =	sbarrier.arrive $0xFFFF  }
0x181: {  	[sflag:s0] =	ssyncadd.tile.s32 @!p0 $0x1;
	_ =	shalt  }
.Lfunc_end2:
_tile_overlayer_lowered:
.L_overlay_start_2:
0x182: {  	(tag) =	ssettag $0x2  }
0x183: {  	s0 =	rddreg [dreg:$0x0];
	s2 =	stileid.u32  }
0x184: {  	s1 =	rddreg [dreg:$0x1];
	p0 =	sne.s32 s2, $0x0  }
0x185: {  	s3 =	rddreg [dreg:$0x2];
	[bflag:$0x3] =	sbarrier.arrive $0xFFFF;
	s2 =	simm.s32 @!p0 $0x1C01  }
0x186: {  	[timem:s3], [sflag:s2] =	dma.local @!p0 [hbm:s0], s1  }
0x187: {  	s0 =	simm.s32 @!p0 $0x1  }
0x188: {  	_ =	swait.ge @!p0 [sflag:s0], s1  }
0x189: {  	s1 =	ssub.s32 @!p0 $0x0, s1;
	[sflag:s0] =	ssyncset.done @!p0 $0x0  }
0x18a: {  	[sflag:s0] =	ssyncadd.s32 @!p0 s1  }
0x18b: {  	[bflag:$0x3] =	sbarrier.arrive $0xFFFF  }
0x18c: {  	_ =	shalt  }

// kernel: gather_offload_async_start.4
scs
__scs_entry_jumppad:
0x0: {  	(pc) =	sbr.rel $0x88, $3  }
0x1: {  	(tag) =	ssettag $0x0;
	lr =	simm.s32 $0x1  }
0x2: {  	[smem:$0x3F91] =	sst lr;
	_ =	strace $0xD0000000  }
0x3: {  	_ = 	snop  }
0x4: {  	_ = 	snop  }
0x5: {  	_ = 	snop  }
0x6: {  	_ = 	snop  }
0x7: {  	_ = 	snop  }
__scs_overlays_trampoline_lowered:
0x8: {  	[smem:$0x3FA0] =	sst s0  }
0x9: {  	[smem:$0x3FA1] =	sst s1  }
0xa: {  	[smem:$0x3FA2] =	sst s2  }
0xb: {  	[smem:$0x3FA3] =	sst s3  }
0xc: {  	[smem:$0x3FA4] =	sst s4  }
0xd: {  	[smem:$0x3FA5] =	sst s5  }
0xe: {  	[smem:$0x3FA6] =	sst s6  }
0xf: {  	[smem:$0x3FA7] =	sst s7  }
0x10: {  	[smem:$0x3FA8] =	sst s8  }
0x11: {  	[smem:$0x3FA9] =	sst s9;
	s0 =	simm.s32 @!p0 $0x0  }
0x12: {  	s1 =	sld [smem:$0x3F8F];
	s0 =	simm.s32 @p0 $0x1  }
0x13: {  	[smem:$0x3FAA] =	sst s0;
	s0 =	simm.s32 @!p1 $0x0  }
0x14: {  	s2 =	sld [smem:$0x3F8E];
	s0 =	simm.s32 @p1 $0x1  }
0x15: {  	[smem:$0x3FAB] =	sst s0;
	s0 =	simm.s32 @!p2 $0x0  }
0x16: {  	s3 =	sld [smem:$0x3FDB];
	s0 =	simm.s32 @p2 $0x1  }
0x17: {  	s4 =	simm.s32 $0x1BF5;
	[smem:$0x3FAD] =	sst s0  }
0x18: {  	s0 =	sld [smem:$0x3F90];
	_ =	swait.ge [sflag:s4], $0x0  }
0x19: {  	s7 =	sld [smem:$0x3F91]  }
0x1a: {  	s8 =	sadd.s32 $0xFFFFE003, lr  }
0x1b: {  	s9 =	sadd.s32 $0xFFFFFEF7, lr;
	s5 =	simm.s32 $0xFFFFFFFF;
	p2 =	slt.u32 s8, $0xFFFFF086  }
0x1c: {  	p1 =	slt.u32 s9, $0xF7A;
	s5 =	simm.s32 @!p2 $0x0  }
0x1d: {  	s5 =	simm.s32 @p1 $0x1;
	p0 =	seq.s32 s7, s2  }
0x1e: {  	s7 =	smul.u32 @!p0 $0xF7A, s2;
	p2 =	seq.s32 @!p0 s5, $0x0  }
0x1f: {  	s9 =	smul.u32 $0xF7A, s1;
	s8 =	simm.s32 @!p0 $0x1BF5;
	p2 =	por !p2, p0  }
0x20: {  	[sflag:s8] =	ssyncset.s32 @!p0 $0xFFFFF086;
	s6 =	sadd.s32 @!p0 s3, s7;
	s7 =	simm.s32 @!p0 $0x108  }
0x21: {  	s3 =	sadd.s32 s3, s9;
	s6 =	sadd.s32 @!p0 $0x88, s6;
	s7 =	simm.s32 @p2 $0x1082  }
0x22: {  	[simem:s7], [sflag:s8] =	dma.local @!p0 [hbm:s6], $0xF7A  }
0x23: {  	s9 =	sor.u32 $0xD0000000, s2;
	s6 =	simm.s32 $0x108;
	_ =	swait.ge @!p0 [sflag:s8], $0x0  }
0x24: {  	s3 =	sadd.s32 $0x88, s3;
	s6 =	simm.s32 @!p1 $0x1082;
	[sflag:s4] =	ssyncset.s32 $0xFFFFF086  }
0x25: {  	[simem:s6], [sflag:s4] =	dma.local [hbm:s3], $0xF7A  }
0x26: {  	[smem:$0x3F91] =	sst s1;
	(tag) =	ssettag s2;
	_ =	strace s9  }
0x27: {  	s1 =	sld [smem:$0x3FA1]  }
0x28: {  	s2 =	sld [smem:$0x3FA2]  }
0x29: {  	s4 =	sld [smem:$0x3FA4]  }
0x2a: {  	p0 =	seq.s32 s5, $0x0;
	s5 =	sld [smem:$0x3FA5]  }
0x2b: {  	s6 =	sld [smem:$0x3FA6]  }
0x2c: {  	s7 =	sld [smem:$0x3FA7]  }
0x2d: {  	s3 =	simm.s32 $0x108;
	s8 =	sld [smem:$0x3FA8]  }
0x2e: {  	s3 =	simm.s32 @!p0 $0x1082;
	s9 =	sld [smem:$0x3FA9]  }
0x2f: {  	lr =	sadd.s32 s0, s3;
	s0 =	sld [smem:$0x3FA0]  }
0x30: {  	s3 =	sld [smem:$0x3FA3]  }
0x31: {  	[smem:$0x3FAC] =	sst s10  }
0x32: {  	s10 =	sld [smem:$0x3FAA];
	_ =	sdelay $0x3  }
0x33: {  	p0 =	seq.s32 s10, $0x1;
	s10 =	sld [smem:$0x3FAC];
	_ =	sdelay $0x3  }
0x34: {  	[smem:$0x3FAC] =	sst s10  }
0x35: {  	s10 =	sld [smem:$0x3FAB];
	_ =	sdelay $0x3  }
0x36: {  	p1 =	seq.s32 s10, $0x1;
	s10 =	sld [smem:$0x3FAC];
	_ =	sdelay $0x3  }
0x37: {  	[smem:$0x3FAC] =	sst s10  }
0x38: {  	s10 =	sld [smem:$0x3FAD]  }
0x39: {  	_ = 	snop;
	(pc) =	sbr.ind lr, $3  }
0x3a: {  	_ = 	snop  }
0x3b: {  	_ = 	snop  }
0x3c: {  	p2 =	seq.s32 s10, $0x1;
	s10 =	sld [smem:$0x3FAC]  }
0x3d: {  	_ =	shalt  }
0x3e: {  	_ =	shalt  }
0x3f: {  	_ =	shalt  }
0x40: {  	_ =	shalt  }
0x41: {  	_ =	shalt  }
0x42: {  	_ =	shalt  }
0x43: {  	_ =	shalt  }
0x44: {  	_ =	shalt  }
0x45: {  	_ =	shalt  }
0x46: {  	_ =	shalt  }
0x47: {  	_ =	shalt  }
0x48: {  	_ =	shalt  }
0x49: {  	_ =	shalt  }
0x4a: {  	_ =	shalt  }
0x4b: {  	_ =	shalt  }
0x4c: {  	_ =	shalt  }
0x4d: {  	_ =	shalt  }
0x4e: {  	_ =	shalt  }
0x4f: {  	_ =	shalt  }
0x50: {  	_ =	shalt  }
0x51: {  	_ =	shalt  }
0x52: {  	_ =	shalt  }
0x53: {  	_ =	shalt  }
0x54: {  	_ =	shalt  }
0x55: {  	_ =	shalt  }
0x56: {  	_ =	shalt  }
0x57: {  	_ =	shalt  }
0x58: {  	_ =	shalt  }
0x59: {  	_ =	shalt  }
0x5a: {  	_ =	shalt  }
0x5b: {  	_ =	shalt  }
0x5c: {  	_ =	shalt  }
0x5d: {  	_ =	shalt  }
0x5e: {  	_ =	shalt  }
0x5f: {  	_ =	shalt  }
0x60: {  	_ =	shalt  }
0x61: {  	_ =	shalt  }
0x62: {  	_ =	shalt  }
0x63: {  	_ =	shalt  }
0x64: {  	_ =	shalt  }
0x65: {  	_ =	shalt  }
0x66: {  	_ =	shalt  }
0x67: {  	_ =	shalt  }
0x68: {  	_ =	shalt  }
0x69: {  	_ =	shalt  }
0x6a: {  	_ =	shalt  }
0x6b: {  	_ =	shalt  }
0x6c: {  	_ =	shalt  }
0x6d: {  	_ =	shalt  }
0x6e: {  	_ =	shalt  }
0x6f: {  	_ =	shalt  }
0x70: {  	_ =	shalt  }
0x71: {  	_ =	shalt  }
0x72: {  	_ =	shalt  }
0x73: {  	_ =	shalt  }
0x74: {  	_ =	shalt  }
0x75: {  	_ =	shalt  }
0x76: {  	_ =	shalt  }
0x77: {  	_ =	shalt  }
0x78: {  	_ =	shalt  }
0x79: {  	_ =	shalt  }
0x7a: {  	_ =	shalt  }
0x7b: {  	_ =	shalt  }
0x7c: {  	_ =	shalt  }
0x7d: {  	_ =	shalt  }
0x7e: {  	_ =	shalt  }
0x7f: {  	_ =	shalt  }
0x80: {  	_ =	shalt  }
0x81: {  	_ =	shalt  }
0x82: {  	_ =	shalt  }
0x83: {  	_ =	shalt  }
0x84: {  	_ =	shalt  }
0x85: {  	_ =	shalt  }
0x86: {  	_ =	shalt  }
0x87: {  	_ =	shalt  }
.Lfunc_end0:
.L_simem_size_0:
called_computation.6_lowered:
.L_overlay_start_0:
0x88: {  	s2 =	sld [smem:$0x3FD9]  }
0x89: {  	s3 =	sld [smem:$0x3FFE];
	_ =	sdelay $0x1  }
0x8a: {  	s1 =	srdreg.scid  }
0x8b: {  	s0 =	sand.u32 $0x1, s1  }
0x8c: {  	s16 =	sshll.u32 s0, $0xA;
	s2 =	sadd.s32 s3, s2  }
0x8d: {  	s2 =	sadd.s32 s2, s16  }
0x8e: {  	[smem:$0x3FB8] =	sst s2  }
0x8f: {  	_ = 	snop  }
0x90: {  	(tm) =	ssettm $0x1  }
0x91: {  	s17 =	sld [smem:$0x3FFB];
	_ =	sdelay $0x3  }
0x92: {  	_ =	strace s17  }
0x93: {  	s2 =	sld [smem:$0x3FFC];
	_ =	sdelay $0x3  }
0x94: {  	_ =	strace s2  }
0x95: {  	s2 =	sld [smem:$0x3FFD];
	_ =	sdelay $0x3  }
0x96: {  	_ =	strace s2  }
0x97: {  	_ =	strace $0x8FFFFFFF  }
0x98: {  	s18 =	sld [smem:$0x3FDB];
	_ =	sdelay $0x1  }
0x99: {  	s19 =	simm.s32 $_scs_section_size  }
0x9a: {  	s4 =	simm.s32 $_size__tile_overlayer_lowered;
	s5 =	simm.s32 $_tile_overlayer_lowered  }
0x9b: {  	s22 =	simm.s32 $0x1BFF;
	s21 =	sshll.u32 s5, $0x1;
	s2 =	sadd.s32 s19, s18  }
0x9c: {  	s6 =	simm.s32 $0x0;
	s20 =	sshll.u32 s4, $0x1;
	s4 =	sadd.s32 s21, s2  }
0x9d: {  	[timem:s6], [sflag:s22] =	dma.local [hbm:s4], s20  }
0x9e: {  	_ =	swait.ge [sflag:s22], s20  }
0x9f: {  	s3 =	ssub.s32 $0x0, s20;
	[sflag:s22] =	ssyncset.done $0x0  }
0xa0: {  	[sflag:s22] =	ssyncadd.s32 s3;
	_ =	sdelay $0x1  }
0xa1: {  	s23 =	simm.s32 $0x1B8B  }
0xa2: {  	_ =	swait.ge [sflag:s23], $0x1  }
0xa3: {  	[sflag:s23] =	ssyncset.done $0x0  }
0xa4: {  	s25 =	simm.s32 $0x1B8E;
	s24 =	sld [smem:$0x3FFE];
	[sflag:s23] =	ssyncadd.s32 $0xFFFFFFFF  }
0xa5: {  	s26 =	simm.s32 $execute0_lowered;
	[smem:$0x3FD2] =	sst s25  }
0xa6: {  	s4 =	sshll.u32 s26, $0x1;
	_ =	strace $0x80000049;
	[dreg:$0x1] =	wrdreg $0xFFFFFFFF  }
0xa7: {  	s28 =	simm.s32 $_size_execute0_lowered;
	s2 =	sadd.s32 s2, s4;
	[dreg:$0x0] =	wrdreg $0x0  }
0xa8: {  	s4 =	sshll.u32 s28, $0x1;
	[dreg:$0x2] =	wrdreg s2  }
0xa9: {  	[dreg:$0x3] =	wrdreg s4  }
0xaa: {  	[dreg:$0x4] =	wrdreg $0xC0  }
0xab: {  	_ =	task [dreg:s6], $0x5FFFF  }
0xac: {  	[dreg:$0x1] =	wrdreg $0xFFFFFFFF  }
0xad: {  	[dreg:$0x0] =	wrdreg $0x60  }
0xae: {  	[dreg:$0x2] =	wrdreg s24  }
0xaf: {  	[dreg:$0x3] =	wrdreg $0x9  }
0xb0: {  	_ =	task.clear_ibuf [dreg:s6], $0x4FFFF;
	_ =	strace $0x90000049  }
0xb1: {  	s29 =	simm.s32 $0x9;
	_ =	strace $0x8000004B  }
0xb2: {  	_ =	swait.ge [sflag:s29], $0x1  }
0xb3: {  	[sflag:s29] =	ssyncadd.s32 $0xFFFFFFFF  }
0xb4: {  	_ =	strace $0x9000004B  }
0xb5: {  	_ =	sfence  }
0xb6: {  	s30 =	sld [smem:$0x0];
	_ =	sdelay $0x2  }
0xb7: {  	s31 =	sshll.u32 s1, $0xD;
	s1 =	sshrl.u32 s1, $0x2  }
0xb8: {  	s3 =	sand.u32 $0x4000, s31;
	s1 =	sadd.s32 s1, s30  }
0xb9: {  	s0 =	sor.u32 s3, s0;
	s1 =	sshll.u32 s1, $0x11  }
0xba: {  	s0 =	sor.u32 s1, s0  }
0xbb: {  	s0 =	sadd.s32 $0x8F2B, s0  }
0xbc: {  	[sflag:s0] =	ssyncadd.remote.s32 $0x1  }
0xbd: {  	_ =	sfence.sel $0xFFFF  }
0xbe: {  	[dreg:$0x0] =	wrdreg $0xFFFFFFFF;
	(pc) =	sbr.abs _section_cstart, $3  }
0xbf: {  	[dreg:$0x1] =	wrdreg $0xFFFFFFFF  }
0xc0: {  	_ =	task.clear_ibuf [dreg:s6], $0x2FFFF;
	_ =	strace $0x9FFFFFFF  }
0xc1: {  	(tm) =	ssettm $0x7FFFFFFF  }
tec
execute0_lowered:
.L_overlay_start_1:
0x0: {  	(tag) =	ssettag $0x1  }
0x1: {  	s0 =	srdreg.scid;
	s5 =	rddreg [dreg:$0x0]  }
0x2: {  	s1 =	stileid.u32;
	s6 =	simm.s32 $0x1;
	s9 =	simm.s32 $0x1  }
0x3: {  	s10 =	simm.s32 $0x3;
	s13 =	simm.s32 $0x0;
	s2 =	sshll.u32 s0, $0xD  }
0x4: {  	s12 =	simm.s32 $0x0;
	s3 =	sshll.u32 s1, $0xE;
	s2 =	sand.u32 $0x2000, s2  }
0x5: {  	s0 =	rddreg [dreg:$0x1];
	_ =	strace $0x8000004A;
	s2 =	sor.u32 s3, s2  }
0x6: {  	s4 =	sadd.s32 $0x5DC00, s5;
	[sflag:s6] =	ssyncpa.u1 $0x0;
	s8 =	ssub.s32 $0x80000, s2  }
.Ltmp0:
0x7: {  	s3 =	sadd.s32 $0xA7400, s5;
	s7 =	sand.u32 $0x3E000, s8;
	(pc) =	sbr.rel .LBB2_1-.Ltmp0, $4  }
0x8: {  	s5 =	sadd.s32 $0x3E7400, s5;
	s11 =	smov.u32 s2;
	p0 =	sne.s32 s7, $0x0  }
0x9: {  	s8 =	sshrl.u32 s8, $0x12;
	s7 =	simm.s32 $0x2;
	s9 =	simm.s32 @!p0 $0x0  }
0xa: {  	[sflag:s7] =	ssyncpa.u1 $0x0;
	p0 =	por $0x0, $0x0;
	s8 =	sadd.s32 s9, s8  }
0xb: {  	vm0 =	vmmov $0xffff;
	[sflag:s10] =	ssyncpa.u1 $0x0;
	s10 =	simm.s32 $0x0;
	s9 =	sadd.s32 $0x1, s8  }
.LBB2_4:
0xc: {  	v5 =	vshrl.u32 v1, $0xE;
	v6 =	vshll.u32 v1, $0x7  }
0xd: {  	vm1 =	veq.s32 v1, $0x80000000;
	v58 =	vand.u32 $0x7F, v5;
	v59 =	vand.u32 $0x1FFF80, v6  }
0xe: {  	v1 =	vsel vm1, $0xFFFFFFFF, v58;
	v5 =	vsel vm1, $0xFFFFFF80, v59  }
0xf: {  	v3 =	vor.u32 v4, v3;
	v60 =	vand.u32 $0xFFFFFC00, v5;
	v61 =	vand.u32 $0xFFFFFC00, v1  }
0x10: {  	v2 =	vor.u32 v2, v3;
	v63 =	vand.u32 $0x380, v5;
	v62 =	vadd.s32 v61, v60  }
0x11: {  	v1 =	vand.u32 $0x7F, v1;
	v3 =	vor.u32 v63, v62  }
0x12: {  	v1 =	vor.u32 v1, v3  }
0x13: {  	[tilespmem:s15], [sflag:$0x1] =	stream.indirect_vreg.gather [hbm4b:s3+s10], $0x1, v0, vm0, $0x4038;
	[tilespmem:$0x8000] =	vst v63  }
0x14: {  	(ifvalue) =	ssetifvalue $0x7FFFFFFF  }
0x15: {  	[tilespmem:s16], [sflag:$0x1] =	stream.indirect_vreg.gather [hbm4b:s3+s10], $0x1, v2, vm0, $0x4038;
	[tilespmem:$0x8000] =	vst v63  }
0x16: {  	s29 =	sadd.s32 $0x10, s16;
	(ifvalue) =	ssetifvalue $0x7FFFFFFF  }
0x17: {  	[tilespmem:s29], [sflag:$0x1] =	stream.indirect_vreg.gather [hbm4b:s3+s10], $0x1, v1, vm0, $0x4038;
	[tilespmem:$0x8000] =	vst v63  }
0x18: {  	_ =	swait.ge [sflag:s6], $0x2000  }
0x19: {  	s30 =	sshrl.u32 s13, $0x3;
	[sflag:s6] =	ssyncset.done $0x0  }
0x1a: {  	s31 =	sand.u32 $0x7, s13;
	s15 =	sadd.s32 s5, s30;
	[sflag:s6] =	ssyncadd.s32 $0xFFFFE000  }
0x1b: {  	[hbm4b:s15+s31] =	stream.linear.scatter [tilespmem:s14], [sflag:$0x3], $0x2000, $0x38;
	[tilespmem:$0x8000] =	vst v63  }
.LBB2_5:
0x1c: {  	s15 =	sadd.s32 $0x40000, s11  }
0x1d: {  	p2 =	sgt.s32 s15, $0x7FFFF  }
0x1e: {  	s15 =	smov.u32 @p2 s2;
	p2 =	sne.s32 s12, s9  }
.Ltmp1:
0x1f: {  	p1 =	slt.u32 s12, $0x2;
	(pc) =	sbr.rel @!p2 .LBB2_6-.Ltmp1, $4  }
0x20: {  	s14 =	simm.s32 @!p1 $0x3  }
0x21: {  	s16 =	sadd.s32 $0x1, s12;
	_ =	swait.ge @!p1 [sflag:s14], $0x2000  }
0x22: {  	s13 =	smov.u32 s11;
	p0 =	por !p0, !p0;
	[sflag:s14] =	ssyncset.done @!p1 $0x0  }
0x23: {  	s12 =	smov.u32 s16;
	s11 =	smov.u32 s15;
	[sflag:s14] =	ssyncadd.s32 @!p1 $0xFFFFE000  }
.LBB2_1:
0x24: {  	p1 =	sge.u32 s12, s8  }
0x25: {  	s14 =	sxor.u32 @!p1 $0xFFFFFFFF, s12  }
0x26: {  	s31 =	sadd.s32 $0xFFFFFFFF, s12;
	s15 =	sshrl.u32 @!p1 s11, $0x3;
	s14 =	sshll.u32 @!p1 s14, $0xD  }
0x27: {  	s16 =	sand.u32 @!p1 $0x7, s11;
	s15 =	sadd.s32 @!p1 s4, s15;
	s14 =	sand.u32 @!p1 $0x2000, s14  }
0x28: {  	[tilespmem:s14], [sflag:$0x2] =	stream.linear.gather @!p1 [hbm4b:s15+s16], $0x2000, $0x38;
	[tilespmem:$0x8000] =	vst v63  }
0x29: {  	p1 =	sge.u32 s31, s8  }
.Ltmp2:
0x2a: {  	_ = 	snop;
	(pc) =	sbr.rel @p1 .LBB2_5-.Ltmp2, $1  }
0x2b: {  	_ =	sdelay $0x3  }
0x2c: {  	s14 =	simm.s32 $0x1  }
0x2d: {  	_ =	swait.ge [sflag:s7], $0x2000;
	s14 =	simm.s32 @!p0 $0x0  }
0x2e: {  	[sflag:s7] =	ssyncset.done $0x0;
	s14 =	sshll.u32 s14, $0xD  }
0x2f: {  	[sflag:s7] =	ssyncadd.s32 $0xFFFFE000;
	(ifvalue) =	ssetifvalue $0x7FFFFFFF;
	v0 =	vld.msk [tilespmem:s14+$0x0 ss:$0x1], $0xffff;
	_ =	sdelay $0x4  }
0x30: {  	s15 =	sadd.s32 $0x10, s14;
	v2 =	vshrl.u32 v0, $0xE;
	v3 =	vshll.u32 v0, $0x7  }
0x31: {  	v1 =	vld.msk [tilespmem:s15+$0x0 ss:$0x1], $0xffff;
	vm1 =	veq.s32 v0, $0x80000000;
	v0 =	vand.u32 $0x7F, v2;
	v2 =	vand.u32 $0x1FFF80, v3  }
0x32: {  	v0 =	vsel vm1, $0xFFFFFFFF, v0;
	v2 =	vsel vm1, $0xFFFFFF80, v2  }
0x33: {  	v3 =	vand.u32 $0xFFFFFC00, v2;
	v4 =	vand.u32 $0xFFFFFC00, v0  }
0x34: {  	v2 =	vand.u32 $0x380, v2;
	v3 =	vadd.s32 v4, v3  }
0x35: {  	v0 =	vand.u32 $0x7F, v0;
	v2 =	vor.u32 v2, v3  }
0x36: {  	v5 =	vshll.u32 v1, $0x7;
	v4 =	vshrl.u32 v1, $0xE;
	v0 =	vor.u32 v0, v2  }
0x37: {  	s16 =	sshll.u32 s12, $0xD;
	vm1 =	veq.s32 v1, $0x80000000;
	v1 =	vand.u32 $0x7F, v4;
	v4 =	vand.u32 $0x1FFF80, v5  }
0x38: {  	s16 =	sand.u32 $0x2000, s16;
	s18 =	sadd.s32 $0x10, s15;
	v3 =	vsel vm1, $0xFFFFFFFF, v1;
	v4 =	vsel vm1, $0xFFFFFF80, v4  }
0x39: {  	s17 =	simm.s32 $0x20;
	s15 =	sor.u32 $0x4000, s14;
	s14 =	sor.u32 $0x4000, s16;
	v1 =	vld.msk [tilespmem:s18+$0x0 ss:$0x1], $0xffff;
	v5 =	vand.u32 $0xFFFFFC00, v4;
	v6 =	vand.u32 $0xFFFFFC00, v3  }
0x3a: {  	s16 =	sadd.s32 $0x10, s15;
	s18 =	sadd.s32 $0x10, s18;
	(ifvalue) =	ssetifvalue $0x7FFFFFFF;
	v2 =	vand.u32 $0x7F, v3;
	v4 =	vand.u32 $0x380, v4;
	v3 =	vadd.s32 v6, v5  }
.LBB2_3:
0x3b: {  	[tilespmem:s15], [sflag:$0x1] =	stream.indirect_vreg.gather [hbm4b:s3+s10], $0x1, v0, vm0, $0x4038;
	[tilespmem:$0x8000] =	vst v63  }
0x3c: {  	s17 =	sadd.s32 $0x10, s17  }
0x3d: {  	v3 =	vor.u32 v4, v3;
	p1 =	slt.u32 s17, $0x1FF0  }
.Ltmp3:
0x3e: {  	v4 =	vshrl.u32 v1, $0xE;
	v5 =	vshll.u32 v1, $0x7;
	s15 =	smov.u32 s16;
	v0 =	vor.u32 v2, v3;
	v2 =	vmovc v1;
	v1 =	vld.msk [tilespmem:s18+$0x0 ss:$0x1], $0xffff;
	(pc) =	sbr.rel @p1 .LBB2_3-.Ltmp3, $4  }
0x3f: {  	v3 =	vand.u32 $0x1FFF80, v5;
	vm1 =	veq.s32 v2, $0x80000000;
	v2 =	vand.u32 $0x7F, v4  }
0x40: {  	v4 =	vsel vm1, $0xFFFFFFFF, v2;
	v5 =	vsel vm1, $0xFFFFFF80, v3  }
0x41: {  	v2 =	vand.u32 $0x7F, v4;
	v3 =	vand.u32 $0xFFFFFC00, v5;
	v4 =	vand.u32 $0xFFFFFC00, v4  }
0x42: {  	s16 =	sadd.s32 $0x10, s16;
	s18 =	sadd.s32 $0x10, s18;
	v3 =	vadd.s32 v4, v3;
	v4 =	vand.u32 $0x380, v5;
	(ifvalue) =	ssetifvalue $0x7FFFFFFF  }
.Ltmp4:
0x43: {  	_ = 	snop;
	(pc) =	sbr.rel .LBB2_4-.Ltmp4, $1  }
0x44: {  	_ =	sdelay $0x3  }
.LBB2_6:
0x45: {  	_ =	sfence.sel $0x180000  }
0x46: {  	s2 =	simm.s32 $0x2;
	[bflag:$0x0] =	sbarrier.arrive $0xFFFF  }
0x47: {  	s30 =	simm.s32 $0x3;
	[sflag:s2] =	ssyncpa.u1 $0x1  }
0x48: {  	s31 =	simm.s32 $0x1;
	[sflag:s30] =	ssyncpa.u1 $0x1  }
0x49: {  	[sflag:s31] =	ssyncpa.u1 $0x1  }
0x4a: {  	p0 =	sne.s32 s1, $0x0;
	_ =	strace $0x9000004A  }
0x4b: {  	s0 =	sadd.s32 @!p0 $0x100000, s0;
	[bflag:$0x2] =	sbarrier.arrive $0xFFFF  }
0x4c: {  	[sflag:s0] =	ssyncadd.tile.s32 @!p0 $0x1;
	_ =	shalt  }
.Lfunc_end2:
_tile_overlayer_lowered:
.L_overlay_start_2:
0x4d: {  	(tag) =	ssettag $0x2  }
0x4e: {  	s0 =	rddreg [dreg:$0x0];
	s2 =	stileid.u32  }
0x4f: {  	s1 =	rddreg [dreg:$0x1];
	p0 =	sne.s32 s2, $0x0  }
0x50: {  	s3 =	rddreg [dreg:$0x2];
	[bflag:$0x3] =	sbarrier.arrive $0xFFFF;
	s2 =	simm.s32 @!p0 $0x1C01  }
0x51: {  	[timem:s3], [sflag:s2] =	dma.local @!p0 [hbm:s0], s1  }
0x52: {  	s0 =	simm.s32 @!p0 $0x1  }
0x53: {  	_ =	swait.ge @!p0 [sflag:s0], s1  }
0x54: {  	s1 =	ssub.s32 @!p0 $0x0, s1;
	[sflag:s0] =	ssyncset.done @!p0 $0x0  }
0x55: {  	[sflag:s0] =	ssyncadd.s32 @!p0 s1  }
0x56: {  	[bflag:$0x3] =	sbarrier.arrive $0xFFFF  }
0x57: {  	_ =	shalt  }

// kernel: gather_offload_async_start
scs
__scs_entry_jumppad:
0x0: {  	(pc) =	sbr.rel $0x88, $3  }
0x1: {  	(tag) =	ssettag $0x0;
	lr =	simm.s32 $0x1  }
0x2: {  	[smem:$0x3F91] =	sst lr;
	_ =	strace $0xD0000000  }
0x3: {  	_ = 	snop  }
0x4: {  	_ = 	snop  }
0x5: {  	_ = 	snop  }
0x6: {  	_ = 	snop  }
0x7: {  	_ = 	snop  }
__scs_overlays_trampoline_lowered:
0x8: {  	[smem:$0x3FA0] =	sst s0  }
0x9: {  	[smem:$0x3FA1] =	sst s1  }
0xa: {  	[smem:$0x3FA2] =	sst s2  }
0xb: {  	[smem:$0x3FA3] =	sst s3  }
0xc: {  	[smem:$0x3FA4] =	sst s4  }
0xd: {  	[smem:$0x3FA5] =	sst s5  }
0xe: {  	[smem:$0x3FA6] =	sst s6  }
0xf: {  	[smem:$0x3FA7] =	sst s7  }
0x10: {  	[smem:$0x3FA8] =	sst s8  }
0x11: {  	[smem:$0x3FA9] =	sst s9;
	s0 =	simm.s32 @!p0 $0x0  }
0x12: {  	s1 =	sld [smem:$0x3F8F];
	s0 =	simm.s32 @p0 $0x1  }
0x13: {  	[smem:$0x3FAA] =	sst s0;
	s0 =	simm.s32 @!p1 $0x0  }
0x14: {  	s2 =	sld [smem:$0x3F8E];
	s0 =	simm.s32 @p1 $0x1  }
0x15: {  	[smem:$0x3FAB] =	sst s0;
	s0 =	simm.s32 @!p2 $0x0  }
0x16: {  	s3 =	sld [smem:$0x3FDB];
	s0 =	simm.s32 @p2 $0x1  }
0x17: {  	s4 =	simm.s32 $0x1BF5;
	[smem:$0x3FAD] =	sst s0  }
0x18: {  	s0 =	sld [smem:$0x3F90];
	_ =	swait.ge [sflag:s4], $0x0  }
0x19: {  	s7 =	sld [smem:$0x3F91]  }
0x1a: {  	s8 =	sadd.s32 $0xFFFFE003, lr  }
0x1b: {  	s9 =	sadd.s32 $0xFFFFFEF7, lr;
	s5 =	simm.s32 $0xFFFFFFFF;
	p2 =	slt.u32 s8, $0xFFFFF086  }
0x1c: {  	p1 =	slt.u32 s9, $0xF7A;
	s5 =	simm.s32 @!p2 $0x0  }
0x1d: {  	s5 =	simm.s32 @p1 $0x1;
	p0 =	seq.s32 s7, s2  }
0x1e: {  	s7 =	smul.u32 @!p0 $0xF7A, s2;
	p2 =	seq.s32 @!p0 s5, $0x0  }
0x1f: {  	s9 =	smul.u32 $0xF7A, s1;
	s8 =	simm.s32 @!p0 $0x1BF5;
	p2 =	por !p2, p0  }
0x20: {  	[sflag:s8] =	ssyncset.s32 @!p0 $0xFFFFF086;
	s6 =	sadd.s32 @!p0 s3, s7;
	s7 =	simm.s32 @!p0 $0x108  }
0x21: {  	s3 =	sadd.s32 s3, s9;
	s6 =	sadd.s32 @!p0 $0x88, s6;
	s7 =	simm.s32 @p2 $0x1082  }
0x22: {  	[simem:s7], [sflag:s8] =	dma.local @!p0 [hbm:s6], $0xF7A  }
0x23: {  	s9 =	sor.u32 $0xD0000000, s2;
	s6 =	simm.s32 $0x108;
	_ =	swait.ge @!p0 [sflag:s8], $0x0  }
0x24: {  	s3 =	sadd.s32 $0x88, s3;
	s6 =	simm.s32 @!p1 $0x1082;
	[sflag:s4] =	ssyncset.s32 $0xFFFFF086  }
0x25: {  	[simem:s6], [sflag:s4] =	dma.local [hbm:s3], $0xF7A  }
0x26: {  	[smem:$0x3F91] =	sst s1;
	(tag) =	ssettag s2;
	_ =	strace s9  }
0x27: {  	s1 =	sld [smem:$0x3FA1]  }
0x28: {  	s2 =	sld [smem:$0x3FA2]  }
0x29: {  	s4 =	sld [smem:$0x3FA4]  }
0x2a: {  	p0 =	seq.s32 s5, $0x0;
	s5 =	sld [smem:$0x3FA5]  }
0x2b: {  	s6 =	sld [smem:$0x3FA6]  }
0x2c: {  	s7 =	sld [smem:$0x3FA7]  }
0x2d: {  	s3 =	simm.s32 $0x108;
	s8 =	sld [smem:$0x3FA8]  }
0x2e: {  	s3 =	simm.s32 @!p0 $0x1082;
	s9 =	sld [smem:$0x3FA9]  }
0x2f: {  	lr =	sadd.s32 s0, s3;
	s0 =	sld [smem:$0x3FA0]  }
0x30: {  	s3 =	sld [smem:$0x3FA3]  }
0x31: {  	[smem:$0x3FAC] =	sst s10  }
0x32: {  	s10 =	sld [smem:$0x3FAA];
	_ =	sdelay $0x3  }
0x33: {  	p0 =	seq.s32 s10, $0x1;
	s10 =	sld [smem:$0x3FAC];
	_ =	sdelay $0x3  }
0x34: {  	[smem:$0x3FAC] =	sst s10  }
0x35: {  	s10 =	sld [smem:$0x3FAB];
	_ =	sdelay $0x3  }
0x36: {  	p1 =	seq.s32 s10, $0x1;
	s10 =	sld [smem:$0x3FAC];
	_ =	sdelay $0x3  }
0x37: {  	[smem:$0x3FAC] =	sst s10  }
0x38: {  	s10 =	sld [smem:$0x3FAD]  }
0x39: {  	_ = 	snop;
	(pc) =	sbr.ind lr, $3  }
0x3a: {  	_ = 	snop  }
0x3b: {  	_ = 	snop  }
0x3c: {  	p2 =	seq.s32 s10, $0x1;
	s10 =	sld [smem:$0x3FAC]  }
0x3d: {  	_ =	shalt  }
0x3e: {  	_ =	shalt  }
0x3f: {  	_ =	shalt  }
0x40: {  	_ =	shalt  }
0x41: {  	_ =	shalt  }
0x42: {  	_ =	shalt  }
0x43: {  	_ =	shalt  }
0x44: {  	_ =	shalt  }
0x45: {  	_ =	shalt  }
0x46: {  	_ =	shalt  }
0x47: {  	_ =	shalt  }
0x48: {  	_ =	shalt  }
0x49: {  	_ =	shalt  }
0x4a: {  	_ =	shalt  }
0x4b: {  	_ =	shalt  }
0x4c: {  	_ =	shalt  }
0x4d: {  	_ =	shalt  }
0x4e: {  	_ =	shalt  }
0x4f: {  	_ =	shalt  }
0x50: {  	_ =	shalt  }
0x51: {  	_ =	shalt  }
0x52: {  	_ =	shalt  }
0x53: {  	_ =	shalt  }
0x54: {  	_ =	shalt  }
0x55: {  	_ =	shalt  }
0x56: {  	_ =	shalt  }
0x57: {  	_ =	shalt  }
0x58: {  	_ =	shalt  }
0x59: {  	_ =	shalt  }
0x5a: {  	_ =	shalt  }
0x5b: {  	_ =	shalt  }
0x5c: {  	_ =	shalt  }
0x5d: {  	_ =	shalt  }
0x5e: {  	_ =	shalt  }
0x5f: {  	_ =	shalt  }
0x60: {  	_ =	shalt  }
0x61: {  	_ =	shalt  }
0x62: {  	_ =	shalt  }
0x63: {  	_ =	shalt  }
0x64: {  	_ =	shalt  }
0x65: {  	_ =	shalt  }
0x66: {  	_ =	shalt  }
0x67: {  	_ =	shalt  }
0x68: {  	_ =	shalt  }
0x69: {  	_ =	shalt  }
0x6a: {  	_ =	shalt  }
0x6b: {  	_ =	shalt  }
0x6c: {  	_ =	shalt  }
0x6d: {  	_ =	shalt  }
0x6e: {  	_ =	shalt  }
0x6f: {  	_ =	shalt  }
0x70: {  	_ =	shalt  }
0x71: {  	_ =	shalt  }
0x72: {  	_ =	shalt  }
0x73: {  	_ =	shalt  }
0x74: {  	_ =	shalt  }
0x75: {  	_ =	shalt  }
0x76: {  	_ =	shalt  }
0x77: {  	_ =	shalt  }
0x78: {  	_ =	shalt  }
0x79: {  	_ =	shalt  }
0x7a: {  	_ =	shalt  }
0x7b: {  	_ =	shalt  }
0x7c: {  	_ =	shalt  }
0x7d: {  	_ =	shalt  }
0x7e: {  	_ =	shalt  }
0x7f: {  	_ =	shalt  }
0x80: {  	_ =	shalt  }
0x81: {  	_ =	shalt  }
0x82: {  	_ =	shalt  }
0x83: {  	_ =	shalt  }
0x84: {  	_ =	shalt  }
0x85: {  	_ =	shalt  }
0x86: {  	_ =	shalt  }
0x87: {  	_ =	shalt  }
.Lfunc_end0:
.L_simem_size_0:
called_computation.2_lowered:
.L_overlay_start_0:
0x88: {  	s2 =	sld [smem:$0x3FD9]  }
0x89: {  	s3 =	sld [smem:$0x3FFE];
	_ =	sdelay $0x1  }
0x8a: {  	s1 =	srdreg.scid  }
0x8b: {  	s0 =	sand.u32 $0x1, s1  }
0x8c: {  	s17 =	sshll.u32 s0, $0xA;
	s2 =	sadd.s32 s3, s2  }
0x8d: {  	s2 =	sadd.s32 s2, s17  }
0x8e: {  	[smem:$0x3FB8] =	sst s2  }
0x8f: {  	_ = 	snop  }
0x90: {  	s2 =	sld [smem:$0x3FC5];
	(tm) =	ssettm $0x1  }
0x91: {  	s18 =	sld [smem:$0x3FFB];
	_ =	sdelay $0x3  }
0x92: {  	_ =	strace s18  }
0x93: {  	s3 =	sld [smem:$0x3FFC];
	_ =	sdelay $0x3  }
0x94: {  	_ =	strace s3  }
0x95: {  	s3 =	sld [smem:$0x3FFD];
	_ =	sdelay $0x3  }
0x96: {  	_ =	strace s3  }
0x97: {  	_ =	strace $0x8FFFFFFF  }
0x98: {  	s19 =	sld [smem:$0x3FDB];
	_ =	sdelay $0x1  }
0x99: {  	s4 =	simm.s32 $_scs_section_size  }
0x9a: {  	s5 =	simm.s32 $_size__tile_overlayer_lowered;
	s6 =	simm.s32 $_tile_overlayer_lowered  }
0x9b: {  	s22 =	simm.s32 $0x1BFF;
	s21 =	sshll.u32 s6, $0x1;
	s3 =	sadd.s32 s4, s19  }
0x9c: {  	s7 =	simm.s32 $0x0;
	s20 =	sshll.u32 s5, $0x1;
	s5 =	sadd.s32 s21, s3  }
0x9d: {  	[timem:s7], [sflag:s22] =	dma.local [hbm:s5], s20  }
0x9e: {  	_ =	swait.ge [sflag:s22], s20  }
0x9f: {  	s4 =	ssub.s32 $0x0, s20;
	[sflag:s22] =	ssyncset.done $0x0  }
0xa0: {  	[sflag:s22] =	ssyncadd.s32 s4;
	_ =	sdelay $0x1  }
0xa1: {  	s23 =	simm.s32 $0x1B8B  }
0xa2: {  	_ =	swait.ge [sflag:s23], $0x1  }
0xa3: {  	[sflag:s23] =	ssyncset.done $0x0  }
0xa4: {  	s25 =	simm.s32 $0x1B8E;
	s24 =	sld [smem:$0x3FFE];
	[sflag:s23] =	ssyncadd.s32 $0xFFFFFFFF  }
0xa5: {  	s26 =	simm.s32 $execute0_lowered;
	[smem:$0x3FD2] =	sst s25  }
0xa6: {  	s5 =	sshll.u32 s26, $0x1;
	_ =	strace $0x80000046;
	[dreg:$0x1] =	wrdreg $0xFFFFFFFF  }
0xa7: {  	s28 =	simm.s32 $_size_execute0_lowered;
	s3 =	sadd.s32 s3, s5;
	[dreg:$0x0] =	wrdreg $0x0  }
0xa8: {  	s5 =	sshll.u32 s28, $0x1;
	[dreg:$0x2] =	wrdreg s3  }
0xa9: {  	[dreg:$0x3] =	wrdreg s5  }
0xaa: {  	[dreg:$0x4] =	wrdreg $0xC0  }
0xab: {  	_ =	task [dreg:s7], $0x5FFFF  }
0xac: {  	[dreg:$0x1] =	wrdreg $0xFFFFFFFF  }
0xad: {  	[dreg:$0x0] =	wrdreg $0x60  }
0xae: {  	[dreg:$0x2] =	wrdreg s2  }
0xaf: {  	[dreg:$0x3] =	wrdreg s24  }
0xb0: {  	[dreg:$0x4] =	wrdreg $0x9  }
0xb1: {  	_ =	task.clear_ibuf [dreg:s7], $0x5FFFF;
	_ =	strace $0x90000046  }
0xb2: {  	s29 =	simm.s32 $0x9;
	_ =	strace $0x80000048  }
0xb3: {  	_ =	swait.ge [sflag:s29], $0x1  }
0xb4: {  	[sflag:s29] =	ssyncadd.s32 $0xFFFFFFFF  }
0xb5: {  	_ =	strace $0x90000048  }
0xb6: {  	_ =	sfence  }
0xb7: {  	s30 =	sld [smem:$0x0];
	_ =	sdelay $0x2  }
0xb8: {  	s31 =	sshll.u32 s1, $0xD;
	s1 =	sshrl.u32 s1, $0x2  }
0xb9: {  	s3 =	sand.u32 $0x4000, s31;
	s1 =	sadd.s32 s1, s30  }
0xba: {  	s0 =	sor.u32 s3, s0;
	s1 =	sshll.u32 s1, $0x11  }
0xbb: {  	s0 =	sor.u32 s1, s0  }
0xbc: {  	s0 =	sadd.s32 $0x8F2B, s0  }
0xbd: {  	[sflag:s0] =	ssyncadd.remote.s32 $0x1  }
0xbe: {  	_ =	sfence.sel $0xFFFF  }
0xbf: {  	[dreg:$0x0] =	wrdreg $0xFFFFFFFF;
	(pc) =	sbr.abs _section_cstart, $3  }
0xc0: {  	[dreg:$0x1] =	wrdreg $0xFFFFFFFF  }
0xc1: {  	_ =	task.clear_ibuf [dreg:s7], $0x2FFFF;
	_ =	strace $0x9FFFFFFF  }
0xc2: {  	(tm) =	ssettm $0x7FFFFFFF  }
0xc3: {  	_ =	shalt  }
tec
execute0_lowered:
.L_overlay_start_1:
0x0: {  	(tag) =	ssettag $0x1  }
0x1: {  	s1 =	srdreg.scid;
	s2 =	rddreg [dreg:$0x0]  }
0x2: {  	s0 =	stileid.u32;
	s5 =	rddreg [dreg:$0x1];
	s6 =	simm.s32 $0x1  }
0x3: {  	s9 =	simm.s32 $0x1;
	s10 =	simm.s32 $0x3;
	s1 =	sshll.u32 s1, $0xE  }
0x4: {  	s13 =	simm.s32 $0x0;
	s3 =	sshll.u32 s0, $0xF;
	s4 =	sand.u32 $0x4000, s1  }
0x5: {  	s12 =	simm.s32 $0x0;
	s1 =	rddreg [dreg:$0x2];
	s3 =	sor.u32 s3, s4  }
0x6: {  	_ =	strace $0x80000047;
	s4 =	sadd.s32 $0x10C00, s5;
	s8 =	ssub.s32 $0xA8000, s3  }
.Ltmp0:
0x7: {  	s5 =	sadd.s32 $0x6DC00, s5;
	s7 =	sand.u32 $0x7C000, s8;
	(pc) =	sbr.rel .LBB2_1-.Ltmp0, $4  }
0x8: {  	[sflag:s6] =	ssyncpa.u1 $0x0;
	s11 =	smov.u32 s3;
	p0 =	sne.s32 s7, $0x0  }
0x9: {  	s8 =	sshrl.u32 s8, $0x13;
	s7 =	simm.s32 $0x2;
	s9 =	simm.s32 @!p0 $0x0  }
0xa: {  	[sflag:s7] =	ssyncpa.u1 $0x0;
	p0 =	por $0x0, $0x0;
	s8 =	sadd.s32 s9, s8  }
0xb: {  	vm0 =	vmmov $0xffff;
	[sflag:s10] =	ssyncpa.u1 $0x0;
	s10 =	simm.s32 $0x0;
	s9 =	sadd.s32 $0x1, s8  }
.LBB2_4:
0xc: {  	v2 =	vand.u32 $0x1, v2;
	v3 =	vand.u32 $0x40000, v3;
	v4 =	vand.u32 $0x3F000, v4  }
0xd: {  	v1 =	vand.u32 $0x7FF, v1;
	v2 =	vsel vm1, $0xFFFFFFFF, v2;
	v3 =	vor.u32 v4, v3  }
0xe: {  	v1 =	vsel vm1, $0xFFFFFFFF, v1;
	v3 =	vsel vm1, $0xFFFBF000, v3;
	v63 =	vand.u32 $0xFFFFF000, v2  }
0xf: {  	v5 =	vand.u32 $0x7F, v1;
	v1 =	vshll.u32 v1, $0x1;
	v3 =	vadd.s32 v63, v3  }
0x10: {  	v2 =	vshll.u32 v2, $0x7;
	v1 =	vand.u32 $0xFFFFFF00, v1;
	v3 =	vor.u32 v5, v3  }
0x11: {  	v2 =	vand.u32 $0x80, v2;
	v1 =	vadd.s32 v1, v3  }
0x12: {  	v1 =	vor.u32 v2, v1;
	_ =	sdelay $0x1  }
0x13: {  	(ifvalue) =	ssetifvalue $0x7FFFFFFF;
	s14 =	sadd.s32 $0x10, s14  }
0x14: {  	[tilespmem:s14], [sflag:$0x1] =	stream.indirect_vreg.gather [hbm4b:s2+s10], $0x1, v0, vm0, $0x4038;
	[tilespmem:$0x10000] =	vst v63  }
0x15: {  	(ifvalue) =	ssetifvalue $0x7FFFFFFF;
	s14 =	sadd.s32 $0x10, s14  }
0x16: {  	[tilespmem:s14], [sflag:$0x1] =	stream.indirect_vreg.gather [hbm4b:s2+s10], $0x1, v1, vm0, $0x4038;
	[tilespmem:$0x10000] =	vst v63  }
0x17: {  	_ =	swait.ge [sflag:s6], $0x4000  }
0x18: {  	s30 =	sshrl.u32 s13, $0x3;
	[sflag:s6] =	ssyncset.done $0x0  }
0x19: {  	s31 =	sand.u32 $0x7, s13;
	s14 =	sadd.s32 s5, s30;
	[sflag:s6] =	ssyncadd.s32 $0xFFFFC000  }
0x1a: {  	[hbm4b:s14+s31] =	stream.linear.scatter [tilespmem:s15], [sflag:$0x3], $0x4000, $0x38;
	[tilespmem:$0x10000] =	vst v63  }
.LBB2_5:
0x1b: {  	s15 =	sadd.s32 $0x80000, s11  }
0x1c: {  	p2 =	sgt.s32 s15, $0xA7FFF  }
0x1d: {  	s15 =	smov.u32 @p2 s3;
	p2 =	sne.s32 s12, s9  }
.Ltmp1:
0x1e: {  	p1 =	slt.u32 s12, $0x2;
	(pc) =	sbr.rel @!p2 .LBB2_6-.Ltmp1, $4  }
0x1f: {  	s14 =	simm.s32 @!p1 $0x3  }
0x20: {  	s16 =	sadd.s32 $0x1, s12;
	_ =	swait.ge @!p1 [sflag:s14], $0x4000  }
0x21: {  	s13 =	smov.u32 s11;
	p0 =	por !p0, !p0;
	[sflag:s14] =	ssyncset.done @!p1 $0x0  }
0x22: {  	s12 =	smov.u32 s16;
	s11 =	smov.u32 s15;
	[sflag:s14] =	ssyncadd.s32 @!p1 $0xFFFFC000  }
.LBB2_1:
0x23: {  	p1 =	sge.u32 s12, s8  }
0x24: {  	s14 =	sxor.u32 @!p1 $0xFFFFFFFF, s12  }
0x25: {  	s31 =	sadd.s32 $0xFFFFFFFF, s12;
	s15 =	sshrl.u32 @!p1 s11, $0x3;
	s14 =	sshll.u32 @!p1 s14, $0xE  }
0x26: {  	s16 =	sand.u32 @!p1 $0x7, s11;
	s15 =	sadd.s32 @!p1 s4, s15;
	s14 =	sand.u32 @!p1 $0x4000, s14  }
0x27: {  	[tilespmem:s14], [sflag:$0x2] =	stream.linear.gather @!p1 [hbm4b:s15+s16], $0x4000, $0x38;
	[tilespmem:$0x10000] =	vst v63  }
0x28: {  	p1 =	sge.u32 s31, s8  }
.Ltmp2:
0x29: {  	_ = 	snop;
	(pc) =	sbr.rel @p1 .LBB2_5-.Ltmp2, $1  }
0x2a: {  	_ =	sdelay $0x3  }
0x2b: {  	s14 =	simm.s32 $0x1  }
0x2c: {  	_ =	swait.ge [sflag:s7], $0x4000;
	s14 =	simm.s32 @!p0 $0x0  }
0x2d: {  	[sflag:s7] =	ssyncset.done $0x0;
	s14 =	sshll.u32 s14, $0xE  }
0x2e: {  	[sflag:s7] =	ssyncadd.s32 $0xFFFFC000;
	(ifvalue) =	ssetifvalue $0x7FFFFFFF;
	v0 =	vld.msk [tilespmem:s14+$0x0 ss:$0x1], $0xffff;
	_ =	sdelay $0x4  }
0x2f: {  	s15 =	sadd.s32 $0x10, s14;
	vm1 =	veq.s32 v0, $0x80000000;
	v1 =	vshrl.u32 v0, $0x7  }
0x30: {  	v4 =	vld.msk [tilespmem:s15+$0x0 ss:$0x1], $0xffff;
	v2 =	vshrl.u32 v0, $0x12;
	v3 =	vshll.u32 v0, $0x12;
	v0 =	vshll.u32 v0, $0xB  }
0x31: {  	v3 =	vand.u32 $0x40000, v3;
	v0 =	vand.u32 $0x3F000, v0  }
0x32: {  	v2 =	vand.u32 $0x1, v2;
	v1 =	vand.u32 $0x7FF, v1;
	v0 =	vor.u32 v0, v3  }
0x33: {  	v2 =	vsel vm1, $0xFFFFFFFF, v2;
	v1 =	vsel vm1, $0xFFFFFFFF, v1;
	v0 =	vsel vm1, $0xFFFBF000, v0  }
0x34: {  	v3 =	vand.u32 $0xFFFFF000, v2;
	v5 =	vand.u32 $0x7F, v1;
	v1 =	vshll.u32 v1, $0x1  }
0x35: {  	v2 =	vshll.u32 v2, $0x7;
	vm1 =	veq.s32 v4, $0x80000000;
	v0 =	vadd.s32 v3, v0  }
0x36: {  	v1 =	vand.u32 $0xFFFFFF00, v1;
	v2 =	vand.u32 $0x80, v2;
	v0 =	vor.u32 v5, v0  }
0x37: {  	v3 =	vshll.u32 v4, $0x12;
	v0 =	vadd.s32 v1, v0;
	v1 =	vshrl.u32 v4, $0x7  }
0x38: {  	v0 =	vor.u32 v2, v0;
	v2 =	vshrl.u32 v4, $0x12;
	v4 =	vshll.u32 v4, $0xB  }
0x39: {  	s17 =	sadd.s32 $0x10, s15;
	v3 =	vand.u32 $0x40000, v3;
	v2 =	vand.u32 $0x1, v2;
	v4 =	vand.u32 $0x3F000, v4  }
0x3a: {  	v5 =	vld.msk [tilespmem:s17+$0x0 ss:$0x1], $0xffff;
	v1 =	vand.u32 $0x7FF, v1;
	v2 =	vsel vm1, $0xFFFFFFFF, v2;
	v3 =	vor.u32 v4, v3  }
0x3b: {  	v1 =	vsel vm1, $0xFFFFFFFF, v1;
	v3 =	vsel vm1, $0xFFFBF000, v3;
	v4 =	vand.u32 $0xFFFFF000, v2  }
0x3c: {  	v6 =	vand.u32 $0x7F, v1;
	v1 =	vshll.u32 v1, $0x1;
	v3 =	vadd.s32 v4, v3  }
0x3d: {  	s31 =	sshll.u32 s12, $0xE;
	s14 =	sor.u32 $0x8000, s14;
	(ifvalue) =	ssetifvalue $0x7FFFFFFF;
	v1 =	vand.u32 $0xFFFFFF00, v1;
	v2 =	vshll.u32 v2, $0x7;
	v3 =	vor.u32 v6, v3  }
0x3e: {  	[tilespmem:s14], [sflag:$0x1] =	stream.indirect_vreg.gather [hbm4b:s2+s10], $0x1, v0, vm0, $0x4038;
	v0 =	vand.u32 $0x80, v2;
	v2 =	vadd.s32 v1, v3;
	[tilespmem:$0x10000] =	vst v63  }
0x3f: {  	s15 =	sand.u32 $0x4000, s31;
	vm1 =	veq.s32 v5, $0x80000000;
	v4 =	vshll.u32 v5, $0xB;
	v0 =	vor.u32 v0, v2  }
0x40: {  	s16 =	simm.s32 $0x20;
	s15 =	sor.u32 $0x8000, s15;
	s17 =	sadd.s32 $0x10, s17;
	v1 =	vshrl.u32 v5, $0x7;
	v3 =	vshll.u32 v5, $0x12;
	v2 =	vshrl.u32 v5, $0x12  }
.LBB2_3:
0x41: {  	v5 =	vld.msk [tilespmem:s17+$0x0 ss:$0x1], $0xffff;
	v2 =	vand.u32 $0x1, v2;
	v3 =	vand.u32 $0x40000, v3;
	v4 =	vand.u32 $0x3F000, v4  }
0x42: {  	s16 =	sadd.s32 $0x10, s16;
	v1 =	vand.u32 $0x7FF, v1;
	v2 =	vsel vm1, $0xFFFFFFFF, v2;
	v3 =	vor.u32 v4, v3  }
0x43: {  	s14 =	sadd.s32 $0x10, s14;
	p1 =	slt.u32 s16, $0x3FF0;
	v1 =	vsel vm1, $0xFFFFFFFF, v1;
	v3 =	vsel vm1, $0xFFFBF000, v3;
	v4 =	vand.u32 $0xFFFFF000, v2;
	(ifvalue) =	ssetifvalue $0x7FFFFFFF  }
0x44: {  	[tilespmem:s14], [sflag:$0x1] =	stream.indirect_vreg.gather [hbm4b:s2+s10], $0x1, v0, vm0, $0x4038;
	[tilespmem:$0x10000] =	vst v63  }
.Ltmp3:
0x45: {  	v6 =	vand.u32 $0x7F, v1;
	v1 =	vshll.u32 v1, $0x1;
	v3 =	vadd.s32 v4, v3;
	(pc) =	sbr.rel @p1 .LBB2_3-.Ltmp3, $4  }
0x46: {  	v0 =	vand.u32 $0xFFFFFF00, v1;
	v1 =	vshll.u32 v2, $0x7;
	v2 =	vor.u32 v6, v3  }
0x47: {  	v3 =	vand.u32 $0x80, v1;
	v0 =	vadd.s32 v0, v2  }
0x48: {  	vm1 =	veq.s32 v5, $0x80000000;
	v1 =	vshrl.u32 v5, $0x7;
	v0 =	vor.u32 v3, v0  }
0x49: {  	s17 =	sadd.s32 $0x10, s17;
	v2 =	vshrl.u32 v5, $0x12;
	v4 =	vshll.u32 v5, $0xB;
	v3 =	vshll.u32 v5, $0x12  }
.Ltmp4:
0x4a: {  	_ = 	snop;
	(pc) =	sbr.rel .LBB2_4-.Ltmp4, $1  }
0x4b: {  	_ =	sdelay $0x3  }
.LBB2_6:
0x4c: {  	_ =	sfence.sel $0x180000  }
0x4d: {  	s2 =	simm.s32 $0x2;
	[bflag:$0x0] =	sbarrier.arrive $0xFFFF  }
0x4e: {  	s30 =	simm.s32 $0x3;
	[sflag:s2] =	ssyncpa.u1 $0x1  }
0x4f: {  	s31 =	simm.s32 $0x1;
	[sflag:s30] =	ssyncpa.u1 $0x1  }
0x50: {  	[sflag:s31] =	ssyncpa.u1 $0x1  }
0x51: {  	p0 =	sne.s32 s0, $0x0;
	_ =	strace $0x90000047  }
0x52: {  	s0 =	sadd.s32 @!p0 $0x100000, s1;
	[bflag:$0x2] =	sbarrier.arrive $0xFFFF  }
0x53: {  	[sflag:s0] =	ssyncadd.tile.s32 @!p0 $0x1;
	_ =	shalt  }
.Lfunc_end2:
_tile_overlayer_lowered:
.L_overlay_start_2:
0x54: {  	(tag) =	ssettag $0x2  }
0x55: {  	s0 =	rddreg [dreg:$0x0];
	s2 =	stileid.u32  }
0x56: {  	s1 =	rddreg [dreg:$0x1];
	p0 =	sne.s32 s2, $0x0  }
0x57: {  	s3 =	rddreg [dreg:$0x2];
	[bflag:$0x3] =	sbarrier.arrive $0xFFFF;
	s2 =	simm.s32 @!p0 $0x1C01  }
0x58: {  	[timem:s3], [sflag:s2] =	dma.local @!p0 [hbm:s0], s1  }
0x59: {  	s0 =	simm.s32 @!p0 $0x1  }
0x5a: {  	_ =	swait.ge @!p0 [sflag:s0], s1  }
0x5b: {  	s1 =	ssub.s32 @!p0 $0x0, s1;
	[sflag:s0] =	ssyncset.done @!p0 $0x0  }
0x5c: {  	[sflag:s0] =	ssyncadd.s32 @!p0 s1  }
0x5d: {  	[bflag:$0x3] =	sbarrier.arrive $0xFFFF  }
0x5e: {  	_ =	shalt  }

// kernel: sparse-core-data-format-call.1.cloned.1.call-start
scs
called_computation.1_lowered:
.L_overlay_start_0:
0x0: {  	s2 =	sld [smem:$0x3FD9]  }
0x1: {  	s3 =	sld [smem:$0x3FFE];
	_ =	sdelay $0x1  }
0x2: {  	s1 =	srdreg.scid  }
0x3: {  	s0 =	sand.u32 $0x1, s1  }
0x4: {  	s18 =	sshll.u32 s0, $0xA;
	s2 =	sadd.s32 s3, s2  }
0x5: {  	s2 =	sadd.s32 s2, s18  }
0x6: {  	[smem:$0x3FB8] =	sst s2  }
0x7: {  	_ = 	snop  }
0x8: {  	(tm) =	ssettm $0x1  }
0x9: {  	s19 =	sld [smem:$0x3FFB];
	_ =	sdelay $0x3  }
0xa: {  	_ =	strace s19  }
0xb: {  	s2 =	sld [smem:$0x3FFC];
	_ =	sdelay $0x3  }
0xc: {  	_ =	strace s2  }
0xd: {  	s2 =	sld [smem:$0x3FFD];
	_ =	sdelay $0x3  }
0xe: {  	_ =	strace s2  }
0xf: {  	_ =	strace $0x8FFFFFFF  }
0x10: {  	s20 =	sld [smem:$0x3FDB];
	_ =	sdelay $0x1  }
0x11: {  	s21 =	simm.s32 $_scs_section_size  }
0x12: {  	s4 =	simm.s32 $_size__tile_overlayer_lowered;
	s5 =	simm.s32 $_tile_overlayer_lowered  }
0x13: {  	s6 =	simm.s32 $0x1BFF;
	s22 =	sshll.u32 s5, $0x1;
	s3 =	sadd.s32 s21, s20  }
0x14: {  	s23 =	simm.s32 $0x0;
	s4 =	sshll.u32 s4, $0x1;
	s5 =	sadd.s32 s22, s3  }
0x15: {  	[timem:s23], [sflag:s6] =	dma.local [hbm:s5], s4  }
0x16: {  	_ =	swait.ge [sflag:s6], s4  }
0x17: {  	s4 =	ssub.s32 $0x0, s4;
	[sflag:s6] =	ssyncset.done $0x0  }
0x18: {  	[sflag:s6] =	ssyncadd.s32 s4;
	_ =	sdelay $0x1  }
0x19: {  	s24 =	simm.s32 $0x1B8B  }
0x1a: {  	_ =	swait.ge [sflag:s24], $0x1  }
0x1b: {  	[sflag:s24] =	ssyncset.done $0x0  }
0x1c: {  	[sflag:s24] =	ssyncadd.s32 $0xFFFFFFFF  }
0x1d: {  	s4 =	sld [smem:$0x0]  }
0x1e: {  	s5 =	sand.u32 $0xFFFFFFFE, s1  }
0x1f: {  	p0 =	sne.s32 s1, s5  }
0x20: {  	s5 =	sshll.u32 @p0 s5, $0xE  }
0x21: {  	s5 =	sadd.s32 @p0 $0x11B8D, s5;
	s6 =	sshll.u32 @p0 s4, $0x11  }
0x22: {  	s5 =	sor.u32 @p0 s6, s5  }
0x23: {  	[sflag:s5] =	ssyncadd.remote.s32 @p0 $0x1;
	_ =	sdelay $0x1  }
0x24: {  	s5 =	simm.s32 @p0 $0x1B8D  }
0x25: {  	_ =	swait.eq @p0 [sflag:s5], $0x1  }
0x26: {  	[sflag:s5] =	ssyncadd.s32 @p0 $0xFFFFFFFF  }
0x27: {  	s6 =	sshll.u32 @!p0 s1, $0xE  }
0x28: {  	s6 =	sor.u32 @!p0 $0x4000, s6;
	s5 =	simm.s32 @!p0 $0x1B8D  }
0x29: {  	s4 =	sshll.u32 @!p0 s4, $0x11;
	s6 =	sadd.s32 @!p0 $0x11B8D, s6;
	_ =	swait.eq @!p0 [sflag:s5], $0x1  }
0x2a: {  	s4 =	sor.u32 @!p0 s4, s6;
	[sflag:s5] =	ssyncadd.s32 @!p0 $0xFFFFFFFF  }
0x2b: {  	s26 =	simm.s32 $0x1B8E;
	s25 =	sld [smem:$0x3FFE];
	[sflag:s4] =	ssyncadd.remote.s32 @!p0 $0x1  }
0x2c: {  	s27 =	simm.s32 $execute0_lowered;
	[smem:$0x3FD2] =	sst s26  }
0x2d: {  	s5 =	sshll.u32 s27, $0x1;
	_ =	strace $0x80000058;
	[dreg:$0x1] =	wrdreg $0xFFFFFFFF  }
0x2e: {  	s28 =	simm.s32 $_size_execute0_lowered;
	s3 =	sadd.s32 s3, s5;
	[dreg:$0x0] =	wrdreg $0x0  }
0x2f: {  	s5 =	sshll.u32 s28, $0x1;
	[dreg:$0x2] =	wrdreg s3  }
0x30: {  	[dreg:$0x3] =	wrdreg s5  }
0x31: {  	[dreg:$0x4] =	wrdreg $0xC0  }
0x32: {  	_ =	task [dreg:s23], $0x5FFFF  }
0x33: {  	[dreg:$0x1] =	wrdreg $0xFFFFFFFF  }
0x34: {  	[dreg:$0x0] =	wrdreg $0x60  }
0x35: {  	[dreg:$0x2] =	wrdreg s25  }
0x36: {  	[dreg:$0x3] =	wrdreg $0xA  }
0x37: {  	_ =	task.clear_ibuf [dreg:s23], $0x4FFFF;
	_ =	strace $0x90000058  }
0x38: {  	s29 =	simm.s32 $0xA;
	_ =	strace $0x8000005A  }
0x39: {  	_ =	swait.ge [sflag:s29], $0x1  }
0x3a: {  	[sflag:s29] =	ssyncadd.s32 $0xFFFFFFFF  }
0x3b: {  	_ =	strace $0x9000005A  }
0x3c: {  	_ =	sfence  }
0x3d: {  	s30 =	sld [smem:$0x0];
	_ =	sdelay $0x2  }
0x3e: {  	s31 =	sshll.u32 s1, $0xD;
	s1 =	sshrl.u32 s1, $0x2  }
0x3f: {  	s4 =	sand.u32 $0x4000, s31;
	s1 =	sadd.s32 s1, s30  }
0x40: {  	s0 =	sor.u32 s4, s0;
	s1 =	sshll.u32 s1, $0x11  }
0x41: {  	s0 =	sor.u32 s1, s0  }
0x42: {  	s0 =	sadd.s32 $0x8F2B, s0  }
0x43: {  	[sflag:s0] =	ssyncadd.remote.s32 $0x1  }
0x44: {  	_ =	sfence.sel $0xFFFF  }
0x45: {  	[dreg:$0x0] =	wrdreg $0xFFFFFFFF;
	(pc) =	sbr.abs _section_cstart, $3  }
0x46: {  	[dreg:$0x1] =	wrdreg $0xFFFFFFFF  }
0x47: {  	_ =	task.clear_ibuf [dreg:s23], $0x2FFFF;
	_ =	strace $0x9FFFFFFF  }
0x48: {  	(tm) =	ssettm $0x7FFFFFFF  }
0x49: {  	_ =	shalt  }
tec
execute0_lowered:
.L_overlay_start_1:
0x0: {  	(tag) =	ssettag $0x1  }
0x1: {  	s0 =	srdreg.scid  }
0x2: {  	s1 =	sshll.u32 s0, $0x4  }
0x3: {  	s6 =	rddreg [dreg:$0x0];
	s0 =	stileid.u32;
	s1 =	sand.u32 $0x10, s1  }
0x4: {  	s5 =	simm.s32 $0x1;
	s31 =	simm.s32 $0x2;
	s1 =	sor.u32 s0, s1  }
0x5: {  	s12 =	simm.s32 $0x0;
	s8 =	simm.s32 $0x20000;
	s2 =	sshll.u32 s1, $0x7  }
0x6: {  	s13 =	simm.s32 $0x0;
	s9 =	simm.s32 $0x0;
	s3 =	ssub.s32 $0x4000, s2  }
0x7: {  	s11 =	simm.s32 $0x0;
	s1 =	rddreg [dreg:$0x1];
	s4 =	sand.u32 $0xF80, s3  }
.Ltmp0:
0x8: {  	_ =	strace $0x80000059;
	p0 =	sne.s32 s4, $0x0;
	(pc) =	sbr.rel .LBB1_1-.Ltmp0, $4  }
0x9: {  	s10 =	smov.u32 s2;
	s7 =	sshrl.u32 s3, $0xC;
	s5 =	simm.s32 @!p0 $0x0  }
0xa: {  	s3 =	sadd.s32 $0x7E7400, s6;
	s4 =	simm.s32 $0x1;
	s5 =	sadd.s32 s5, s7  }
0xb: {  	s6 =	sadd.s32 $0xFE7400, s6;
	[sflag:s4] =	ssyncpa.u1 $0x0;
	s5 =	sshll.u32 s5, $0x5  }
0xc: {  	p0 =	por $0x0, $0x0;
	[sflag:s31] =	ssyncpa.u1 $0x0;
	s7 =	sor.u32 $0x1, s5  }
.LBB1_4:
0xd: {  	s16 =	sshll.u32 s13, $0x3;
	s17 =	sand.u32 $0x78, s13  }
0xe: {  	s30 =	sand.u32 $0xF800, s13;
	s12 =	sshll.u32 s12, $0x10;
	s16 =	sand.u32 $0x3C00, s16  }
0xf: {  	s31 =	sand.u32 $0x7, s13;
	s16 =	sor.u32 s17, s16;
	s17 =	sadd.s32 s6, s30  }
0x10: {  	s13 =	sshll.u32 s31, $0x12;
	s16 =	sshrl.u32 s16, $0x3;
	s12 =	sadd.s32 s12, s17  }
0x11: {  	[tilespmem:s15+$0x0 ss:$0x81] =	vst.msk $0xffff, v0;
	s13 =	sor.u32 $0x400, s13;
	s12 =	sadd.s32 s16, s12  }
0x12: {  	[hbm4b:s12+s13] =	stream.strided.scatter [tilespmem:s14], [sflag:$0x2], $0x1000, s8, s13, $0x20;
	[tilespmem:$0x4040] =	vst v63  }
.LBB1_5:
0x13: {  	s14 =	sadd.s32 $0x1, s9  }
0x14: {  	s12 =	sadd.s32 $0x1000, s10;
	s16 =	smov.u32 s10;
	p2 =	sgt.s32 s14, $0x1F  }
0x15: {  	s16 =	smov.u32 @p2 s12  }
0x16: {  	s14 =	simm.s32 @p2 $0x0;
	p2 =	sgt.s32 s16, $0x3FFF  }
0x17: {  	s16 =	smov.u32 @p2 s2;
	p2 =	sne.s32 s11, s7  }
.Ltmp1:
0x18: {  	p1 =	slt.u32 s11, $0x2;
	(pc) =	sbr.rel @!p2 .LBB1_6-.Ltmp1, $4  }
0x19: {  	s15 =	simm.s32 @!p1 $0x2  }
0x1a: {  	s13 =	smov.u32 s10;
	p0 =	por !p0, !p0;
	_ =	swait.ge @!p1 [sflag:s15], $0x1000  }
0x1b: {  	s12 =	smov.u32 s9;
	[sflag:s15] =	ssyncset.done @!p1 $0x0;
	s9 =	smov.u32 s14  }
0x1c: {  	s11 =	sadd.s32 $0x1, s11;
	[sflag:s15] =	ssyncadd.s32 @!p1 $0xFFFFF000;
	s10 =	smov.u32 s16  }
.LBB1_1:
0x1d: {  	p1 =	sge.u32 s11, s5  }
0x1e: {  	s31 =	sadd.s32 $0xFFFFFFFF, s11;
	s14 =	sxor.u32 @!p1 $0xFFFFFFFF, s11  }
0x1f: {  	s15 =	sshll.u32 @!p1 s10, $0x9;
	s16 =	sshll.u32 @!p1 s9, $0x4;
	s17 =	simm.s32 @!p1 $0x1000  }
0x20: {  	s14 =	sshll.u32 @!p1 s14, $0xC;
	s16 =	sand.u32 @!p1 $0x1F0, s16;
	s15 =	sadd.s32 @!p1 s3, s15  }
0x21: {  	s14 =	sand.u32 @!p1 $0x1000, s14;
	s15 =	sadd.s32 @!p1 s16, s15;
	s16 =	simm.s32 @!p1 $0x20  }
0x22: {  	[tilespmem:s14], [sflag:$0x1] =	stream.strided.gather @!p1 [hbm4b:s15+s16], $0x1000, s17, s16, $0x38;
	[tilespmem:$0x4040] =	vst v63  }
0x23: {  	p1 =	sge.u32 s31, s5  }
.Ltmp2:
0x24: {  	_ = 	snop;
	(pc) =	sbr.rel @p1 .LBB1_5-.Ltmp2, $1  }
0x25: {  	_ =	sdelay $0x3  }
0x26: {  	s14 =	simm.s32 $0x1  }
0x27: {  	_ =	swait.ge [sflag:s4], $0x1000;
	s14 =	simm.s32 @!p0 $0x0  }
0x28: {  	[sflag:s4] =	ssyncset.done $0x0;
	s15 =	sshll.u32 s14, $0xC  }
0x29: {  	[sflag:s4] =	ssyncadd.s32 $0xFFFFF000;
	s18 =	sor.u32 $0x10, s15  }
0x2a: {  	s14 =	smul.u32 $0x4080, s14;
	v1 =	vld [tilespmem:s18+$0x0]  }
0x2b: {  	s30 =	sand.u32 $0x1, s11;
	v0 =	vld [tilespmem:s18+$0xFFFFFFF0]  }
0x2c: {  	s15 =	smul.u32 $0x4080, s30;
	s14 =	sshrl.u32 s14, $0x2  }
0x2d: {  	s16 =	sor.u32 $0x2000, s14  }
0x2e: {  	s31 =	sshrl.u32 s15, $0x2;
	s15 =	sadd.s32 $0x0, s16  }
0x2f: {  	s17 =	simm.s32 $0x4;
	s18 =	sadd.s32 $0x20, s18;
	s14 =	sor.u32 $0x2000, s31;
	[tilespmem:s15+$0x810 ss:$0x81] =	vst.msk $0xffff, v1  }
.LBB1_3:
0x30: {  	v1 =	vld [tilespmem:s18+$0x0];
	p1 =	sne.s32 s17, $0x1FC;
	[tilespmem:s15+$0x0 ss:$0x81] =	vst.msk $0xffff, v0;
	s15 =	smov.u32 s17;
	s17 =	sadd.s32 $0x4, s17  }
.Ltmp3:
0x31: {  	v0 =	vld [tilespmem:s18+$0xFFFFFFF0];
	(pc) =	sbr.rel @p1 .LBB1_3-.Ltmp3, $4  }
0x32: {  	_ = 	snop  }
0x33: {  	s15 =	sshra.s32 s15, $0x2  }
0x34: {  	s15 =	sadd.s32 s15, s16  }
0x35: {  	s18 =	sadd.s32 $0x20, s18;
	[tilespmem:s15+$0x810 ss:$0x81] =	vst.msk $0xffff, v1  }
.Ltmp4:
0x36: {  	_ = 	snop;
	(pc) =	sbr.rel .LBB1_4-.Ltmp4, $1  }
0x37: {  	_ =	sdelay $0x3  }
.LBB1_6:
0x38: {  	_ =	sfence.sel $0x180000  }
0x39: {  	s2 =	simm.s32 $0x1;
	[bflag:$0x0] =	sbarrier.arrive $0xFFFF  }
0x3a: {  	s31 =	simm.s32 $0x2;
	[sflag:s2] =	ssyncpa.u1 $0x1  }
0x3b: {  	[sflag:s31] =	ssyncpa.u1 $0x1  }
0x3c: {  	p0 =	sne.s32 s0, $0x0;
	_ =	strace $0x90000059  }
0x3d: {  	s0 =	sadd.s32 @!p0 $0x100000, s1;
	[bflag:$0x2] =	sbarrier.arrive $0xFFFF  }
0x3e: {  	[sflag:s0] =	ssyncadd.tile.s32 @!p0 $0x1;
	_ =	shalt  }
.Lfunc_end1:
_tile_overlayer_lowered:
.L_overlay_start_2:
0x3f: {  	(tag) =	ssettag $0x2  }
0x40: {  	s0 =	rddreg [dreg:$0x0];
	s2 =	stileid.u32  }
0x41: {  	s1 =	rddreg [dreg:$0x1];
	p0 =	sne.s32 s2, $0x0  }
0x42: {  	s3 =	rddreg [dreg:$0x2];
	[bflag:$0x3] =	sbarrier.arrive $0xFFFF;
	s2 =	simm.s32 @!p0 $0x1C01  }
0x43: {  	[timem:s3], [sflag:s2] =	dma.local @!p0 [hbm:s0], s1  }
0x44: {  	s0 =	simm.s32 @!p0 $0x1  }
0x45: {  	_ =	swait.ge @!p0 [sflag:s0], s1  }
0x46: {  	s1 =	ssub.s32 @!p0 $0x0, s1;
	[sflag:s0] =	ssyncset.done @!p0 $0x0  }
0x47: {  	[sflag:s0] =	ssyncadd.s32 @!p0 s1  }
0x48: {  	[bflag:$0x3] =	sbarrier.arrive $0xFFFF  }
0x49: {  	_ =	shalt  }

// kernel: sparse-core-data-format-call.cloned.1.call-start
scs
called_computation_lowered:
.L_overlay_start_0:
0x0: {  	s1 =	sld [smem:$0x3FD9]  }
0x1: {  	s2 =	sld [smem:$0x3FFE];
	_ =	sdelay $0x1  }
0x2: {  	s3 =	srdreg.scid  }
0x3: {  	s0 =	sand.u32 $0x1, s3  }
0x4: {  	s17 =	sshll.u32 s0, $0xA;
	s1 =	sadd.s32 s2, s1  }
0x5: {  	s1 =	sadd.s32 s1, s17  }
0x6: {  	[smem:$0x3FB8] =	sst s1  }
0x7: {  	_ = 	snop  }
0x8: {  	(tm) =	ssettm $0x1  }
0x9: {  	s18 =	sld [smem:$0x3FFB];
	_ =	sdelay $0x3  }
0xa: {  	_ =	strace s18  }
0xb: {  	s1 =	sld [smem:$0x3FFC];
	_ =	sdelay $0x3  }
0xc: {  	_ =	strace s1  }
0xd: {  	s1 =	sld [smem:$0x3FFD];
	_ =	sdelay $0x3  }
0xe: {  	_ =	strace s1  }
0xf: {  	_ =	strace $0x8FFFFFFF  }
0x10: {  	s19 =	sld [smem:$0x3FDB];
	_ =	sdelay $0x1  }
0x11: {  	s20 =	simm.s32 $_scs_section_size  }
0x12: {  	s4 =	simm.s32 $_size__tile_overlayer_lowered;
	s5 =	simm.s32 $_tile_overlayer_lowered  }
0x13: {  	s23 =	simm.s32 $0x1BFF;
	s22 =	sshll.u32 s5, $0x1;
	s1 =	sadd.s32 s20, s19  }
0x14: {  	s6 =	simm.s32 $0x0;
	s21 =	sshll.u32 s4, $0x1;
	s4 =	sadd.s32 s22, s1  }
0x15: {  	[timem:s6], [sflag:s23] =	dma.local [hbm:s4], s21  }
0x16: {  	_ =	swait.ge [sflag:s23], s21  }
0x17: {  	s2 =	ssub.s32 $0x0, s21;
	[sflag:s23] =	ssyncset.done $0x0  }
0x18: {  	[sflag:s23] =	ssyncadd.s32 s2;
	_ =	sdelay $0x1  }
0x19: {  	s24 =	simm.s32 $0x1B8B  }
0x1a: {  	_ =	swait.ge [sflag:s24], $0x1  }
0x1b: {  	[sflag:s24] =	ssyncset.done $0x0  }
0x1c: {  	s26 =	simm.s32 $0x1B8E;
	s25 =	sld [smem:$0x3FFE];
	[sflag:s24] =	ssyncadd.s32 $0xFFFFFFFF  }
0x1d: {  	s27 =	simm.s32 $execute0_lowered;
	[smem:$0x3FD2] =	sst s26  }
0x1e: {  	s4 =	sshll.u32 s27, $0x1;
	_ =	strace $0x80000055;
	[dreg:$0x1] =	wrdreg $0xFFFFFFFF  }
0x1f: {  	s28 =	simm.s32 $_size_execute0_lowered;
	s1 =	sadd.s32 s1, s4;
	[dreg:$0x0] =	wrdreg $0x0  }
0x20: {  	s4 =	sshll.u32 s28, $0x1;
	[dreg:$0x2] =	wrdreg s1  }
0x21: {  	[dreg:$0x3] =	wrdreg s4  }
0x22: {  	[dreg:$0x4] =	wrdreg $0xC0  }
0x23: {  	_ =	task [dreg:s6], $0x5FFFF  }
0x24: {  	[dreg:$0x1] =	wrdreg $0xFFFFFFFF  }
0x25: {  	[dreg:$0x0] =	wrdreg $0x60  }
0x26: {  	[dreg:$0x2] =	wrdreg s25  }
0x27: {  	[dreg:$0x3] =	wrdreg $0x9  }
0x28: {  	_ =	task.clear_ibuf [dreg:s6], $0x4FFFF;
	_ =	strace $0x90000055  }
0x29: {  	s29 =	simm.s32 $0x9;
	_ =	strace $0x80000057  }
0x2a: {  	_ =	swait.ge [sflag:s29], $0x1  }
0x2b: {  	[sflag:s29] =	ssyncadd.s32 $0xFFFFFFFF  }
0x2c: {  	_ =	strace $0x90000057  }
0x2d: {  	_ =	sfence  }
0x2e: {  	s30 =	sld [smem:$0x0];
	_ =	sdelay $0x2  }
0x2f: {  	s31 =	sshll.u32 s3, $0xD;
	s3 =	sshrl.u32 s3, $0x2  }
0x30: {  	s2 =	sand.u32 $0x4000, s31;
	s1 =	sadd.s32 s3, s30  }
0x31: {  	s0 =	sor.u32 s2, s0;
	s1 =	sshll.u32 s1, $0x11  }
0x32: {  	s0 =	sor.u32 s1, s0  }
0x33: {  	s0 =	sadd.s32 $0x8F2B, s0  }
0x34: {  	[sflag:s0] =	ssyncadd.remote.s32 $0x1  }
0x35: {  	_ =	sfence.sel $0xFFFF  }
0x36: {  	[dreg:$0x0] =	wrdreg $0xFFFFFFFF;
	(pc) =	sbr.abs _section_cstart, $3  }
0x37: {  	[dreg:$0x1] =	wrdreg $0xFFFFFFFF  }
0x38: {  	_ =	task.clear_ibuf [dreg:s6], $0x2FFFF;
	_ =	strace $0x9FFFFFFF  }
0x39: {  	(tm) =	ssettm $0x7FFFFFFF  }
tec
execute0_lowered:
.L_overlay_start_1:
0x0: {  	(tag) =	ssettag $0x1  }
0x1: {  	s0 =	srdreg.scid  }
0x2: {  	s4 =	rddreg [dreg:$0x0];
	s1 =	sshll.u32 s0, $0x4  }
0x3: {  	s6 =	simm.s32 $0x1;
	s0 =	stileid.u32;
	s1 =	sand.u32 $0x10, s1  }
0x4: {  	s31 =	simm.s32 $0x2;
	s15 =	simm.s32 $0x0;
	s1 =	sor.u32 s0, s1  }
0x5: {  	s8 =	simm.s32 $0x80000;
	s14 =	simm.s32 $0x0;
	s2 =	sshll.u32 s1, $0x7  }
0x6: {  	s13 =	simm.s32 $0x0;
	s9 =	simm.s32 $0x0;
	s5 =	ssub.s32 $0x4000, s2  }
0x7: {  	s10 =	simm.s32 $0x0;
	s12 =	simm.s32 $0x0;
	s3 =	sand.u32 $0xF80, s5  }
.Ltmp0:
0x8: {  	s1 =	rddreg [dreg:$0x1];
	p0 =	sne.s32 s3, $0x0;
	(pc) =	sbr.rel .LBB1_1-.Ltmp0, $4  }
0x9: {  	_ =	strace $0x80000056;
	s7 =	sshrl.u32 s5, $0xC;
	s6 =	simm.s32 @!p0 $0x0  }
0xa: {  	s11 =	smov.u32 s2;
	s5 =	simm.s32 $0x1;
	s6 =	sadd.s32 s6, s7  }
0xb: {  	s3 =	sadd.s32 $0x3E7400, s4;
	[sflag:s5] =	ssyncpa.u1 $0x0;
	s6 =	sshll.u32 s6, $0x2  }
0xc: {  	s4 =	sadd.s32 $0x1E7400, s4;
	[sflag:s31] =	ssyncpa.u1 $0x0;
	s7 =	sor.u32 $0x1, s6  }
.LBB1_7:
0xd: {  	s16 =	sadd.s32 $0x8, s9  }
0xe: {  	s13 =	sadd.s32 $0x10, s10;
	s17 =	smov.u32 s10;
	p1 =	sgt.s32 s16, $0x1F  }
0xf: {  	s17 =	smov.u32 @p1 s13  }
0x10: {  	s19 =	smov.u32 s11;
	s13 =	sadd.s32 $0x1000, s11;
	p2 =	sgt.s32 s17, $0xF  }
0x11: {  	s19 =	smov.u32 @p2 s13  }
0x12: {  	s16 =	simm.s32 @p1 $0x0;
	p1 =	sgt.s32 s19, $0x3FFF  }
0x13: {  	p0 =	slt.u32 s12, $0x2;
	s19 =	smov.u32 @p1 s2;
	p1 =	sne.s32 s12, s7  }
.Ltmp1:
0x14: {  	s18 =	simm.s32 @!p0 $0x2;
	(pc) =	sbr.rel @!p1 .LBB1_8-.Ltmp1, $4  }
0x15: {  	s15 =	smov.u32 s9;
	_ =	swait.ge @!p0 [sflag:s18], $0x4000  }
0x16: {  	s14 =	smov.u32 s10;
	[sflag:s18] =	ssyncset.done @!p0 $0x0;
	s9 =	smov.u32 s16  }
0x17: {  	s17 =	simm.s32 @p2 $0x0;
	s13 =	smov.u32 s11;
	[sflag:s18] =	ssyncadd.s32 @!p0 $0xFFFFC000  }
0x18: {  	s10 =	smov.u32 s17;
	s12 =	sadd.s32 $0x1, s12;
	s11 =	smov.u32 s19  }
.LBB1_1:
0x19: {  	p0 =	sge.u32 s12, s6  }
0x1a: {  	s16 =	sshll.u32 @!p0 s10, $0x7;
	s17 =	sshll.u32 @!p0 s9, $0x3  }
0x1b: {  	s31 =	sadd.s32 $0xFFFFFFFF, s12;
	s18 =	sand.u32 @!p0 $0x400, s16;
	s17 =	sand.u32 @!p0 $0x400, s17  }
0x1c: {  	s19 =	sxor.u32 @!p0 $0xFFFFFFFF, s12;
	s16 =	sand.u32 @!p0 $0x380, s16;
	s17 =	sadd.s32 @!p0 s18, s17  }
0x1d: {  	s18 =	sshrl.u32 @!p0 s9, $0x3;
	s16 =	sor.u32 @!p0 s16, s17;
	s17 =	sshll.u32 @!p0 s11, $0x8  }
0x1e: {  	s19 =	sshll.u32 @!p0 s19, $0xE;
	s18 =	sand.u32 @!p0 $0xF, s18;
	s17 =	sadd.s32 @!p0 s3, s17  }
0x1f: {  	s16 =	sshrl.u32 @!p0 s16, $0x3;
	s17 =	sadd.s32 @!p0 s18, s17;
	s18 =	sand.u32 @!p0 $0x7, s9  }
0x20: {  	s19 =	sand.u32 @!p0 $0x4000, s19;
	s16 =	sand.u32 @!p0 $0xF0, s16;
	s18 =	sshll.u32 @!p0 s18, $0x12  }
0x21: {  	s16 =	sadd.s32 @!p0 s16, s17;
	s17 =	sor.u32 @!p0 $0x8, s18;
	s18 =	simm.s32 @!p0 $0x80  }
0x22: {  	[tilespmem:s19], [sflag:$0x1] =	stream.strided.gather @!p0 [hbm4b:s16+s17], $0x4000, s18, s17, $0x38;
	[tilespmem:$0x10100] =	vst v63  }
0x23: {  	p0 =	sge.u32 s31, s6  }
.Ltmp2:
0x24: {  	_ = 	snop;
	(pc) =	sbr.rel @p0 .LBB1_7-.Ltmp2, $1  }
0x25: {  	_ =	sdelay $0x3  }
0x26: {  	s16 =	sand.u32 $0x1, s12  }
0x27: {  	_ =	swait.ge [sflag:s5], $0x4000;
	s17 =	smul.u32 $0x10200, s16  }
0x28: {  	[sflag:s5] =	ssyncset.done $0x0  }
0x29: {  	[sflag:s5] =	ssyncadd.s32 $0xFFFFC000;
	s18 =	sshrl.u32 s17, $0x2  }
0x2a: {  	s17 =	sshll.u32 s16, $0xE;
	s16 =	sor.u32 $0x8000, s18;
	s18 =	simm.s32 $0x0  }
.LBB1_3:
0x2b: {  	s19 =	sshll.u32 s18, $0x7  }
0x2c: {  	s19 =	sand.u32 $0x3FFFFF80, s19  }
0x2d: {  	s19 =	sadd.s32 s19, s17  }
0x2e: {  	v0 =	vmov s19;
	_ =	sdelay $0x1  }
0x2f: {  	p0 =	por $0x1, $0x1;
	s19 =	simm.s32 $0x0  }
.LBB1_4:
0x30: {  	s20 =	sshll.u32 s19, $0x3  }
0x31: {  	s20 =	sand.u32 $0x3FFFFFF8, s20  }
0x32: {  	s31 =	smul.u32 $0x1020, s19;
	v1 =	vld.idx.msk [tilespmem:v0+s20+$0x0 ss:$0x1], $0xff;
	_ =	sdelay $0x1  }
0x33: {  	s19 =	sshra.s32 s31, $0x2  }
0x34: {  	s19 =	sadd.s32 s19, s16  }
0x35: {  	s19 =	sadd.s32 s18, s19  }
0x36: {  	[tilespmem:s19+$0x0 ss:$0x81] =	vst.msk $0xff, v1  }
0x37: {  	v1 =	vld.idx.msk [tilespmem:v0+s20+$0x8 ss:$0x1], $0xff;
	_ =	sdelay $0x4  }
0x38: {  	[tilespmem:s19+$0x408 ss:$0x81] =	vst.msk $0xff, v1  }
0x39: {  	v1 =	vld.idx.msk [tilespmem:v0+s20+$0x10 ss:$0x1], $0xff;
	_ =	sdelay $0x4  }
0x3a: {  	[tilespmem:s19+$0x810 ss:$0x81] =	vst.msk $0xff, v1  }
0x3b: {  	v1 =	vld.idx.msk [tilespmem:v0+s20+$0x18 ss:$0x1], $0xff;
	_ =	sdelay $0x4  }
0x3c: {  	[tilespmem:s19+$0xC18 ss:$0x81] =	vst.msk $0xff, v1  }
0x3d: {  	v1 =	vld.idx.msk [tilespmem:v0+s20+$0x20 ss:$0x1], $0xff;
	_ =	sdelay $0x4  }
0x3e: {  	[tilespmem:s19+$0x1020 ss:$0x81] =	vst.msk $0xff, v1  }
0x3f: {  	v1 =	vld.idx.msk [tilespmem:v0+s20+$0x28 ss:$0x1], $0xff;
	_ =	sdelay $0x4  }
0x40: {  	[tilespmem:s19+$0x1428 ss:$0x81] =	vst.msk $0xff, v1  }
0x41: {  	v1 =	vld.idx.msk [tilespmem:v0+s20+$0x30 ss:$0x1], $0xff;
	_ =	sdelay $0x4  }
0x42: {  	[tilespmem:s19+$0x1830 ss:$0x81] =	vst.msk $0xff, v1  }
0x43: {  	p1 =	por p0, p0;
	v1 =	vld.idx.msk [tilespmem:v0+s20+$0x38 ss:$0x1], $0xff  }
.Ltmp3:
0x44: {  	_ = 	snop;
	(pc) =	sbr.rel @p1 .LBB1_4-.Ltmp3, $2  }
0x45: {  	_ =	sdelay $0x2  }
0x46: {  	p0 =	por $0x0, $0x0;
	[tilespmem:s19+$0x1C38 ss:$0x81] =	vst.msk $0xff, v1;
	s19 =	simm.s32 $0x8  }
0x47: {  	s18 =	sadd.s32 $0x1, s18  }
0x48: {  	p0 =	sne.s32 s18, $0x80  }
.Ltmp4:
0x49: {  	_ = 	snop;
	(pc) =	sbr.rel @p0 .LBB1_3-.Ltmp4, $1  }
0x4a: {  	_ =	sdelay $0x3  }
0x4b: {  	s17 =	sshll.u32 s15, $0xE;
	s18 =	sand.u32 $0x78, s13  }
0x4c: {  	s19 =	sshll.u32 s13, $0x3;
	s30 =	sshll.u32 s15, $0x7;
	s14 =	sshll.u32 s14, $0x10  }
0x4d: {  	s31 =	sand.u32 $0x7, s13;
	s17 =	sand.u32 $0x60000, s17;
	s20 =	sand.u32 $0x7FC00, s19  }
0x4e: {  	s19 =	sand.u32 $0x3C00, s19;
	s15 =	sand.u32 $0x380, s30;
	s17 =	sadd.s32 s20, s17  }
.Ltmp5:
0x4f: {  	s18 =	sor.u32 s18, s19;
	s17 =	sshrl.u32 s17, $0x3;
	(pc) =	sbr.rel .LBB1_7-.Ltmp5, $4  }
0x50: {  	s14 =	sadd.s32 s4, s14;
	s15 =	sor.u32 s15, s18;
	s17 =	sand.u32 $0xF800, s17  }
0x51: {  	s13 =	sshll.u32 s31, $0x12;
	s15 =	sshrl.u32 s15, $0x3;
	s14 =	sadd.s32 s17, s14  }
0x52: {  	s13 =	sor.u32 $0x400, s13;
	s14 =	sadd.s32 s15, s14  }
0x53: {  	[hbm4b:s14+s13] =	stream.strided.scatter [tilespmem:s16], [sflag:$0x2], $0x4000, s8, s13, $0x20;
	[tilespmem:$0x10100] =	vst v63  }
.LBB1_8:
0x54: {  	_ =	sfence.sel $0x180000  }
0x55: {  	s2 =	simm.s32 $0x1;
	[bflag:$0x0] =	sbarrier.arrive $0xFFFF  }
0x56: {  	s31 =	simm.s32 $0x2;
	[sflag:s2] =	ssyncpa.u1 $0x1  }
0x57: {  	[sflag:s31] =	ssyncpa.u1 $0x1  }
0x58: {  	p0 =	sne.s32 s0, $0x0;
	_ =	strace $0x90000056  }
0x59: {  	s0 =	sadd.s32 @!p0 $0x100000, s1;
	[bflag:$0x2] =	sbarrier.arrive $0xFFFF  }
0x5a: {  	[sflag:s0] =	ssyncadd.tile.s32 @!p0 $0x1;
	_ =	shalt  }
.Lfunc_end1:
_tile_overlayer_lowered:
.L_overlay_start_2:
0x5b: {  	(tag) =	ssettag $0x2  }
0x5c: {  	s0 =	rddreg [dreg:$0x0];
	s2 =	stileid.u32  }
0x5d: {  	s1 =	rddreg [dreg:$0x1];
	p0 =	sne.s32 s2, $0x0  }
0x5e: {  	s3 =	rddreg [dreg:$0x2];
	[bflag:$0x3] =	sbarrier.arrive $0xFFFF;
	s2 =	simm.s32 @!p0 $0x1C01  }
0x5f: {  	[timem:s3], [sflag:s2] =	dma.local @!p0 [hbm:s0], s1  }
0x60: {  	s0 =	simm.s32 @!p0 $0x1  }
0x61: {  	_ =	swait.ge @!p0 [sflag:s0], s1  }
0x62: {  	s1 =	ssub.s32 @!p0 $0x0, s1;
	[sflag:s0] =	ssyncset.done @!p0 $0x0  }
0x63: {  	[sflag:s0] =	ssyncadd.s32 @!p0 s1  }
0x64: {  	[bflag:$0x3] =	sbarrier.arrive $0xFFFF  }
0x65: {  	_ =	shalt  }

</sc_bundles>
